<compile_context>
chip_gen: v7x
topology: tpu7x:2x2x1
jax: 0.10.2.dev20260603
libtpu: 0.0.44.dev20260713+nightly
codegen_flags: <defaults>
</compile_context>

<pallas_src>
import functools

import jax
import jax.numpy as jnp
from jax import lax
from jax.experimental import pallas as pl
from jax.experimental.pallas import tpu as pltpu
from jax.experimental.pallas import tpu_sc as plsc

B = 16384
F = 26
V = 100000
D = 16

_INFO = plsc.get_sparse_core_info()
NC = _INFO.num_cores
NS = _INFO.num_subcores
L = _INFO.num_lanes
NW = NC * NS

VB = 1408
VMAIN = V - (V % 128)
NSLAB = F * (VMAIN // VB)
WPF = 12504
VPAD = WPF * 128 // D

RW = B // NW
RC = 128
NCH = RW // RC
CN = RC * F

_mesh = plsc.VectorSubcoreMesh(core_axis_name="c", subcore_axis_name="s")


@functools.partial(
    pl.kernel,
    mesh=_mesh,
    out_type=jax.ShapeDtypeStruct((F, WPF, 128), jnp.float32),
    scratch_types=[
        pltpu.VMEM((D, VB), jnp.float32),
        pltpu.VMEM((D, VB), jnp.float32),
        pltpu.VMEM((VB * D // 128, 128), jnp.float32),
        pltpu.VMEM((VB * D // 128, 128), jnp.float32),
        pltpu.VMEM((8, 128), jnp.float32),
        pltpu.SemaphoreType.DMA,
        pltpu.SemaphoreType.DMA,
        pltpu.SemaphoreType.DMA,
        pltpu.SemaphoreType.DMA,
    ],
    compiler_params=pltpu.CompilerParams(
        use_tc_tiling_on_sc=True, needs_layout_passes=False
    ),
)
def _transpose_table(
    tdv_hbm, tail_hbm, w_hbm,
    slab0_v, slab1_v, tslab0_v, tslab1_v, tail_v,
    isem0, isem1, osem0, osem1,
):
    wid = lax.axis_index("s") * NC + lax.axis_index("c")
    lane = lax.iota(jnp.int32, L)
    row_base = lane // 8
    col_bases = [(lane % 8) * D + d for d in range(D)]

    slabs = (slab0_v, slab1_v)
    tslabs = (tslab0_v, tslab1_v)
    isems = (isem0, isem1)
    osems = (osem0, osem1)
    wr_len = VB * D // 128

    def issue_in(k, j):
        sid = wid + NW * k

        @pl.when(sid < NSLAB)
        def _():
            fi = sid // (VMAIN // VB)
            v0 = pl.multiple_of((sid % (VMAIN // VB)) * VB, 128)
            pltpu.async_copy(tdv_hbm.at[fi, :, pl.ds(v0, VB)], slabs[j], isems[j])

    def do_slab(k, j, drain_out):
        sid = wid + NW * k
        slab_v, tslab_v = slabs[j], tslabs[j]

        @pl.when(sid < NSLAB)
        def _():
            issue_in(k + 1, 1 - j)

            pltpu.make_async_copy(
                tdv_hbm.at[0, :, pl.ds(0, VB)], slab_v, isems[j]
            ).wait()

            if drain_out:
                pltpu.make_async_copy(
                    w_hbm.at[0, pl.ds(0, wr_len)], tslab_v, osems[j]
                ).wait()

            @plsc.parallel_loop(0, VB // L, 1)
            def chunk_body(c):
                rows = row_base + c * 2
                c16 = c * L
                for d in range(D):
                    x = slab_v[d, pl.ds(c16, L)]
                    plsc.store_scatter(tslab_v, [rows, col_bases[d]], x)

            fi = sid // (VMAIN // VB)
            v0 = pl.multiple_of((sid % (VMAIN // VB)) * VB, 128)
            wr0 = pl.multiple_of(v0 * D // 128, 8)
            pltpu.async_copy(tslab_v, w_hbm.at[fi, pl.ds(wr0, wr_len)], osems[j])

    issue_in(0, 0)
    do_slab(0, 0, False)
    do_slab(1, 1, False)

    def slab_pair_body(k2, _):
        for j in range(2):
            do_slab(k2 * 2 + j, j, True)
        return ()

    npairs = ((NSLAB + NW - 1) // NW + 1) // 2
    lax.fori_loop(1, npairs, slab_pair_body, ())

    for j in range(2):
        pltpu.make_async_copy(
            w_hbm.at[0, pl.ds(0, wr_len)], tslabs[j], osems[j]
        ).wait()

    @pl.when(wid == 0)
    def _():
        def tail_body(fi, _):
            pltpu.sync_copy(tail_hbm.at[fi], tail_v)
            pltpu.sync_copy(tail_v, w_hbm.at[fi, pl.ds(VMAIN * D // 128, 8)])
            return ()

        lax.fori_loop(0, F, tail_body, ())


@functools.partial(
    pl.kernel,
    mesh=_mesh,
    out_type=jax.ShapeDtypeStruct((B * F, D), jnp.float32),
    scratch_types=[
        pltpu.VMEM((RC, F), jnp.int32),
        pltpu.VMEM((CN,), jnp.int32),
        pltpu.VMEM((CN, D), jnp.float32),
        pltpu.SemaphoreType.DMA,
    ],
    compiler_params=pltpu.CompilerParams(
        use_tc_tiling_on_sc=False, needs_layout_passes=False
    ),
)
def _gather_rows(table_hbm, idx_hbm, out_hbm, idx_v, ids_v, rows_v, sem):
    wid = lax.axis_index("s") * NC + lax.axis_index("c")
    row0 = wid * RW

    off_lo = lax.iota(jnp.int32, L) * VPAD
    off_hi = (lax.iota(jnp.int32, L) + (F - L)) * VPAD

    def chunk_body(i, _):
        b0 = row0 + i * RC
        pltpu.sync_copy(idx_hbm.at[pl.ds(b0, RC), :], idx_v)

        def row_body(r, _):
            ids_v[pl.ds(r * F, L)] = idx_v[r, pl.ds(0, L)] + off_lo
            ids_v[pl.ds(r * F + (F - L), L)] = idx_v[r, pl.ds(F - L, L)] + off_hi
            return ()

        lax.fori_loop(0, RC, row_body, ())

        pltpu.async_copy(table_hbm.at[ids_v], rows_v, sem).wait()
        pltpu.sync_copy(rows_v, out_hbm.at[pl.ds(b0 * F, CN)])
        return ()

    lax.fori_loop(0, NCH, chunk_body, ())


def kernel(indices, tables):
    tdv = tables.transpose(0, 2, 1)
    tail = jnp.concatenate(
        [
            tables[:, VMAIN:, :].reshape(F, 4, 128),
            jnp.zeros((F, 4, 128), jnp.float32),
        ],
        axis=1,
    )
    w = _transpose_table(tdv, tail)
    out = _gather_rows(w.reshape(F * VPAD, D), indices)
    return out.reshape(B, F * D)

# --- scband reference (transcript-rebuilt; emitter-appended) ---
"""Pipeline reference for scband-base-features-layer-4337916969001 (READ-ONLY COPY).

The authoritative reference and input builder live on the scoring server;
editing this copy changes nothing except your own understanding.
"""

import jax, jax.numpy as jnp
import numpy as np

B = 16384
F = 26
V = 100000
D = 16

def setup_inputs(seed: int = 0) -> dict:
    key = jax.random.key(seed)
    k_idx, k_tab = jax.random.split(key)
    indices = jax.random.randint(k_idx, (B, F), 0, V, dtype=jnp.int32)
    # Learned state: one embedding table per feature column, stacked into [F, V, D].
    tables = jax.random.normal(k_tab, (F, V, D), dtype=jnp.float32) * 0.01
    return {"indices": indices, "tables": tables}

def reference(indices, tables):
    # DenseFeatures semantics: for each embedding feature column f, look up
    # tables[f][indices[:, f]] -> [B, D], reshape per-column dense tensors to
    # [B, D] (_process_dense_tensor) and concat along last axis
    # (_verify_and_concat_tensors) -> [B, F*D].
    f_ids = jnp.arange(F, dtype=indices.dtype)[None, :]  # [1, F]
    emb = tables[f_ids, indices]  # gather -> [B, F, D]
    out = emb.reshape(indices.shape[0], F * D)  # concat along -1
    return out

if __name__ == "__main__":
    import jax
    _d = setup_inputs()
    print(jax.jit(kernel)(*tuple(_d.values())))

</pallas_src>

<mosaic_0001>
#map = affine_map<(d0, d1) -> (0, 0, 0)>
module attributes {stable_mosaic.version = 14 : i64} {
  func.func @_transpose_table(%arg0: i32, %arg1: i32, %arg2: memref<26x16x100000xf32, #tpu.memory_space<hbm>>, %arg3: memref<26x8x128xf32, #tpu.memory_space<hbm>>, %arg4: memref<26x12504x128xf32, #tpu.memory_space<hbm>>, %arg5: memref<16x1408xf32, #tpu.memory_space<vmem>>, %arg6: memref<16x1408xf32, #tpu.memory_space<vmem>>, %arg7: memref<176x128xf32, #tpu.memory_space<vmem>>, %arg8: memref<176x128xf32, #tpu.memory_space<vmem>>, %arg9: memref<8x128xf32, #tpu.memory_space<vmem>>, %arg10: memref<!tpu.dma_semaphore, #tpu.memory_space<semaphore_mem>>, %arg11: memref<!tpu.dma_semaphore, #tpu.memory_space<semaphore_mem>>, %arg12: memref<!tpu.dma_semaphore, #tpu.memory_space<semaphore_mem>>, %arg13: memref<!tpu.dma_semaphore, #tpu.memory_space<semaphore_mem>>) attributes {dimension_semantics = [#tpu.dimension_semantics<core_parallel>, #tpu.dimension_semantics<subcore_parallel>], iteration_bounds = array<i64: 2, 16>, scalar_prefetch = 0 : i64, scratch_operands = 9 : i64, tpu.core_type = #tpu.core_type<sc_vector_subcore>, window_params = [{transform_indices = #map}, {transform_indices = #map}, {transform_indices = #map}]} {
    %mul3A = arith.constant 2 : i32
    %mul3A_0 = arith.muli %arg1, %mul3A : i32
    %add3A = arith.addi %mul3A_0, %arg0 : i32
    %iota3A = tpu.iota {dimensions = array<i32: 0>} : vector<16xi32>
    %jit3A = arith.constant 8 : i32
    %div3A = vector.broadcast %jit3A : i32 to vector<16xi32>
    %div3A_1 = arith.divsi %iota3A, %div3A : vector<16xi32>
    %sign3A = arith.constant 0 : i32
    %sign3A_2 = vector.broadcast %sign3A : i32 to vector<16xi32>
    %sign3A_3 = arith.cmpi sgt, %iota3A, %sign3A_2 : vector<16xi32>
    %sign3A_4 = arith.extui %sign3A_3 : vector<16xi1> to vector<16xi32>
    %sign3A_5 = arith.constant 0 : i32
    %sign3A_6 = vector.broadcast %sign3A_5 : i32 to vector<16xi32>
    %sign3A_7 = arith.cmpi slt, %iota3A, %sign3A_6 : vector<16xi32>
    %sign3A_8 = arith.extui %sign3A_7 : vector<16xi1> to vector<16xi32>
    %sign3A_9 = arith.subi %sign3A_4, %sign3A_8 : vector<16xi32>
    %sign3A_10 = arith.constant 0 : i32
    %sign3A_11 = arith.cmpi sgt, %jit3A, %sign3A_10 : i32
    %sign3A_12 = arith.extui %sign3A_11 : i1 to i32
    %sign3A_13 = arith.constant 0 : i32
    %sign3A_14 = arith.cmpi slt, %jit3A, %sign3A_13 : i32
    %sign3A_15 = arith.extui %sign3A_14 : i1 to i32
    %sign3A_16 = arith.subi %sign3A_12, %sign3A_15 : i32
    %ne3A = vector.broadcast %sign3A_16 : i32 to vector<16xi32>
    %ne3A_17 = arith.cmpi ne, %sign3A_9, %ne3A : vector<16xi32>
    %rem3A = vector.broadcast %jit3A : i32 to vector<16xi32>
    %rem3A_18 = arith.remsi %iota3A, %rem3A : vector<16xi32>
    %ne3A_19 = arith.constant 0 : i32
    %ne3A_20 = vector.broadcast %ne3A_19 : i32 to vector<16xi32>
    %ne3A_21 = arith.cmpi ne, %rem3A_18, %ne3A_20 : vector<16xi32>
    %and3A = arith.andi %ne3A_17, %ne3A_21 : vector<16xi1>
    %sub3A = arith.constant 1 : i32
    %sub3A_22 = vector.broadcast %sub3A : i32 to vector<16xi32>
    %sub3A_23 = arith.subi %div3A_1, %sub3A_22 : vector<16xi32>
    %select_n3A = arith.select %and3A, %sub3A_23, %div3A_1 : vector<16xi1>, vector<16xi32>
    %jit3A_24 = arith.constant 8 : i32
    %eq3A = arith.constant 0 : i32
    %eq3A_25 = arith.cmpi eq, %jit3A_24, %eq3A : i32
    %jit3A_26 = arith.constant 1 : i32
    %select_n3A_27 = arith.select %eq3A_25, %jit3A_26, %jit3A_24 : i32
    %rem3A_28 = vector.broadcast %select_n3A_27 : i32 to vector<16xi32>
    %rem3A_29 = arith.remsi %iota3A, %rem3A_28 : vector<16xi32>
    %ne3A_30 = arith.constant 0 : i32
    %ne3A_31 = vector.broadcast %ne3A_30 : i32 to vector<16xi32>
    %ne3A_32 = arith.cmpi ne, %rem3A_29, %ne3A_31 : vector<16xi32>
    %lt3A = arith.constant 0 : i32
    %lt3A_33 = vector.broadcast %lt3A : i32 to vector<16xi32>
    %lt3A_34 = arith.cmpi slt, %rem3A_29, %lt3A_33 : vector<16xi32>
    %lt3A_35 = arith.constant 0 : i32
    %lt3A_36 = arith.cmpi slt, %select_n3A_27, %lt3A_35 : i32
    %ne3A_37 = vector.broadcast %lt3A_36 : i1 to vector<16xi1>
    %ne3A_38 = vector.broadcast %ne3A_37 : vector<16xi1> to vector<16xi1>
    %ne3A_39 = arith.xori %lt3A_34, %ne3A_38 : vector<16xi1>
    %and3A_40 = arith.andi %ne3A_39, %ne3A_32 : vector<16xi1>
    %add3A_41 = vector.broadcast %select_n3A_27 : i32 to vector<16xi32>
    %add3A_42 = arith.addi %rem3A_29, %add3A_41 : vector<16xi32>
    %select_n3A_43 = arith.select %and3A_40, %add3A_42, %rem3A_29 : vector<16xi1>, vector<16xi32>
    %mul3A_44 = arith.constant 16 : i32
    %mul3A_45 = vector.broadcast %mul3A_44 : i32 to vector<16xi32>
    %mul3A_46 = arith.muli %select_n3A_43, %mul3A_45 : vector<16xi32>
    %add3A_47 = arith.constant 0 : i32
    %add3A_48 = vector.broadcast %add3A_47 : i32 to vector<16xi32>
    %add3A_49 = arith.addi %mul3A_46, %add3A_48 : vector<16xi32>
    %jit3A_50 = arith.constant 8 : i32
    %eq3A_51 = arith.constant 0 : i32
    %eq3A_52 = arith.cmpi eq, %jit3A_50, %eq3A_51 : i32
    %jit3A_53 = arith.constant 1 : i32
    %select_n3A_54 = arith.select %eq3A_52, %jit3A_53, %jit3A_50 : i32
    %rem3A_55 = vector.broadcast %select_n3A_54 : i32 to vector<16xi32>
    %rem3A_56 = arith.remsi %iota3A, %rem3A_55 : vector<16xi32>
    %ne3A_57 = arith.constant 0 : i32
    %ne3A_58 = vector.broadcast %ne3A_57 : i32 to vector<16xi32>
    %ne3A_59 = arith.cmpi ne, %rem3A_56, %ne3A_58 : vector<16xi32>
    %lt3A_60 = arith.constant 0 : i32
    %lt3A_61 = vector.broadcast %lt3A_60 : i32 to vector<16xi32>
    %lt3A_62 = arith.cmpi slt, %rem3A_56, %lt3A_61 : vector<16xi32>
    %lt3A_63 = arith.constant 0 : i32
    %lt3A_64 = arith.cmpi slt, %select_n3A_54, %lt3A_63 : i32
    %ne3A_65 = vector.broadcast %lt3A_64 : i1 to vector<16xi1>
    %ne3A_66 = vector.broadcast %ne3A_65 : vector<16xi1> to vector<16xi1>
    %ne3A_67 = arith.xori %lt3A_62, %ne3A_66 : vector<16xi1>
    %and3A_68 = arith.andi %ne3A_67, %ne3A_59 : vector<16xi1>
    %add3A_69 = vector.broadcast %select_n3A_54 : i32 to vector<16xi32>
    %add3A_70 = arith.addi %rem3A_56, %add3A_69 : vector<16xi32>
    %select_n3A_71 = arith.select %and3A_68, %add3A_70, %rem3A_56 : vector<16xi1>, vector<16xi32>
    %mul3A_72 = arith.constant 16 : i32
    %mul3A_73 = vector.broadcast %mul3A_72 : i32 to vector<16xi32>
    %mul3A_74 = arith.muli %select_n3A_71, %mul3A_73 : vector<16xi32>
    %add3A_75 = arith.constant 1 : i32
    %add3A_76 = vector.broadcast %add3A_75 : i32 to vector<16xi32>
    %add3A_77 = arith.addi %mul3A_74, %add3A_76 : vector<16xi32>
    %jit3A_78 = arith.constant 8 : i32
    %eq3A_79 = arith.constant 0 : i32
    %eq3A_80 = arith.cmpi eq, %jit3A_78, %eq3A_79 : i32
    %jit3A_81 = arith.constant 1 : i32
    %select_n3A_82 = arith.select %eq3A_80, %jit3A_81, %jit3A_78 : i32
    %rem3A_83 = vector.broadcast %select_n3A_82 : i32 to vector<16xi32>
    %rem3A_84 = arith.remsi %iota3A, %rem3A_83 : vector<16xi32>
    %ne3A_85 = arith.constant 0 : i32
    %ne3A_86 = vector.broadcast %ne3A_85 : i32 to vector<16xi32>
    %ne3A_87 = arith.cmpi ne, %rem3A_84, %ne3A_86 : vector<16xi32>
    %lt3A_88 = arith.constant 0 : i32
    %lt3A_89 = vector.broadcast %lt3A_88 : i32 to vector<16xi32>
    %lt3A_90 = arith.cmpi slt, %rem3A_84, %lt3A_89 : vector<16xi32>
    %lt3A_91 = arith.constant 0 : i32
    %lt3A_92 = arith.cmpi slt, %select_n3A_82, %lt3A_91 : i32
    %ne3A_93 = vector.broadcast %lt3A_92 : i1 to vector<16xi1>
    %ne3A_94 = vector.broadcast %ne3A_93 : vector<16xi1> to vector<16xi1>
    %ne3A_95 = arith.xori %lt3A_90, %ne3A_94 : vector<16xi1>
    %and3A_96 = arith.andi %ne3A_95, %ne3A_87 : vector<16xi1>
    %add3A_97 = vector.broadcast %select_n3A_82 : i32 to vector<16xi32>
    %add3A_98 = arith.addi %rem3A_84, %add3A_97 : vector<16xi32>
    %select_n3A_99 = arith.select %and3A_96, %add3A_98, %rem3A_84 : vector<16xi1>, vector<16xi32>
    %mul3A_100 = arith.constant 16 : i32
    %mul3A_101 = vector.broadcast %mul3A_100 : i32 to vector<16xi32>
    %mul3A_102 = arith.muli %select_n3A_99, %mul3A_101 : vector<16xi32>
    %add3A_103 = arith.constant 2 : i32
    %add3A_104 = vector.broadcast %add3A_103 : i32 to vector<16xi32>
    %add3A_105 = arith.addi %mul3A_102, %add3A_104 : vector<16xi32>
    %jit3A_106 = arith.constant 8 : i32
    %eq3A_107 = arith.constant 0 : i32
    %eq3A_108 = arith.cmpi eq, %jit3A_106, %eq3A_107 : i32
    %jit3A_109 = arith.constant 1 : i32
    %select_n3A_110 = arith.select %eq3A_108, %jit3A_109, %jit3A_106 : i32
    %rem3A_111 = vector.broadcast %select_n3A_110 : i32 to vector<16xi32>
    %rem3A_112 = arith.remsi %iota3A, %rem3A_111 : vector<16xi32>
    %ne3A_113 = arith.constant 0 : i32
    %ne3A_114 = vector.broadcast %ne3A_113 : i32 to vector<16xi32>
    %ne3A_115 = arith.cmpi ne, %rem3A_112, %ne3A_114 : vector<16xi32>
    %lt3A_116 = arith.constant 0 : i32
    %lt3A_117 = vector.broadcast %lt3A_116 : i32 to vector<16xi32>
    %lt3A_118 = arith.cmpi slt, %rem3A_112, %lt3A_117 : vector<16xi32>
    %lt3A_119 = arith.constant 0 : i32
    %lt3A_120 = arith.cmpi slt, %select_n3A_110, %lt3A_119 : i32
    %ne3A_121 = vector.broadcast %lt3A_120 : i1 to vector<16xi1>
    %ne3A_122 = vector.broadcast %ne3A_121 : vector<16xi1> to vector<16xi1>
    %ne3A_123 = arith.xori %lt3A_118, %ne3A_122 : vector<16xi1>
    %and3A_124 = arith.andi %ne3A_123, %ne3A_115 : vector<16xi1>
    %add3A_125 = vector.broadcast %select_n3A_110 : i32 to vector<16xi32>
    %add3A_126 = arith.addi %rem3A_112, %add3A_125 : vector<16xi32>
    %select_n3A_127 = arith.select %and3A_124, %add3A_126, %rem3A_112 : vector<16xi1>, vector<16xi32>
    %mul3A_128 = arith.constant 16 : i32
    %mul3A_129 = vector.broadcast %mul3A_128 : i32 to vector<16xi32>
    %mul3A_130 = arith.muli %select_n3A_127, %mul3A_129 : vector<16xi32>
    %add3A_131 = arith.constant 3 : i32
    %add3A_132 = vector.broadcast %add3A_131 : i32 to vector<16xi32>
    %add3A_133 = arith.addi %mul3A_130, %add3A_132 : vector<16xi32>
    %jit3A_134 = arith.constant 8 : i32
    %eq3A_135 = arith.constant 0 : i32
    %eq3A_136 = arith.cmpi eq, %jit3A_134, %eq3A_135 : i32
    %jit3A_137 = arith.constant 1 : i32
    %select_n3A_138 = arith.select %eq3A_136, %jit3A_137, %jit3A_134 : i32
    %rem3A_139 = vector.broadcast %select_n3A_138 : i32 to vector<16xi32>
    %rem3A_140 = arith.remsi %iota3A, %rem3A_139 : vector<16xi32>
    %ne3A_141 = arith.constant 0 : i32
    %ne3A_142 = vector.broadcast %ne3A_141 : i32 to vector<16xi32>
    %ne3A_143 = arith.cmpi ne, %rem3A_140, %ne3A_142 : vector<16xi32>
    %lt3A_144 = arith.constant 0 : i32
    %lt3A_145 = vector.broadcast %lt3A_144 : i32 to vector<16xi32>
    %lt3A_146 = arith.cmpi slt, %rem3A_140, %lt3A_145 : vector<16xi32>
    %lt3A_147 = arith.constant 0 : i32
    %lt3A_148 = arith.cmpi slt, %select_n3A_138, %lt3A_147 : i32
    %ne3A_149 = vector.broadcast %lt3A_148 : i1 to vector<16xi1>
    %ne3A_150 = vector.broadcast %ne3A_149 : vector<16xi1> to vector<16xi1>
    %ne3A_151 = arith.xori %lt3A_146, %ne3A_150 : vector<16xi1>
    %and3A_152 = arith.andi %ne3A_151, %ne3A_143 : vector<16xi1>
    %add3A_153 = vector.broadcast %select_n3A_138 : i32 to vector<16xi32>
    %add3A_154 = arith.addi %rem3A_140, %add3A_153 : vector<16xi32>
    %select_n3A_155 = arith.select %and3A_152, %add3A_154, %rem3A_140 : vector<16xi1>, vector<16xi32>
    %mul3A_156 = arith.constant 16 : i32
    %mul3A_157 = vector.broadcast %mul3A_156 : i32 to vector<16xi32>
    %mul3A_158 = arith.muli %select_n3A_155, %mul3A_157 : vector<16xi32>
    %add3A_159 = arith.constant 4 : i32
    %add3A_160 = vector.broadcast %add3A_159 : i32 to vector<16xi32>
    %add3A_161 = arith.addi %mul3A_158, %add3A_160 : vector<16xi32>
    %jit3A_162 = arith.constant 8 : i32
    %eq3A_163 = arith.constant 0 : i32
    %eq3A_164 = arith.cmpi eq, %jit3A_162, %eq3A_163 : i32
    %jit3A_165 = arith.constant 1 : i32
    %select_n3A_166 = arith.select %eq3A_164, %jit3A_165, %jit3A_162 : i32
    %rem3A_167 = vector.broadcast %select_n3A_166 : i32 to vector<16xi32>
    %rem3A_168 = arith.remsi %iota3A, %rem3A_167 : vector<16xi32>
    %ne3A_169 = arith.constant 0 : i32
    %ne3A_170 = vector.broadcast %ne3A_169 : i32 to vector<16xi32>
    %ne3A_171 = arith.cmpi ne, %rem3A_168, %ne3A_170 : vector<16xi32>
    %lt3A_172 = arith.constant 0 : i32
    %lt3A_173 = vector.broadcast %lt3A_172 : i32 to vector<16xi32>
    %lt3A_174 = arith.cmpi slt, %rem3A_168, %lt3A_173 : vector<16xi32>
    %lt3A_175 = arith.constant 0 : i32
    %lt3A_176 = arith.cmpi slt, %select_n3A_166, %lt3A_175 : i32
    %ne3A_177 = vector.broadcast %lt3A_176 : i1 to vector<16xi1>
    %ne3A_178 = vector.broadcast %ne3A_177 : vector<16xi1> to vector<16xi1>
    %ne3A_179 = arith.xori %lt3A_174, %ne3A_178 : vector<16xi1>
    %and3A_180 = arith.andi %ne3A_179, %ne3A_171 : vector<16xi1>
    %add3A_181 = vector.broadcast %select_n3A_166 : i32 to vector<16xi32>
    %add3A_182 = arith.addi %rem3A_168, %add3A_181 : vector<16xi32>
    %select_n3A_183 = arith.select %and3A_180, %add3A_182, %rem3A_168 : vector<16xi1>, vector<16xi32>
    %mul3A_184 = arith.constant 16 : i32
    %mul3A_185 = vector.broadcast %mul3A_184 : i32 to vector<16xi32>
    %mul3A_186 = arith.muli %select_n3A_183, %mul3A_185 : vector<16xi32>
    %add3A_187 = arith.constant 5 : i32
    %add3A_188 = vector.broadcast %add3A_187 : i32 to vector<16xi32>
    %add3A_189 = arith.addi %mul3A_186, %add3A_188 : vector<16xi32>
    %jit3A_190 = arith.constant 8 : i32
    %eq3A_191 = arith.constant 0 : i32
    %eq3A_192 = arith.cmpi eq, %jit3A_190, %eq3A_191 : i32
    %jit3A_193 = arith.constant 1 : i32
    %select_n3A_194 = arith.select %eq3A_192, %jit3A_193, %jit3A_190 : i32
    %rem3A_195 = vector.broadcast %select_n3A_194 : i32 to vector<16xi32>
    %rem3A_196 = arith.remsi %iota3A, %rem3A_195 : vector<16xi32>
    %ne3A_197 = arith.constant 0 : i32
    %ne3A_198 = vector.broadcast %ne3A_197 : i32 to vector<16xi32>
    %ne3A_199 = arith.cmpi ne, %rem3A_196, %ne3A_198 : vector<16xi32>
    %lt3A_200 = arith.constant 0 : i32
    %lt3A_201 = vector.broadcast %lt3A_200 : i32 to vector<16xi32>
    %lt3A_202 = arith.cmpi slt, %rem3A_196, %lt3A_201 : vector<16xi32>
    %lt3A_203 = arith.constant 0 : i32
    %lt3A_204 = arith.cmpi slt, %select_n3A_194, %lt3A_203 : i32
    %ne3A_205 = vector.broadcast %lt3A_204 : i1 to vector<16xi1>
    %ne3A_206 = vector.broadcast %ne3A_205 : vector<16xi1> to vector<16xi1>
    %ne3A_207 = arith.xori %lt3A_202, %ne3A_206 : vector<16xi1>
    %and3A_208 = arith.andi %ne3A_207, %ne3A_199 : vector<16xi1>
    %add3A_209 = vector.broadcast %select_n3A_194 : i32 to vector<16xi32>
    %add3A_210 = arith.addi %rem3A_196, %add3A_209 : vector<16xi32>
    %select_n3A_211 = arith.select %and3A_208, %add3A_210, %rem3A_196 : vector<16xi1>, vector<16xi32>
    %mul3A_212 = arith.constant 16 : i32
    %mul3A_213 = vector.broadcast %mul3A_212 : i32 to vector<16xi32>
    %mul3A_214 = arith.muli %select_n3A_211, %mul3A_213 : vector<16xi32>
    %add3A_215 = arith.constant 6 : i32
    %add3A_216 = vector.broadcast %add3A_215 : i32 to vector<16xi32>
    %add3A_217 = arith.addi %mul3A_214, %add3A_216 : vector<16xi32>
    %jit3A_218 = arith.constant 8 : i32
    %eq3A_219 = arith.constant 0 : i32
    %eq3A_220 = arith.cmpi eq, %jit3A_218, %eq3A_219 : i32
    %jit3A_221 = arith.constant 1 : i32
    %select_n3A_222 = arith.select %eq3A_220, %jit3A_221, %jit3A_218 : i32
    %rem3A_223 = vector.broadcast %select_n3A_222 : i32 to vector<16xi32>
    %rem3A_224 = arith.remsi %iota3A, %rem3A_223 : vector<16xi32>
    %ne3A_225 = arith.constant 0 : i32
    %ne3A_226 = vector.broadcast %ne3A_225 : i32 to vector<16xi32>
    %ne3A_227 = arith.cmpi ne, %rem3A_224, %ne3A_226 : vector<16xi32>
    %lt3A_228 = arith.constant 0 : i32
    %lt3A_229 = vector.broadcast %lt3A_228 : i32 to vector<16xi32>
    %lt3A_230 = arith.cmpi slt, %rem3A_224, %lt3A_229 : vector<16xi32>
    %lt3A_231 = arith.constant 0 : i32
    %lt3A_232 = arith.cmpi slt, %select_n3A_222, %lt3A_231 : i32
    %ne3A_233 = vector.broadcast %lt3A_232 : i1 to vector<16xi1>
    %ne3A_234 = vector.broadcast %ne3A_233 : vector<16xi1> to vector<16xi1>
    %ne3A_235 = arith.xori %lt3A_230, %ne3A_234 : vector<16xi1>
    %and3A_236 = arith.andi %ne3A_235, %ne3A_227 : vector<16xi1>
    %add3A_237 = vector.broadcast %select_n3A_222 : i32 to vector<16xi32>
    %add3A_238 = arith.addi %rem3A_224, %add3A_237 : vector<16xi32>
    %select_n3A_239 = arith.select %and3A_236, %add3A_238, %rem3A_224 : vector<16xi1>, vector<16xi32>
    %mul3A_240 = arith.constant 16 : i32
    %mul3A_241 = vector.broadcast %mul3A_240 : i32 to vector<16xi32>
    %mul3A_242 = arith.muli %select_n3A_239, %mul3A_241 : vector<16xi32>
    %add3A_243 = arith.constant 7 : i32
    %add3A_244 = vector.broadcast %add3A_243 : i32 to vector<16xi32>
    %add3A_245 = arith.addi %mul3A_242, %add3A_244 : vector<16xi32>
    %jit3A_246 = arith.constant 8 : i32
    %eq3A_247 = arith.constant 0 : i32
    %eq3A_248 = arith.cmpi eq, %jit3A_246, %eq3A_247 : i32
    %jit3A_249 = arith.constant 1 : i32
    %select_n3A_250 = arith.select %eq3A_248, %jit3A_249, %jit3A_246 : i32
    %rem3A_251 = vector.broadcast %select_n3A_250 : i32 to vector<16xi32>
    %rem3A_252 = arith.remsi %iota3A, %rem3A_251 : vector<16xi32>
    %ne3A_253 = arith.constant 0 : i32
    %ne3A_254 = vector.broadcast %ne3A_253 : i32 to vector<16xi32>
    %ne3A_255 = arith.cmpi ne, %rem3A_252, %ne3A_254 : vector<16xi32>
    %lt3A_256 = arith.constant 0 : i32
    %lt3A_257 = vector.broadcast %lt3A_256 : i32 to vector<16xi32>
    %lt3A_258 = arith.cmpi slt, %rem3A_252, %lt3A_257 : vector<16xi32>
    %lt3A_259 = arith.constant 0 : i32
    %lt3A_260 = arith.cmpi slt, %select_n3A_250, %lt3A_259 : i32
    %ne3A_261 = vector.broadcast %lt3A_260 : i1 to vector<16xi1>
    %ne3A_262 = vector.broadcast %ne3A_261 : vector<16xi1> to vector<16xi1>
    %ne3A_263 = arith.xori %lt3A_258, %ne3A_262 : vector<16xi1>
    %and3A_264 = arith.andi %ne3A_263, %ne3A_255 : vector<16xi1>
    %add3A_265 = vector.broadcast %select_n3A_250 : i32 to vector<16xi32>
    %add3A_266 = arith.addi %rem3A_252, %add3A_265 : vector<16xi32>
    %select_n3A_267 = arith.select %and3A_264, %add3A_266, %rem3A_252 : vector<16xi1>, vector<16xi32>
    %mul3A_268 = arith.constant 16 : i32
    %mul3A_269 = vector.broadcast %mul3A_268 : i32 to vector<16xi32>
    %mul3A_270 = arith.muli %select_n3A_267, %mul3A_269 : vector<16xi32>
    %add3A_271 = arith.constant 8 : i32
    %add3A_272 = vector.broadcast %add3A_271 : i32 to vector<16xi32>
    %add3A_273 = arith.addi %mul3A_270, %add3A_272 : vector<16xi32>
    %jit3A_274 = arith.constant 8 : i32
    %eq3A_275 = arith.constant 0 : i32
    %eq3A_276 = arith.cmpi eq, %jit3A_274, %eq3A_275 : i32
    %jit3A_277 = arith.constant 1 : i32
    %select_n3A_278 = arith.select %eq3A_276, %jit3A_277, %jit3A_274 : i32
    %rem3A_279 = vector.broadcast %select_n3A_278 : i32 to vector<16xi32>
    %rem3A_280 = arith.remsi %iota3A, %rem3A_279 : vector<16xi32>
    %ne3A_281 = arith.constant 0 : i32
    %ne3A_282 = vector.broadcast %ne3A_281 : i32 to vector<16xi32>
    %ne3A_283 = arith.cmpi ne, %rem3A_280, %ne3A_282 : vector<16xi32>
    %lt3A_284 = arith.constant 0 : i32
    %lt3A_285 = vector.broadcast %lt3A_284 : i32 to vector<16xi32>
    %lt3A_286 = arith.cmpi slt, %rem3A_280, %lt3A_285 : vector<16xi32>
    %lt3A_287 = arith.constant 0 : i32
    %lt3A_288 = arith.cmpi slt, %select_n3A_278, %lt3A_287 : i32
    %ne3A_289 = vector.broadcast %lt3A_288 : i1 to vector<16xi1>
    %ne3A_290 = vector.broadcast %ne3A_289 : vector<16xi1> to vector<16xi1>
    %ne3A_291 = arith.xori %lt3A_286, %ne3A_290 : vector<16xi1>
    %and3A_292 = arith.andi %ne3A_291, %ne3A_283 : vector<16xi1>
    %add3A_293 = vector.broadcast %select_n3A_278 : i32 to vector<16xi32>
    %add3A_294 = arith.addi %rem3A_280, %add3A_293 : vector<16xi32>
    %select_n3A_295 = arith.select %and3A_292, %add3A_294, %rem3A_280 : vector<16xi1>, vector<16xi32>
    %mul3A_296 = arith.constant 16 : i32
    %mul3A_297 = vector.broadcast %mul3A_296 : i32 to vector<16xi32>
    %mul3A_298 = arith.muli %select_n3A_295, %mul3A_297 : vector<16xi32>
    %add3A_299 = arith.constant 9 : i32
    %add3A_300 = vector.broadcast %add3A_299 : i32 to vector<16xi32>
    %add3A_301 = arith.addi %mul3A_298, %add3A_300 : vector<16xi32>
    %jit3A_302 = arith.constant 8 : i32
    %eq3A_303 = arith.constant 0 : i32
    %eq3A_304 = arith.cmpi eq, %jit3A_302, %eq3A_303 : i32
    %jit3A_305 = arith.constant 1 : i32
    %select_n3A_306 = arith.select %eq3A_304, %jit3A_305, %jit3A_302 : i32
    %rem3A_307 = vector.broadcast %select_n3A_306 : i32 to vector<16xi32>
    %rem3A_308 = arith.remsi %iota3A, %rem3A_307 : vector<16xi32>
    %ne3A_309 = arith.constant 0 : i32
    %ne3A_310 = vector.broadcast %ne3A_309 : i32 to vector<16xi32>
    %ne3A_311 = arith.cmpi ne, %rem3A_308, %ne3A_310 : vector<16xi32>
    %lt3A_312 = arith.constant 0 : i32
    %lt3A_313 = vector.broadcast %lt3A_312 : i32 to vector<16xi32>
    %lt3A_314 = arith.cmpi slt, %rem3A_308, %lt3A_313 : vector<16xi32>
    %lt3A_315 = arith.constant 0 : i32
    %lt3A_316 = arith.cmpi slt, %select_n3A_306, %lt3A_315 : i32
    %ne3A_317 = vector.broadcast %lt3A_316 : i1 to vector<16xi1>
    %ne3A_318 = vector.broadcast %ne3A_317 : vector<16xi1> to vector<16xi1>
    %ne3A_319 = arith.xori %lt3A_314, %ne3A_318 : vector<16xi1>
    %and3A_320 = arith.andi %ne3A_319, %ne3A_311 : vector<16xi1>
    %add3A_321 = vector.broadcast %select_n3A_306 : i32 to vector<16xi32>
    %add3A_322 = arith.addi %rem3A_308, %add3A_321 : vector<16xi32>
    %select_n3A_323 = arith.select %and3A_320, %add3A_322, %rem3A_308 : vector<16xi1>, vector<16xi32>
    %mul3A_324 = arith.constant 16 : i32
    %mul3A_325 = vector.broadcast %mul3A_324 : i32 to vector<16xi32>
    %mul3A_326 = arith.muli %select_n3A_323, %mul3A_325 : vector<16xi32>
    %add3A_327 = arith.constant 10 : i32
    %add3A_328 = vector.broadcast %add3A_327 : i32 to vector<16xi32>
    %add3A_329 = arith.addi %mul3A_326, %add3A_328 : vector<16xi32>
    %jit3A_330 = arith.constant 8 : i32
    %eq3A_331 = arith.constant 0 : i32
    %eq3A_332 = arith.cmpi eq, %jit3A_330, %eq3A_331 : i32
    %jit3A_333 = arith.constant 1 : i32
    %select_n3A_334 = arith.select %eq3A_332, %jit3A_333, %jit3A_330 : i32
    %rem3A_335 = vector.broadcast %select_n3A_334 : i32 to vector<16xi32>
    %rem3A_336 = arith.remsi %iota3A, %rem3A_335 : vector<16xi32>
    %ne3A_337 = arith.constant 0 : i32
    %ne3A_338 = vector.broadcast %ne3A_337 : i32 to vector<16xi32>
    %ne3A_339 = arith.cmpi ne, %rem3A_336, %ne3A_338 : vector<16xi32>
    %lt3A_340 = arith.constant 0 : i32
    %lt3A_341 = vector.broadcast %lt3A_340 : i32 to vector<16xi32>
    %lt3A_342 = arith.cmpi slt, %rem3A_336, %lt3A_341 : vector<16xi32>
    %lt3A_343 = arith.constant 0 : i32
    %lt3A_344 = arith.cmpi slt, %select_n3A_334, %lt3A_343 : i32
    %ne3A_345 = vector.broadcast %lt3A_344 : i1 to vector<16xi1>
    %ne3A_346 = vector.broadcast %ne3A_345 : vector<16xi1> to vector<16xi1>
    %ne3A_347 = arith.xori %lt3A_342, %ne3A_346 : vector<16xi1>
    %and3A_348 = arith.andi %ne3A_347, %ne3A_339 : vector<16xi1>
    %add3A_349 = vector.broadcast %select_n3A_334 : i32 to vector<16xi32>
    %add3A_350 = arith.addi %rem3A_336, %add3A_349 : vector<16xi32>
    %select_n3A_351 = arith.select %and3A_348, %add3A_350, %rem3A_336 : vector<16xi1>, vector<16xi32>
    %mul3A_352 = arith.constant 16 : i32
    %mul3A_353 = vector.broadcast %mul3A_352 : i32 to vector<16xi32>
    %mul3A_354 = arith.muli %select_n3A_351, %mul3A_353 : vector<16xi32>
    %add3A_355 = arith.constant 11 : i32
    %add3A_356 = vector.broadcast %add3A_355 : i32 to vector<16xi32>
    %add3A_357 = arith.addi %mul3A_354, %add3A_356 : vector<16xi32>
    %jit3A_358 = arith.constant 8 : i32
    %eq3A_359 = arith.constant 0 : i32
    %eq3A_360 = arith.cmpi eq, %jit3A_358, %eq3A_359 : i32
    %jit3A_361 = arith.constant 1 : i32
    %select_n3A_362 = arith.select %eq3A_360, %jit3A_361, %jit3A_358 : i32
    %rem3A_363 = vector.broadcast %select_n3A_362 : i32 to vector<16xi32>
    %rem3A_364 = arith.remsi %iota3A, %rem3A_363 : vector<16xi32>
    %ne3A_365 = arith.constant 0 : i32
    %ne3A_366 = vector.broadcast %ne3A_365 : i32 to vector<16xi32>
    %ne3A_367 = arith.cmpi ne, %rem3A_364, %ne3A_366 : vector<16xi32>
    %lt3A_368 = arith.constant 0 : i32
    %lt3A_369 = vector.broadcast %lt3A_368 : i32 to vector<16xi32>
    %lt3A_370 = arith.cmpi slt, %rem3A_364, %lt3A_369 : vector<16xi32>
    %lt3A_371 = arith.constant 0 : i32
    %lt3A_372 = arith.cmpi slt, %select_n3A_362, %lt3A_371 : i32
    %ne3A_373 = vector.broadcast %lt3A_372 : i1 to vector<16xi1>
    %ne3A_374 = vector.broadcast %ne3A_373 : vector<16xi1> to vector<16xi1>
    %ne3A_375 = arith.xori %lt3A_370, %ne3A_374 : vector<16xi1>
    %and3A_376 = arith.andi %ne3A_375, %ne3A_367 : vector<16xi1>
    %add3A_377 = vector.broadcast %select_n3A_362 : i32 to vector<16xi32>
    %add3A_378 = arith.addi %rem3A_364, %add3A_377 : vector<16xi32>
    %select_n3A_379 = arith.select %and3A_376, %add3A_378, %rem3A_364 : vector<16xi1>, vector<16xi32>
    %mul3A_380 = arith.constant 16 : i32
    %mul3A_381 = vector.broadcast %mul3A_380 : i32 to vector<16xi32>
    %mul3A_382 = arith.muli %select_n3A_379, %mul3A_381 : vector<16xi32>
    %add3A_383 = arith.constant 12 : i32
    %add3A_384 = vector.broadcast %add3A_383 : i32 to vector<16xi32>
    %add3A_385 = arith.addi %mul3A_382, %add3A_384 : vector<16xi32>
    %jit3A_386 = arith.constant 8 : i32
    %eq3A_387 = arith.constant 0 : i32
    %eq3A_388 = arith.cmpi eq, %jit3A_386, %eq3A_387 : i32
    %jit3A_389 = arith.constant 1 : i32
    %select_n3A_390 = arith.select %eq3A_388, %jit3A_389, %jit3A_386 : i32
    %rem3A_391 = vector.broadcast %select_n3A_390 : i32 to vector<16xi32>
    %rem3A_392 = arith.remsi %iota3A, %rem3A_391 : vector<16xi32>
    %ne3A_393 = arith.constant 0 : i32
    %ne3A_394 = vector.broadcast %ne3A_393 : i32 to vector<16xi32>
    %ne3A_395 = arith.cmpi ne, %rem3A_392, %ne3A_394 : vector<16xi32>
    %lt3A_396 = arith.constant 0 : i32
    %lt3A_397 = vector.broadcast %lt3A_396 : i32 to vector<16xi32>
    %lt3A_398 = arith.cmpi slt, %rem3A_392, %lt3A_397 : vector<16xi32>
    %lt3A_399 = arith.constant 0 : i32
    %lt3A_400 = arith.cmpi slt, %select_n3A_390, %lt3A_399 : i32
    %ne3A_401 = vector.broadcast %lt3A_400 : i1 to vector<16xi1>
    %ne3A_402 = vector.broadcast %ne3A_401 : vector<16xi1> to vector<16xi1>
    %ne3A_403 = arith.xori %lt3A_398, %ne3A_402 : vector<16xi1>
    %and3A_404 = arith.andi %ne3A_403, %ne3A_395 : vector<16xi1>
    %add3A_405 = vector.broadcast %select_n3A_390 : i32 to vector<16xi32>
    %add3A_406 = arith.addi %rem3A_392, %add3A_405 : vector<16xi32>
    %select_n3A_407 = arith.select %and3A_404, %add3A_406, %rem3A_392 : vector<16xi1>, vector<16xi32>
    %mul3A_408 = arith.constant 16 : i32
    %mul3A_409 = vector.broadcast %mul3A_408 : i32 to vector<16xi32>
    %mul3A_410 = arith.muli %select_n3A_407, %mul3A_409 : vector<16xi32>
    %add3A_411 = arith.constant 13 : i32
    %add3A_412 = vector.broadcast %add3A_411 : i32 to vector<16xi32>
    %add3A_413 = arith.addi %mul3A_410, %add3A_412 : vector<16xi32>
    %jit3A_414 = arith.constant 8 : i32
    %eq3A_415 = arith.constant 0 : i32
    %eq3A_416 = arith.cmpi eq, %jit3A_414, %eq3A_415 : i32
    %jit3A_417 = arith.constant 1 : i32
    %select_n3A_418 = arith.select %eq3A_416, %jit3A_417, %jit3A_414 : i32
    %rem3A_419 = vector.broadcast %select_n3A_418 : i32 to vector<16xi32>
    %rem3A_420 = arith.remsi %iota3A, %rem3A_419 : vector<16xi32>
    %ne3A_421 = arith.constant 0 : i32
    %ne3A_422 = vector.broadcast %ne3A_421 : i32 to vector<16xi32>
    %ne3A_423 = arith.cmpi ne, %rem3A_420, %ne3A_422 : vector<16xi32>
    %lt3A_424 = arith.constant 0 : i32
    %lt3A_425 = vector.broadcast %lt3A_424 : i32 to vector<16xi32>
    %lt3A_426 = arith.cmpi slt, %rem3A_420, %lt3A_425 : vector<16xi32>
    %lt3A_427 = arith.constant 0 : i32
    %lt3A_428 = arith.cmpi slt, %select_n3A_418, %lt3A_427 : i32
    %ne3A_429 = vector.broadcast %lt3A_428 : i1 to vector<16xi1>
    %ne3A_430 = vector.broadcast %ne3A_429 : vector<16xi1> to vector<16xi1>
    %ne3A_431 = arith.xori %lt3A_426, %ne3A_430 : vector<16xi1>
    %and3A_432 = arith.andi %ne3A_431, %ne3A_423 : vector<16xi1>
    %add3A_433 = vector.broadcast %select_n3A_418 : i32 to vector<16xi32>
    %add3A_434 = arith.addi %rem3A_420, %add3A_433 : vector<16xi32>
    %select_n3A_435 = arith.select %and3A_432, %add3A_434, %rem3A_420 : vector<16xi1>, vector<16xi32>
    %mul3A_436 = arith.constant 16 : i32
    %mul3A_437 = vector.broadcast %mul3A_436 : i32 to vector<16xi32>
    %mul3A_438 = arith.muli %select_n3A_435, %mul3A_437 : vector<16xi32>
    %add3A_439 = arith.constant 14 : i32
    %add3A_440 = vector.broadcast %add3A_439 : i32 to vector<16xi32>
    %add3A_441 = arith.addi %mul3A_438, %add3A_440 : vector<16xi32>
    %jit3A_442 = arith.constant 8 : i32
    %eq3A_443 = arith.constant 0 : i32
    %eq3A_444 = arith.cmpi eq, %jit3A_442, %eq3A_443 : i32
    %jit3A_445 = arith.constant 1 : i32
    %select_n3A_446 = arith.select %eq3A_444, %jit3A_445, %jit3A_442 : i32
    %rem3A_447 = vector.broadcast %select_n3A_446 : i32 to vector<16xi32>
    %rem3A_448 = arith.remsi %iota3A, %rem3A_447 : vector<16xi32>
    %ne3A_449 = arith.constant 0 : i32
    %ne3A_450 = vector.broadcast %ne3A_449 : i32 to vector<16xi32>
    %ne3A_451 = arith.cmpi ne, %rem3A_448, %ne3A_450 : vector<16xi32>
    %lt3A_452 = arith.constant 0 : i32
    %lt3A_453 = vector.broadcast %lt3A_452 : i32 to vector<16xi32>
    %lt3A_454 = arith.cmpi slt, %rem3A_448, %lt3A_453 : vector<16xi32>
    %lt3A_455 = arith.constant 0 : i32
    %lt3A_456 = arith.cmpi slt, %select_n3A_446, %lt3A_455 : i32
    %ne3A_457 = vector.broadcast %lt3A_456 : i1 to vector<16xi1>
    %ne3A_458 = vector.broadcast %ne3A_457 : vector<16xi1> to vector<16xi1>
    %ne3A_459 = arith.xori %lt3A_454, %ne3A_458 : vector<16xi1>
    %and3A_460 = arith.andi %ne3A_459, %ne3A_451 : vector<16xi1>
    %add3A_461 = vector.broadcast %select_n3A_446 : i32 to vector<16xi32>
    %add3A_462 = arith.addi %rem3A_448, %add3A_461 : vector<16xi32>
    %select_n3A_463 = arith.select %and3A_460, %add3A_462, %rem3A_448 : vector<16xi1>, vector<16xi32>
    %mul3A_464 = arith.constant 16 : i32
    %mul3A_465 = vector.broadcast %mul3A_464 : i32 to vector<16xi32>
    %mul3A_466 = arith.muli %select_n3A_463, %mul3A_465 : vector<16xi32>
    %add3A_467 = arith.constant 15 : i32
    %add3A_468 = vector.broadcast %add3A_467 : i32 to vector<16xi32>
    %add3A_469 = arith.addi %mul3A_466, %add3A_468 : vector<16xi32>
    %add3A_470 = arith.constant 0 : i32
    %add3A_471 = arith.addi %add3A, %add3A_470 : i32
    %lt3A_472 = arith.constant 1846 : i32
    %lt3A_473 = arith.cmpi slt, %add3A_471, %lt3A_472 : i32
    %convert_element_type3A = arith.extui %lt3A_473 : i1 to i32
    %cond3A = arith.constant 0 : i32
    %cond3A_474 = arith.cmpi ne, %convert_element_type3A, %cond3A : i32
    scf.if %cond3A_474 {
      %jit3A_515 = arith.constant 71 : i32
      %div3A_516 = arith.divsi %add3A_471, %jit3A_515 : i32
      %sign3A_517 = arith.constant 0 : i32
      %sign3A_518 = arith.cmpi sgt, %add3A_471, %sign3A_517 : i32
      %sign3A_519 = arith.extui %sign3A_518 : i1 to i32
      %sign3A_520 = arith.constant 0 : i32
      %sign3A_521 = arith.cmpi slt, %add3A_471, %sign3A_520 : i32
      %sign3A_522 = arith.extui %sign3A_521 : i1 to i32
      %sign3A_523 = arith.subi %sign3A_519, %sign3A_522 : i32
      %sign3A_524 = arith.constant 0 : i32
      %sign3A_525 = arith.cmpi sgt, %jit3A_515, %sign3A_524 : i32
      %sign3A_526 = arith.extui %sign3A_525 : i1 to i32
      %sign3A_527 = arith.constant 0 : i32
      %sign3A_528 = arith.cmpi slt, %jit3A_515, %sign3A_527 : i32
      %sign3A_529 = arith.extui %sign3A_528 : i1 to i32
      %sign3A_530 = arith.subi %sign3A_526, %sign3A_529 : i32
      %ne3A_531 = arith.cmpi ne, %sign3A_523, %sign3A_530 : i32
      %rem3A_532 = arith.remsi %add3A_471, %jit3A_515 : i32
      %ne3A_533 = arith.constant 0 : i32
      %ne3A_534 = arith.cmpi ne, %rem3A_532, %ne3A_533 : i32
      %and3A_535 = arith.andi %ne3A_531, %ne3A_534 : i1
      %sub3A_536 = arith.constant 1 : i32
      %sub3A_537 = arith.subi %div3A_516, %sub3A_536 : i32
      %select_n3A_538 = arith.select %and3A_535, %sub3A_537, %div3A_516 : i32
      %jit3A_539 = arith.constant 71 : i32
      %eq3A_540 = arith.constant 0 : i32
      %eq3A_541 = arith.cmpi eq, %jit3A_539, %eq3A_540 : i32
      %jit3A_542 = arith.constant 1 : i32
      %select_n3A_543 = arith.select %eq3A_541, %jit3A_542, %jit3A_539 : i32
      %rem3A_544 = arith.remsi %add3A_471, %select_n3A_543 : i32
      %ne3A_545 = arith.constant 0 : i32
      %ne3A_546 = arith.cmpi ne, %rem3A_544, %ne3A_545 : i32
      %lt3A_547 = arith.constant 0 : i32
      %lt3A_548 = arith.cmpi slt, %rem3A_544, %lt3A_547 : i32
      %lt3A_549 = arith.constant 0 : i32
      %lt3A_550 = arith.cmpi slt, %select_n3A_543, %lt3A_549 : i32
      %ne3A_551 = arith.xori %lt3A_548, %lt3A_550 : i1
      %and3A_552 = arith.andi %ne3A_551, %ne3A_546 : i1
      %add3A_553 = arith.addi %rem3A_544, %select_n3A_543 : i32
      %select_n3A_554 = arith.select %and3A_552, %add3A_553, %rem3A_544 : i32
      %mul3A_555 = arith.constant 1408 : i32
      %mul3A_556 = arith.muli %select_n3A_554, %mul3A_555 : i32
      %multiple_of3A = tpu.assume_multiple %mul3A_556, 128 : i32
      %dma_start3A = arith.constant 0 : i32
      %dma_start3A_557 = tpu.memref_slice %arg2[%select_n3A_538, %dma_start3A, %multiple_of3A] : memref<26x16x100000xf32, #tpu.memory_space<hbm>> -> memref<1x16x1408xf32, #tpu.memory_space<hbm>>
      %dma_start3A_558 = tpu.memref_squeeze %dma_start3A_557 : memref<1x16x1408xf32, #tpu.memory_space<hbm>> -> memref<16x1408xf32, #tpu.memory_space<hbm>>
      %dma_start3A_559 = arith.constant 0 : i32
      %dma_start3A_560 = tpu.memref_slice %arg2[%select_n3A_538, %dma_start3A_559, %multiple_of3A] : memref<26x16x100000xf32, #tpu.memory_space<hbm>> -> memref<1x16x1408xf32, #tpu.memory_space<hbm>>
      %dma_start3A_561 = tpu.memref_squeeze %dma_start3A_560 : memref<1x16x1408xf32, #tpu.memory_space<hbm>> -> memref<16x1408xf32, #tpu.memory_space<hbm>>
      tpu.enqueue_dma source(%dma_start3A_561 : memref<16x1408xf32, #tpu.memory_space<hbm>>) target(%arg5 : memref<16x1408xf32, #tpu.memory_space<vmem>>) target_semaphore(%arg10 : memref<!tpu.dma_semaphore, #tpu.memory_space<semaphore_mem>>)
    } else {
    }
    %add3A_475 = arith.constant 0 : i32
    %add3A_476 = arith.addi %add3A, %add3A_475 : i32
    %lt3A_477 = arith.constant 1846 : i32
    %lt3A_478 = arith.cmpi slt, %add3A_476, %lt3A_477 : i32
    %convert_element_type3A_479 = arith.extui %lt3A_478 : i1 to i32
    %cond3A_480 = arith.constant 0 : i32
    %cond3A_481 = arith.cmpi ne, %convert_element_type3A_479, %cond3A_480 : i32
    scf.if %cond3A_481 {
      %add3A_515 = arith.constant 32 : i32
      %add3A_516 = arith.addi %add3A, %add3A_515 : i32
      %lt3A_517 = arith.constant 1846 : i32
      %lt3A_518 = arith.cmpi slt, %add3A_516, %lt3A_517 : i32
      %convert_element_type3A_519 = arith.extui %lt3A_518 : i1 to i32
      %cond3A_520 = arith.constant 0 : i32
      %cond3A_521 = arith.cmpi ne, %convert_element_type3A_519, %cond3A_520 : i32
      scf.if %cond3A_521 {
        %jit3A_607 = arith.constant 71 : i32
        %div3A_608 = arith.divsi %add3A_516, %jit3A_607 : i32
        %sign3A_609 = arith.constant 0 : i32
        %sign3A_610 = arith.cmpi sgt, %add3A_516, %sign3A_609 : i32
        %sign3A_611 = arith.extui %sign3A_610 : i1 to i32
        %sign3A_612 = arith.constant 0 : i32
        %sign3A_613 = arith.cmpi slt, %add3A_516, %sign3A_612 : i32
        %sign3A_614 = arith.extui %sign3A_613 : i1 to i32
        %sign3A_615 = arith.subi %sign3A_611, %sign3A_614 : i32
        %sign3A_616 = arith.constant 0 : i32
        %sign3A_617 = arith.cmpi sgt, %jit3A_607, %sign3A_616 : i32
        %sign3A_618 = arith.extui %sign3A_617 : i1 to i32
        %sign3A_619 = arith.constant 0 : i32
        %sign3A_620 = arith.cmpi slt, %jit3A_607, %sign3A_619 : i32
        %sign3A_621 = arith.extui %sign3A_620 : i1 to i32
        %sign3A_622 = arith.subi %sign3A_618, %sign3A_621 : i32
        %ne3A_623 = arith.cmpi ne, %sign3A_615, %sign3A_622 : i32
        %rem3A_624 = arith.remsi %add3A_516, %jit3A_607 : i32
        %ne3A_625 = arith.constant 0 : i32
        %ne3A_626 = arith.cmpi ne, %rem3A_624, %ne3A_625 : i32
        %and3A_627 = arith.andi %ne3A_623, %ne3A_626 : i1
        %sub3A_628 = arith.constant 1 : i32
        %sub3A_629 = arith.subi %div3A_608, %sub3A_628 : i32
        %select_n3A_630 = arith.select %and3A_627, %sub3A_629, %div3A_608 : i32
        %jit3A_631 = arith.constant 71 : i32
        %eq3A_632 = arith.constant 0 : i32
        %eq3A_633 = arith.cmpi eq, %jit3A_631, %eq3A_632 : i32
        %jit3A_634 = arith.constant 1 : i32
        %select_n3A_635 = arith.select %eq3A_633, %jit3A_634, %jit3A_631 : i32
        %rem3A_636 = arith.remsi %add3A_516, %select_n3A_635 : i32
        %ne3A_637 = arith.constant 0 : i32
        %ne3A_638 = arith.cmpi ne, %rem3A_636, %ne3A_637 : i32
        %lt3A_639 = arith.constant 0 : i32
        %lt3A_640 = arith.cmpi slt, %rem3A_636, %lt3A_639 : i32
        %lt3A_641 = arith.constant 0 : i32
        %lt3A_642 = arith.cmpi slt, %select_n3A_635, %lt3A_641 : i32
        %ne3A_643 = arith.xori %lt3A_640, %lt3A_642 : i1
        %and3A_644 = arith.andi %ne3A_643, %ne3A_638 : i1
        %add3A_645 = arith.addi %rem3A_636, %select_n3A_635 : i32
        %select_n3A_646 = arith.select %and3A_644, %add3A_645, %rem3A_636 : i32
        %mul3A_647 = arith.constant 1408 : i32
        %mul3A_648 = arith.muli %select_n3A_646, %mul3A_647 : i32
        %multiple_of3A_649 = tpu.assume_multiple %mul3A_648, 128 : i32
        %dma_start3A_650 = arith.constant 0 : i32
        %dma_start3A_651 = tpu.memref_slice %arg2[%select_n3A_630, %dma_start3A_650, %multiple_of3A_649] : memref<26x16x100000xf32, #tpu.memory_space<hbm>> -> memref<1x16x1408xf32, #tpu.memory_space<hbm>>
        %dma_start3A_652 = tpu.memref_squeeze %dma_start3A_651 : memref<1x16x1408xf32, #tpu.memory_space<hbm>> -> memref<16x1408xf32, #tpu.memory_space<hbm>>
        %dma_start3A_653 = arith.constant 0 : i32
        %dma_start3A_654 = tpu.memref_slice %arg2[%select_n3A_630, %dma_start3A_653, %multiple_of3A_649] : memref<26x16x100000xf32, #tpu.memory_space<hbm>> -> memref<1x16x1408xf32, #tpu.memory_space<hbm>>
        %dma_start3A_655 = tpu.memref_squeeze %dma_start3A_654 : memref<1x16x1408xf32, #tpu.memory_space<hbm>> -> memref<16x1408xf32, #tpu.memory_space<hbm>>
        tpu.enqueue_dma source(%dma_start3A_655 : memref<16x1408xf32, #tpu.memory_space<hbm>>) target(%arg6 : memref<16x1408xf32, #tpu.memory_space<vmem>>) target_semaphore(%arg11 : memref<!tpu.dma_semaphore, #tpu.memory_space<semaphore_mem>>)
      } else {
      }
      %dma_wait3A_522 = arith.constant 0 : i32
      %dma_wait3A_523 = arith.constant 0 : i32
      %dma_wait3A_524 = arith.constant 0 : i32
      %dma_wait3A_525 = tpu.memref_slice %arg2[%dma_wait3A_522, %dma_wait3A_523, %dma_wait3A_524] : memref<26x16x100000xf32, #tpu.memory_space<hbm>> -> memref<1x16x1408xf32, #tpu.memory_space<hbm>>
      %dma_wait3A_526 = tpu.memref_squeeze %dma_wait3A_525 : memref<1x16x1408xf32, #tpu.memory_space<hbm>> -> memref<16x1408xf32, #tpu.memory_space<hbm>>
      %dma_wait3A_527 = arith.constant 0 : i32
      %dma_wait3A_528 = arith.constant 0 : i32
      %dma_wait3A_529 = tpu.memref_slice %arg2[%dma_wait3A_522, %dma_wait3A_527, %dma_wait3A_528] : memref<26x16x100000xf32, #tpu.memory_space<hbm>> -> memref<1x16x1408xf32, #tpu.memory_space<hbm>>
      %dma_wait3A_530 = tpu.memref_squeeze %dma_wait3A_529 : memref<1x16x1408xf32, #tpu.memory_space<hbm>> -> memref<16x1408xf32, #tpu.memory_space<hbm>>
      tpu.wait_dma2 semaphore(%arg10 : memref<!tpu.dma_semaphore, #tpu.memory_space<semaphore_mem>>) src(%dma_wait3A_530 : memref<16x1408xf32, #tpu.memory_space<hbm>>) dst(%arg5 : memref<16x1408xf32, #tpu.memory_space<vmem>>)
      %parallel_loop3A = arith.constant 0 : i32
      %parallel_loop3A_531 = arith.constant 88 : i32
      %parallel_loop3A_532 = arith.constant 1 : i32
      scf.for %parallel_loop3A_607 = %parallel_loop3A to %parallel_loop3A_531 step %parallel_loop3A_532  : i32 {
        %parallel_loop3A_608 = arith.constant 2 : i32
        %parallel_loop3A_609 = arith.muli %parallel_loop3A_607, %parallel_loop3A_608 : i32
        %parallel_loop3A_610 = vector.broadcast %parallel_loop3A_609 : i32 to vector<16xi32>
        %parallel_loop3A_611 = arith.addi %select_n3A, %parallel_loop3A_610 : vector<16xi32>
        %parallel_loop3A_612 = arith.constant 16 : i32
        %parallel_loop3A_613 = arith.muli %parallel_loop3A_607, %parallel_loop3A_612 : i32
        %parallel_loop3A_614 = arith.constant 0 : i32
        %parallel_loop3A_615 = arith.index_cast %parallel_loop3A_614 : i32 to index
        %parallel_loop3A_616 = arith.index_cast %parallel_loop3A_613 : i32 to index
        %parallel_loop3A_617 = tpu.vector_load %arg5[%parallel_loop3A_615, %parallel_loop3A_616] {strides = array<i32>} : memref<16x1408xf32, #tpu.memory_space<vmem>>, vector<16xf32>,
        tpu.vector_store_idx %arg7[%parallel_loop3A_611, %add3A_49], %parallel_loop3A_617 : memref<176x128xf32, #tpu.memory_space<vmem>>[vector<16xi32>, vector<16xi32>], vector<16xf32>,
        %parallel_loop3A_618 = arith.constant 1 : i32
        %parallel_loop3A_619 = arith.index_cast %parallel_loop3A_618 : i32 to index
        %parallel_loop3A_620 = arith.index_cast %parallel_loop3A_613 : i32 to index
        %parallel_loop3A_621 = tpu.vector_load %arg5[%parallel_loop3A_619, %parallel_loop3A_620] {strides = array<i32>} : memref<16x1408xf32, #tpu.memory_space<vmem>>, vector<16xf32>,
        tpu.vector_store_idx %arg7[%parallel_loop3A_611, %add3A_77], %parallel_loop3A_621 : memref<176x128xf32, #tpu.memory_space<vmem>>[vector<16xi32>, vector<16xi32>], vector<16xf32>,
        %parallel_loop3A_622 = arith.constant 2 : i32
        %parallel_loop3A_623 = arith.index_cast %parallel_loop3A_622 : i32 to index
        %parallel_loop3A_624 = arith.index_cast %parallel_loop3A_613 : i32 to index
        %parallel_loop3A_625 = tpu.vector_load %arg5[%parallel_loop3A_623, %parallel_loop3A_624] {strides = array<i32>} : memref<16x1408xf32, #tpu.memory_space<vmem>>, vector<16xf32>,
        tpu.vector_store_idx %arg7[%parallel_loop3A_611, %add3A_105], %parallel_loop3A_625 : memref<176x128xf32, #tpu.memory_space<vmem>>[vector<16xi32>, vector<16xi32>], vector<16xf32>,
        %parallel_loop3A_626 = arith.constant 3 : i32
        %parallel_loop3A_627 = arith.index_cast %parallel_loop3A_626 : i32 to index
        %parallel_loop3A_628 = arith.index_cast %parallel_loop3A_613 : i32 to index
        %parallel_loop3A_629 = tpu.vector_load %arg5[%parallel_loop3A_627, %parallel_loop3A_628] {strides = array<i32>} : memref<16x1408xf32, #tpu.memory_space<vmem>>, vector<16xf32>,
        tpu.vector_store_idx %arg7[%parallel_loop3A_611, %add3A_133], %parallel_loop3A_629 : memref<176x128xf32, #tpu.memory_space<vmem>>[vector<16xi32>, vector<16xi32>], vector<16xf32>,
        %parallel_loop3A_630 = arith.constant 4 : i32
        %parallel_loop3A_631 = arith.index_cast %parallel_loop3A_630 : i32 to index
        %parallel_loop3A_632 = arith.index_cast %parallel_loop3A_613 : i32 to index
        %parallel_loop3A_633 = tpu.vector_load %arg5[%parallel_loop3A_631, %parallel_loop3A_632] {strides = array<i32>} : memref<16x1408xf32, #tpu.memory_space<vmem>>, vector<16xf32>,
        tpu.vector_store_idx %arg7[%parallel_loop3A_611, %add3A_161], %parallel_loop3A_633 : memref<176x128xf32, #tpu.memory_space<vmem>>[vector<16xi32>, vector<16xi32>], vector<16xf32>,
        %parallel_loop3A_634 = arith.constant 5 : i32
        %parallel_loop3A_635 = arith.index_cast %parallel_loop3A_634 : i32 to index
        %parallel_loop3A_636 = arith.index_cast %parallel_loop3A_613 : i32 to index
        %parallel_loop3A_637 = tpu.vector_load %arg5[%parallel_loop3A_635, %parallel_loop3A_636] {strides = array<i32>} : memref<16x1408xf32, #tpu.memory_space<vmem>>, vector<16xf32>,
        tpu.vector_store_idx %arg7[%parallel_loop3A_611, %add3A_189], %parallel_loop3A_637 : memref<176x128xf32, #tpu.memory_space<vmem>>[vector<16xi32>, vector<16xi32>], vector<16xf32>,
        %parallel_loop3A_638 = arith.constant 6 : i32
        %parallel_loop3A_639 = arith.index_cast %parallel_loop3A_638 : i32 to index
        %parallel_loop3A_640 = arith.index_cast %parallel_loop3A_613 : i32 to index
        %parallel_loop3A_641 = tpu.vector_load %arg5[%parallel_loop3A_639, %parallel_loop3A_640] {strides = array<i32>} : memref<16x1408xf32, #tpu.memory_space<vmem>>, vector<16xf32>,
        tpu.vector_store_idx %arg7[%parallel_loop3A_611, %add3A_217], %parallel_loop3A_641 : memref<176x128xf32, #tpu.memory_space<vmem>>[vector<16xi32>, vector<16xi32>], vector<16xf32>,
        %parallel_loop3A_642 = arith.constant 7 : i32
        %parallel_loop3A_643 = arith.index_cast %parallel_loop3A_642 : i32 to index
        %parallel_loop3A_644 = arith.index_cast %parallel_loop3A_613 : i32 to index
        %parallel_loop3A_645 = tpu.vector_load %arg5[%parallel_loop3A_643, %parallel_loop3A_644] {strides = array<i32>} : memref<16x1408xf32, #tpu.memory_space<vmem>>, vector<16xf32>,
        tpu.vector_store_idx %arg7[%parallel_loop3A_611, %add3A_245], %parallel_loop3A_645 : memref<176x128xf32, #tpu.memory_space<vmem>>[vector<16xi32>, vector<16xi32>], vector<16xf32>,
        %parallel_loop3A_646 = arith.constant 8 : i32
        %parallel_loop3A_647 = arith.index_cast %parallel_loop3A_646 : i32 to index
        %parallel_loop3A_648 = arith.index_cast %parallel_loop3A_613 : i32 to index
        %parallel_loop3A_649 = tpu.vector_load %arg5[%parallel_loop3A_647, %parallel_loop3A_648] {strides = array<i32>} : memref<16x1408xf32, #tpu.memory_space<vmem>>, vector<16xf32>,
        tpu.vector_store_idx %arg7[%parallel_loop3A_611, %add3A_273], %parallel_loop3A_649 : memref<176x128xf32, #tpu.memory_space<vmem>>[vector<16xi32>, vector<16xi32>], vector<16xf32>,
        %parallel_loop3A_650 = arith.constant 9 : i32
        %parallel_loop3A_651 = arith.index_cast %parallel_loop3A_650 : i32 to index
        %parallel_loop3A_652 = arith.index_cast %parallel_loop3A_613 : i32 to index
        %parallel_loop3A_653 = tpu.vector_load %arg5[%parallel_loop3A_651, %parallel_loop3A_652] {strides = array<i32>} : memref<16x1408xf32, #tpu.memory_space<vmem>>, vector<16xf32>,
        tpu.vector_store_idx %arg7[%parallel_loop3A_611, %add3A_301], %parallel_loop3A_653 : memref<176x128xf32, #tpu.memory_space<vmem>>[vector<16xi32>, vector<16xi32>], vector<16xf32>,
        %parallel_loop3A_654 = arith.constant 10 : i32
        %parallel_loop3A_655 = arith.index_cast %parallel_loop3A_654 : i32 to index
        %parallel_loop3A_656 = arith.index_cast %parallel_loop3A_613 : i32 to index
        %parallel_loop3A_657 = tpu.vector_load %arg5[%parallel_loop3A_655, %parallel_loop3A_656] {strides = array<i32>} : memref<16x1408xf32, #tpu.memory_space<vmem>>, vector<16xf32>,
        tpu.vector_store_idx %arg7[%parallel_loop3A_611, %add3A_329], %parallel_loop3A_657 : memref<176x128xf32, #tpu.memory_space<vmem>>[vector<16xi32>, vector<16xi32>], vector<16xf32>,
        %parallel_loop3A_658 = arith.constant 11 : i32
        %parallel_loop3A_659 = arith.index_cast %parallel_loop3A_658 : i32 to index
        %parallel_loop3A_660 = arith.index_cast %parallel_loop3A_613 : i32 to index
        %parallel_loop3A_661 = tpu.vector_load %arg5[%parallel_loop3A_659, %parallel_loop3A_660] {strides = array<i32>} : memref<16x1408xf32, #tpu.memory_space<vmem>>, vector<16xf32>,
        tpu.vector_store_idx %arg7[%parallel_loop3A_611, %add3A_357], %parallel_loop3A_661 : memref<176x128xf32, #tpu.memory_space<vmem>>[vector<16xi32>, vector<16xi32>], vector<16xf32>,
        %parallel_loop3A_662 = arith.constant 12 : i32
        %parallel_loop3A_663 = arith.index_cast %parallel_loop3A_662 : i32 to index
        %parallel_loop3A_664 = arith.index_cast %parallel_loop3A_613 : i32 to index
        %parallel_loop3A_665 = tpu.vector_load %arg5[%parallel_loop3A_663, %parallel_loop3A_664] {strides = array<i32>} : memref<16x1408xf32, #tpu.memory_space<vmem>>, vector<16xf32>,
        tpu.vector_store_idx %arg7[%parallel_loop3A_611, %add3A_385], %parallel_loop3A_665 : memref<176x128xf32, #tpu.memory_space<vmem>>[vector<16xi32>, vector<16xi32>], vector<16xf32>,
        %parallel_loop3A_666 = arith.constant 13 : i32
        %parallel_loop3A_667 = arith.index_cast %parallel_loop3A_666 : i32 to index
        %parallel_loop3A_668 = arith.index_cast %parallel_loop3A_613 : i32 to index
        %parallel_loop3A_669 = tpu.vector_load %arg5[%parallel_loop3A_667, %parallel_loop3A_668] {strides = array<i32>} : memref<16x1408xf32, #tpu.memory_space<vmem>>, vector<16xf32>,
        tpu.vector_store_idx %arg7[%parallel_loop3A_611, %add3A_413], %parallel_loop3A_669 : memref<176x128xf32, #tpu.memory_space<vmem>>[vector<16xi32>, vector<16xi32>], vector<16xf32>,
        %parallel_loop3A_670 = arith.constant 14 : i32
        %parallel_loop3A_671 = arith.index_cast %parallel_loop3A_670 : i32 to index
        %parallel_loop3A_672 = arith.index_cast %parallel_loop3A_613 : i32 to index
        %parallel_loop3A_673 = tpu.vector_load %arg5[%parallel_loop3A_671, %parallel_loop3A_672] {strides = array<i32>} : memref<16x1408xf32, #tpu.memory_space<vmem>>, vector<16xf32>,
        tpu.vector_store_idx %arg7[%parallel_loop3A_611, %add3A_441], %parallel_loop3A_673 : memref<176x128xf32, #tpu.memory_space<vmem>>[vector<16xi32>, vector<16xi32>], vector<16xf32>,
        %parallel_loop3A_674 = arith.constant 15 : i32
        %parallel_loop3A_675 = arith.index_cast %parallel_loop3A_674 : i32 to index
        %parallel_loop3A_676 = arith.index_cast %parallel_loop3A_613 : i32 to index
        %parallel_loop3A_677 = tpu.vector_load %arg5[%parallel_loop3A_675, %parallel_loop3A_676] {strides = array<i32>} : memref<16x1408xf32, #tpu.memory_space<vmem>>, vector<16xf32>,
        tpu.vector_store_idx %arg7[%parallel_loop3A_611, %add3A_469], %parallel_loop3A_677 : memref<176x128xf32, #tpu.memory_space<vmem>>[vector<16xi32>, vector<16xi32>], vector<16xf32>,
      } {sc.loop_unroll_factor = 1 : i64, sc.parallel_access}
      %jit3A_533 = arith.constant 71 : i32
      %div3A_534 = arith.divsi %add3A_476, %jit3A_533 : i32
      %sign3A_535 = arith.constant 0 : i32
      %sign3A_536 = arith.cmpi sgt, %add3A_476, %sign3A_535 : i32
      %sign3A_537 = arith.extui %sign3A_536 : i1 to i32
      %sign3A_538 = arith.constant 0 : i32
      %sign3A_539 = arith.cmpi slt, %add3A_476, %sign3A_538 : i32
      %sign3A_540 = arith.extui %sign3A_539 : i1 to i32
      %sign3A_541 = arith.subi %sign3A_537, %sign3A_540 : i32
      %sign3A_542 = arith.constant 0 : i32
      %sign3A_543 = arith.cmpi sgt, %jit3A_533, %sign3A_542 : i32
      %sign3A_544 = arith.extui %sign3A_543 : i1 to i32
      %sign3A_545 = arith.constant 0 : i32
      %sign3A_546 = arith.cmpi slt, %jit3A_533, %sign3A_545 : i32
      %sign3A_547 = arith.extui %sign3A_546 : i1 to i32
      %sign3A_548 = arith.subi %sign3A_544, %sign3A_547 : i32
      %ne3A_549 = arith.cmpi ne, %sign3A_541, %sign3A_548 : i32
      %rem3A_550 = arith.remsi %add3A_476, %jit3A_533 : i32
      %ne3A_551 = arith.constant 0 : i32
      %ne3A_552 = arith.cmpi ne, %rem3A_550, %ne3A_551 : i32
      %and3A_553 = arith.andi %ne3A_549, %ne3A_552 : i1
      %sub3A_554 = arith.constant 1 : i32
      %sub3A_555 = arith.subi %div3A_534, %sub3A_554 : i32
      %select_n3A_556 = arith.select %and3A_553, %sub3A_555, %div3A_534 : i32
      %jit3A_557 = arith.constant 71 : i32
      %eq3A_558 = arith.constant 0 : i32
      %eq3A_559 = arith.cmpi eq, %jit3A_557, %eq3A_558 : i32
      %jit3A_560 = arith.constant 1 : i32
      %select_n3A_561 = arith.select %eq3A_559, %jit3A_560, %jit3A_557 : i32
      %rem3A_562 = arith.remsi %add3A_476, %select_n3A_561 : i32
      %ne3A_563 = arith.constant 0 : i32
      %ne3A_564 = arith.cmpi ne, %rem3A_562, %ne3A_563 : i32
      %lt3A_565 = arith.constant 0 : i32
      %lt3A_566 = arith.cmpi slt, %rem3A_562, %lt3A_565 : i32
      %lt3A_567 = arith.constant 0 : i32
      %lt3A_568 = arith.cmpi slt, %select_n3A_561, %lt3A_567 : i32
      %ne3A_569 = arith.xori %lt3A_566, %lt3A_568 : i1
      %and3A_570 = arith.andi %ne3A_569, %ne3A_564 : i1
      %add3A_571 = arith.addi %rem3A_562, %select_n3A_561 : i32
      %select_n3A_572 = arith.select %and3A_570, %add3A_571, %rem3A_562 : i32
      %mul3A_573 = arith.constant 1408 : i32
      %mul3A_574 = arith.muli %select_n3A_572, %mul3A_573 : i32
      %multiple_of3A = tpu.assume_multiple %mul3A_574, 128 : i32
      %mul3A_575 = arith.constant 16 : i32
      %mul3A_576 = arith.muli %multiple_of3A, %mul3A_575 : i32
      %jit3A_577 = arith.constant 128 : i32
      %div3A_578 = arith.divsi %mul3A_576, %jit3A_577 : i32
      %sign3A_579 = arith.constant 0 : i32
      %sign3A_580 = arith.cmpi sgt, %mul3A_576, %sign3A_579 : i32
      %sign3A_581 = arith.extui %sign3A_580 : i1 to i32
      %sign3A_582 = arith.constant 0 : i32
      %sign3A_583 = arith.cmpi slt, %mul3A_576, %sign3A_582 : i32
      %sign3A_584 = arith.extui %sign3A_583 : i1 to i32
      %sign3A_585 = arith.subi %sign3A_581, %sign3A_584 : i32
      %sign3A_586 = arith.constant 0 : i32
      %sign3A_587 = arith.cmpi sgt, %jit3A_577, %sign3A_586 : i32
      %sign3A_588 = arith.extui %sign3A_587 : i1 to i32
      %sign3A_589 = arith.constant 0 : i32
      %sign3A_590 = arith.cmpi slt, %jit3A_577, %sign3A_589 : i32
      %sign3A_591 = arith.extui %sign3A_590 : i1 to i32
      %sign3A_592 = arith.subi %sign3A_588, %sign3A_591 : i32
      %ne3A_593 = arith.cmpi ne, %sign3A_585, %sign3A_592 : i32
      %rem3A_594 = arith.remsi %mul3A_576, %jit3A_577 : i32
      %ne3A_595 = arith.constant 0 : i32
      %ne3A_596 = arith.cmpi ne, %rem3A_594, %ne3A_595 : i32
      %and3A_597 = arith.andi %ne3A_593, %ne3A_596 : i1
      %sub3A_598 = arith.constant 1 : i32
      %sub3A_599 = arith.subi %div3A_578, %sub3A_598 : i32
      %select_n3A_600 = arith.select %and3A_597, %sub3A_599, %div3A_578 : i32
      %multiple_of3A_601 = tpu.assume_multiple %select_n3A_600, 8 : i32
      %dma_start3A = arith.constant 0 : i32
      %dma_start3A_602 = tpu.memref_slice %arg4[%select_n3A_556, %multiple_of3A_601, %dma_start3A] : memref<26x12504x128xf32, #tpu.memory_space<hbm>> -> memref<1x176x128xf32, #tpu.memory_space<hbm>>
      %dma_start3A_603 = tpu.memref_squeeze %dma_start3A_602 : memref<1x176x128xf32, #tpu.memory_space<hbm>> -> memref<176x128xf32, #tpu.memory_space<hbm>>
      %dma_start3A_604 = arith.constant 0 : i32
      %dma_start3A_605 = tpu.memref_slice %arg4[%select_n3A_556, %multiple_of3A_601, %dma_start3A_604] : memref<26x12504x128xf32, #tpu.memory_space<hbm>> -> memref<1x176x128xf32, #tpu.memory_space<hbm>>
      %dma_start3A_606 = tpu.memref_squeeze %dma_start3A_605 : memref<1x176x128xf32, #tpu.memory_space<hbm>> -> memref<176x128xf32, #tpu.memory_space<hbm>>
      tpu.enqueue_dma source(%arg7 : memref<176x128xf32, #tpu.memory_space<vmem>>) target(%dma_start3A_606 : memref<176x128xf32, #tpu.memory_space<hbm>>) target_semaphore(%arg12 : memref<!tpu.dma_semaphore, #tpu.memory_space<semaphore_mem>>)
    } else {
    }
    %add3A_482 = arith.constant 32 : i32
    %add3A_483 = arith.addi %add3A, %add3A_482 : i32
    %lt3A_484 = arith.constant 1846 : i32
    %lt3A_485 = arith.cmpi slt, %add3A_483, %lt3A_484 : i32
    %convert_element_type3A_486 = arith.extui %lt3A_485 : i1 to i32
    %cond3A_487 = arith.constant 0 : i32
    %cond3A_488 = arith.cmpi ne, %convert_element_type3A_486, %cond3A_487 : i32
    scf.if %cond3A_488 {
      %add3A_515 = arith.constant 64 : i32
      %add3A_516 = arith.addi %add3A, %add3A_515 : i32
      %lt3A_517 = arith.constant 1846 : i32
      %lt3A_518 = arith.cmpi slt, %add3A_516, %lt3A_517 : i32
      %convert_element_type3A_519 = arith.extui %lt3A_518 : i1 to i32
      %cond3A_520 = arith.constant 0 : i32
      %cond3A_521 = arith.cmpi ne, %convert_element_type3A_519, %cond3A_520 : i32
      scf.if %cond3A_521 {
        %jit3A_607 = arith.constant 71 : i32
        %div3A_608 = arith.divsi %add3A_516, %jit3A_607 : i32
        %sign3A_609 = arith.constant 0 : i32
        %sign3A_610 = arith.cmpi sgt, %add3A_516, %sign3A_609 : i32
        %sign3A_611 = arith.extui %sign3A_610 : i1 to i32
        %sign3A_612 = arith.constant 0 : i32
        %sign3A_613 = arith.cmpi slt, %add3A_516, %sign3A_612 : i32
        %sign3A_614 = arith.extui %sign3A_613 : i1 to i32
        %sign3A_615 = arith.subi %sign3A_611, %sign3A_614 : i32
        %sign3A_616 = arith.constant 0 : i32
        %sign3A_617 = arith.cmpi sgt, %jit3A_607, %sign3A_616 : i32
        %sign3A_618 = arith.extui %sign3A_617 : i1 to i32
        %sign3A_619 = arith.constant 0 : i32
        %sign3A_620 = arith.cmpi slt, %jit3A_607, %sign3A_619 : i32
        %sign3A_621 = arith.extui %sign3A_620 : i1 to i32
        %sign3A_622 = arith.subi %sign3A_618, %sign3A_621 : i32
        %ne3A_623 = arith.cmpi ne, %sign3A_615, %sign3A_622 : i32
        %rem3A_624 = arith.remsi %add3A_516, %jit3A_607 : i32
        %ne3A_625 = arith.constant 0 : i32
        %ne3A_626 = arith.cmpi ne, %rem3A_624, %ne3A_625 : i32
        %and3A_627 = arith.andi %ne3A_623, %ne3A_626 : i1
        %sub3A_628 = arith.constant 1 : i32
        %sub3A_629 = arith.subi %div3A_608, %sub3A_628 : i32
        %select_n3A_630 = arith.select %and3A_627, %sub3A_629, %div3A_608 : i32
        %jit3A_631 = arith.constant 71 : i32
        %eq3A_632 = arith.constant 0 : i32
        %eq3A_633 = arith.cmpi eq, %jit3A_631, %eq3A_632 : i32
        %jit3A_634 = arith.constant 1 : i32
        %select_n3A_635 = arith.select %eq3A_633, %jit3A_634, %jit3A_631 : i32
        %rem3A_636 = arith.remsi %add3A_516, %select_n3A_635 : i32
        %ne3A_637 = arith.constant 0 : i32
        %ne3A_638 = arith.cmpi ne, %rem3A_636, %ne3A_637 : i32
        %lt3A_639 = arith.constant 0 : i32
        %lt3A_640 = arith.cmpi slt, %rem3A_636, %lt3A_639 : i32
        %lt3A_641 = arith.constant 0 : i32
        %lt3A_642 = arith.cmpi slt, %select_n3A_635, %lt3A_641 : i32
        %ne3A_643 = arith.xori %lt3A_640, %lt3A_642 : i1
        %and3A_644 = arith.andi %ne3A_643, %ne3A_638 : i1
        %add3A_645 = arith.addi %rem3A_636, %select_n3A_635 : i32
        %select_n3A_646 = arith.select %and3A_644, %add3A_645, %rem3A_636 : i32
        %mul3A_647 = arith.constant 1408 : i32
        %mul3A_648 = arith.muli %select_n3A_646, %mul3A_647 : i32
        %multiple_of3A_649 = tpu.assume_multiple %mul3A_648, 128 : i32
        %dma_start3A_650 = arith.constant 0 : i32
        %dma_start3A_651 = tpu.memref_slice %arg2[%select_n3A_630, %dma_start3A_650, %multiple_of3A_649] : memref<26x16x100000xf32, #tpu.memory_space<hbm>> -> memref<1x16x1408xf32, #tpu.memory_space<hbm>>
        %dma_start3A_652 = tpu.memref_squeeze %dma_start3A_651 : memref<1x16x1408xf32, #tpu.memory_space<hbm>> -> memref<16x1408xf32, #tpu.memory_space<hbm>>
        %dma_start3A_653 = arith.constant 0 : i32
        %dma_start3A_654 = tpu.memref_slice %arg2[%select_n3A_630, %dma_start3A_653, %multiple_of3A_649] : memref<26x16x100000xf32, #tpu.memory_space<hbm>> -> memref<1x16x1408xf32, #tpu.memory_space<hbm>>
        %dma_start3A_655 = tpu.memref_squeeze %dma_start3A_654 : memref<1x16x1408xf32, #tpu.memory_space<hbm>> -> memref<16x1408xf32, #tpu.memory_space<hbm>>
        tpu.enqueue_dma source(%dma_start3A_655 : memref<16x1408xf32, #tpu.memory_space<hbm>>) target(%arg5 : memref<16x1408xf32, #tpu.memory_space<vmem>>) target_semaphore(%arg10 : memref<!tpu.dma_semaphore, #tpu.memory_space<semaphore_mem>>)
      } else {
      }
      %dma_wait3A_522 = arith.constant 0 : i32
      %dma_wait3A_523 = arith.constant 0 : i32
      %dma_wait3A_524 = arith.constant 0 : i32
      %dma_wait3A_525 = tpu.memref_slice %arg2[%dma_wait3A_522, %dma_wait3A_523, %dma_wait3A_524] : memref<26x16x100000xf32, #tpu.memory_space<hbm>> -> memref<1x16x1408xf32, #tpu.memory_space<hbm>>
      %dma_wait3A_526 = tpu.memref_squeeze %dma_wait3A_525 : memref<1x16x1408xf32, #tpu.memory_space<hbm>> -> memref<16x1408xf32, #tpu.memory_space<hbm>>
      %dma_wait3A_527 = arith.constant 0 : i32
      %dma_wait3A_528 = arith.constant 0 : i32
      %dma_wait3A_529 = tpu.memref_slice %arg2[%dma_wait3A_522, %dma_wait3A_527, %dma_wait3A_528] : memref<26x16x100000xf32, #tpu.memory_space<hbm>> -> memref<1x16x1408xf32, #tpu.memory_space<hbm>>
      %dma_wait3A_530 = tpu.memref_squeeze %dma_wait3A_529 : memref<1x16x1408xf32, #tpu.memory_space<hbm>> -> memref<16x1408xf32, #tpu.memory_space<hbm>>
      tpu.wait_dma2 semaphore(%arg11 : memref<!tpu.dma_semaphore, #tpu.memory_space<semaphore_mem>>) src(%dma_wait3A_530 : memref<16x1408xf32, #tpu.memory_space<hbm>>) dst(%arg6 : memref<16x1408xf32, #tpu.memory_space<vmem>>)
      %parallel_loop3A = arith.constant 0 : i32
      %parallel_loop3A_531 = arith.constant 88 : i32
      %parallel_loop3A_532 = arith.constant 1 : i32
      scf.for %parallel_loop3A_607 = %parallel_loop3A to %parallel_loop3A_531 step %parallel_loop3A_532  : i32 {
        %parallel_loop3A_608 = arith.constant 2 : i32
        %parallel_loop3A_609 = arith.muli %parallel_loop3A_607, %parallel_loop3A_608 : i32
        %parallel_loop3A_610 = vector.broadcast %parallel_loop3A_609 : i32 to vector<16xi32>
        %parallel_loop3A_611 = arith.addi %select_n3A, %parallel_loop3A_610 : vector<16xi32>
        %parallel_loop3A_612 = arith.constant 16 : i32
        %parallel_loop3A_613 = arith.muli %parallel_loop3A_607, %parallel_loop3A_612 : i32
        %parallel_loop3A_614 = arith.constant 0 : i32
        %parallel_loop3A_615 = arith.index_cast %parallel_loop3A_614 : i32 to index
        %parallel_loop3A_616 = arith.index_cast %parallel_loop3A_613 : i32 to index
        %parallel_loop3A_617 = tpu.vector_load %arg6[%parallel_loop3A_615, %parallel_loop3A_616] {strides = array<i32>} : memref<16x1408xf32, #tpu.memory_space<vmem>>, vector<16xf32>,
        tpu.vector_store_idx %arg8[%parallel_loop3A_611, %add3A_49], %parallel_loop3A_617 : memref<176x128xf32, #tpu.memory_space<vmem>>[vector<16xi32>, vector<16xi32>], vector<16xf32>,
        %parallel_loop3A_618 = arith.constant 1 : i32
        %parallel_loop3A_619 = arith.index_cast %parallel_loop3A_618 : i32 to index
        %parallel_loop3A_620 = arith.index_cast %parallel_loop3A_613 : i32 to index
        %parallel_loop3A_621 = tpu.vector_load %arg6[%parallel_loop3A_619, %parallel_loop3A_620] {strides = array<i32>} : memref<16x1408xf32, #tpu.memory_space<vmem>>, vector<16xf32>,
        tpu.vector_store_idx %arg8[%parallel_loop3A_611, %add3A_77], %parallel_loop3A_621 : memref<176x128xf32, #tpu.memory_space<vmem>>[vector<16xi32>, vector<16xi32>], vector<16xf32>,
        %parallel_loop3A_622 = arith.constant 2 : i32
        %parallel_loop3A_623 = arith.index_cast %parallel_loop3A_622 : i32 to index
        %parallel_loop3A_624 = arith.index_cast %parallel_loop3A_613 : i32 to index
        %parallel_loop3A_625 = tpu.vector_load %arg6[%parallel_loop3A_623, %parallel_loop3A_624] {strides = array<i32>} : memref<16x1408xf32, #tpu.memory_space<vmem>>, vector<16xf32>,
        tpu.vector_store_idx %arg8[%parallel_loop3A_611, %add3A_105], %parallel_loop3A_625 : memref<176x128xf32, #tpu.memory_space<vmem>>[vector<16xi32>, vector<16xi32>], vector<16xf32>,
        %parallel_loop3A_626 = arith.constant 3 : i32
        %parallel_loop3A_627 = arith.index_cast %parallel_loop3A_626 : i32 to index
        %parallel_loop3A_628 = arith.index_cast %parallel_loop3A_613 : i32 to index
        %parallel_loop3A_629 = tpu.vector_load %arg6[%parallel_loop3A_627, %parallel_loop3A_628] {strides = array<i32>} : memref<16x1408xf32, #tpu.memory_space<vmem>>, vector<16xf32>,
        tpu.vector_store_idx %arg8[%parallel_loop3A_611, %add3A_133], %parallel_loop3A_629 : memref<176x128xf32, #tpu.memory_space<vmem>>[vector<16xi32>, vector<16xi32>], vector<16xf32>,
        %parallel_loop3A_630 = arith.constant 4 : i32
        %parallel_loop3A_631 = arith.index_cast %parallel_loop3A_630 : i32 to index
        %parallel_loop3A_632 = arith.index_cast %parallel_loop3A_613 : i32 to index
        %parallel_loop3A_633 = tpu.vector_load %arg6[%parallel_loop3A_631, %parallel_loop3A_632] {strides = array<i32>} : memref<16x1408xf32, #tpu.memory_space<vmem>>, vector<16xf32>,
        tpu.vector_store_idx %arg8[%parallel_loop3A_611, %add3A_161], %parallel_loop3A_633 : memref<176x128xf32, #tpu.memory_space<vmem>>[vector<16xi32>, vector<16xi32>], vector<16xf32>,
        %parallel_loop3A_634 = arith.constant 5 : i32
        %parallel_loop3A_635 = arith.index_cast %parallel_loop3A_634 : i32 to index
        %parallel_loop3A_636 = arith.index_cast %parallel_loop3A_613 : i32 to index
        %parallel_loop3A_637 = tpu.vector_load %arg6[%parallel_loop3A_635, %parallel_loop3A_636] {strides = array<i32>} : memref<16x1408xf32, #tpu.memory_space<vmem>>, vector<16xf32>,
        tpu.vector_store_idx %arg8[%parallel_loop3A_611, %add3A_189], %parallel_loop3A_637 : memref<176x128xf32, #tpu.memory_space<vmem>>[vector<16xi32>, vector<16xi32>], vector<16xf32>,
        %parallel_loop3A_638 = arith.constant 6 : i32
        %parallel_loop3A_639 = arith.index_cast %parallel_loop3A_638 : i32 to index
        %parallel_loop3A_640 = arith.index_cast %parallel_loop3A_613 : i32 to index
        %parallel_loop3A_641 = tpu.vector_load %arg6[%parallel_loop3A_639, %parallel_loop3A_640] {strides = array<i32>} : memref<16x1408xf32, #tpu.memory_space<vmem>>, vector<16xf32>,
        tpu.vector_store_idx %arg8[%parallel_loop3A_611, %add3A_217], %parallel_loop3A_641 : memref<176x128xf32, #tpu.memory_space<vmem>>[vector<16xi32>, vector<16xi32>], vector<16xf32>,
        %parallel_loop3A_642 = arith.constant 7 : i32
        %parallel_loop3A_643 = arith.index_cast %parallel_loop3A_642 : i32 to index
        %parallel_loop3A_644 = arith.index_cast %parallel_loop3A_613 : i32 to index
        %parallel_loop3A_645 = tpu.vector_load %arg6[%parallel_loop3A_643, %parallel_loop3A_644] {strides = array<i32>} : memref<16x1408xf32, #tpu.memory_space<vmem>>, vector<16xf32>,
        tpu.vector_store_idx %arg8[%parallel_loop3A_611, %add3A_245], %parallel_loop3A_645 : memref<176x128xf32, #tpu.memory_space<vmem>>[vector<16xi32>, vector<16xi32>], vector<16xf32>,
        %parallel_loop3A_646 = arith.constant 8 : i32
        %parallel_loop3A_647 = arith.index_cast %parallel_loop3A_646 : i32 to index
        %parallel_loop3A_648 = arith.index_cast %parallel_loop3A_613 : i32 to index
        %parallel_loop3A_649 = tpu.vector_load %arg6[%parallel_loop3A_647, %parallel_loop3A_648] {strides = array<i32>} : memref<16x1408xf32, #tpu.memory_space<vmem>>, vector<16xf32>,
        tpu.vector_store_idx %arg8[%parallel_loop3A_611, %add3A_273], %parallel_loop3A_649 : memref<176x128xf32, #tpu.memory_space<vmem>>[vector<16xi32>, vector<16xi32>], vector<16xf32>,
        %parallel_loop3A_650 = arith.constant 9 : i32
        %parallel_loop3A_651 = arith.index_cast %parallel_loop3A_650 : i32 to index
        %parallel_loop3A_652 = arith.index_cast %parallel_loop3A_613 : i32 to index
        %parallel_loop3A_653 = tpu.vector_load %arg6[%parallel_loop3A_651, %parallel_loop3A_652] {strides = array<i32>} : memref<16x1408xf32, #tpu.memory_space<vmem>>, vector<16xf32>,
        tpu.vector_store_idx %arg8[%parallel_loop3A_611, %add3A_301], %parallel_loop3A_653 : memref<176x128xf32, #tpu.memory_space<vmem>>[vector<16xi32>, vector<16xi32>], vector<16xf32>,
        %parallel_loop3A_654 = arith.constant 10 : i32
        %parallel_loop3A_655 = arith.index_cast %parallel_loop3A_654 : i32 to index
        %parallel_loop3A_656 = arith.index_cast %parallel_loop3A_613 : i32 to index
        %parallel_loop3A_657 = tpu.vector_load %arg6[%parallel_loop3A_655, %parallel_loop3A_656] {strides = array<i32>} : memref<16x1408xf32, #tpu.memory_space<vmem>>, vector<16xf32>,
        tpu.vector_store_idx %arg8[%parallel_loop3A_611, %add3A_329], %parallel_loop3A_657 : memref<176x128xf32, #tpu.memory_space<vmem>>[vector<16xi32>, vector<16xi32>], vector<16xf32>,
        %parallel_loop3A_658 = arith.constant 11 : i32
        %parallel_loop3A_659 = arith.index_cast %parallel_loop3A_658 : i32 to index
        %parallel_loop3A_660 = arith.index_cast %parallel_loop3A_613 : i32 to index
        %parallel_loop3A_661 = tpu.vector_load %arg6[%parallel_loop3A_659, %parallel_loop3A_660] {strides = array<i32>} : memref<16x1408xf32, #tpu.memory_space<vmem>>, vector<16xf32>,
        tpu.vector_store_idx %arg8[%parallel_loop3A_611, %add3A_357], %parallel_loop3A_661 : memref<176x128xf32, #tpu.memory_space<vmem>>[vector<16xi32>, vector<16xi32>], vector<16xf32>,
        %parallel_loop3A_662 = arith.constant 12 : i32
        %parallel_loop3A_663 = arith.index_cast %parallel_loop3A_662 : i32 to index
        %parallel_loop3A_664 = arith.index_cast %parallel_loop3A_613 : i32 to index
        %parallel_loop3A_665 = tpu.vector_load %arg6[%parallel_loop3A_663, %parallel_loop3A_664] {strides = array<i32>} : memref<16x1408xf32, #tpu.memory_space<vmem>>, vector<16xf32>,
        tpu.vector_store_idx %arg8[%parallel_loop3A_611, %add3A_385], %parallel_loop3A_665 : memref<176x128xf32, #tpu.memory_space<vmem>>[vector<16xi32>, vector<16xi32>], vector<16xf32>,
        %parallel_loop3A_666 = arith.constant 13 : i32
        %parallel_loop3A_667 = arith.index_cast %parallel_loop3A_666 : i32 to index
        %parallel_loop3A_668 = arith.index_cast %parallel_loop3A_613 : i32 to index
        %parallel_loop3A_669 = tpu.vector_load %arg6[%parallel_loop3A_667, %parallel_loop3A_668] {strides = array<i32>} : memref<16x1408xf32, #tpu.memory_space<vmem>>, vector<16xf32>,
        tpu.vector_store_idx %arg8[%parallel_loop3A_611, %add3A_413], %parallel_loop3A_669 : memref<176x128xf32, #tpu.memory_space<vmem>>[vector<16xi32>, vector<16xi32>], vector<16xf32>,
        %parallel_loop3A_670 = arith.constant 14 : i32
        %parallel_loop3A_671 = arith.index_cast %parallel_loop3A_670 : i32 to index
        %parallel_loop3A_672 = arith.index_cast %parallel_loop3A_613 : i32 to index
        %parallel_loop3A_673 = tpu.vector_load %arg6[%parallel_loop3A_671, %parallel_loop3A_672] {strides = array<i32>} : memref<16x1408xf32, #tpu.memory_space<vmem>>, vector<16xf32>,
        tpu.vector_store_idx %arg8[%parallel_loop3A_611, %add3A_441], %parallel_loop3A_673 : memref<176x128xf32, #tpu.memory_space<vmem>>[vector<16xi32>, vector<16xi32>], vector<16xf32>,
        %parallel_loop3A_674 = arith.constant 15 : i32
        %parallel_loop3A_675 = arith.index_cast %parallel_loop3A_674 : i32 to index
        %parallel_loop3A_676 = arith.index_cast %parallel_loop3A_613 : i32 to index
        %parallel_loop3A_677 = tpu.vector_load %arg6[%parallel_loop3A_675, %parallel_loop3A_676] {strides = array<i32>} : memref<16x1408xf32, #tpu.memory_space<vmem>>, vector<16xf32>,
        tpu.vector_store_idx %arg8[%parallel_loop3A_611, %add3A_469], %parallel_loop3A_677 : memref<176x128xf32, #tpu.memory_space<vmem>>[vector<16xi32>, vector<16xi32>], vector<16xf32>,
      } {sc.loop_unroll_factor = 1 : i64, sc.parallel_access}
      %jit3A_533 = arith.constant 71 : i32
      %div3A_534 = arith.divsi %add3A_483, %jit3A_533 : i32
      %sign3A_535 = arith.constant 0 : i32
      %sign3A_536 = arith.cmpi sgt, %add3A_483, %sign3A_535 : i32
      %sign3A_537 = arith.extui %sign3A_536 : i1 to i32
      %sign3A_538 = arith.constant 0 : i32
      %sign3A_539 = arith.cmpi slt, %add3A_483, %sign3A_538 : i32
      %sign3A_540 = arith.extui %sign3A_539 : i1 to i32
      %sign3A_541 = arith.subi %sign3A_537, %sign3A_540 : i32
      %sign3A_542 = arith.constant 0 : i32
      %sign3A_543 = arith.cmpi sgt, %jit3A_533, %sign3A_542 : i32
      %sign3A_544 = arith.extui %sign3A_543 : i1 to i32
      %sign3A_545 = arith.constant 0 : i32
      %sign3A_546 = arith.cmpi slt, %jit3A_533, %sign3A_545 : i32
      %sign3A_547 = arith.extui %sign3A_546 : i1 to i32
      %sign3A_548 = arith.subi %sign3A_544, %sign3A_547 : i32
      %ne3A_549 = arith.cmpi ne, %sign3A_541, %sign3A_548 : i32
      %rem3A_550 = arith.remsi %add3A_483, %jit3A_533 : i32
      %ne3A_551 = arith.constant 0 : i32
      %ne3A_552 = arith.cmpi ne, %rem3A_550, %ne3A_551 : i32
      %and3A_553 = arith.andi %ne3A_549, %ne3A_552 : i1
      %sub3A_554 = arith.constant 1 : i32
      %sub3A_555 = arith.subi %div3A_534, %sub3A_554 : i32
      %select_n3A_556 = arith.select %and3A_553, %sub3A_555, %div3A_534 : i32
      %jit3A_557 = arith.constant 71 : i32
      %eq3A_558 = arith.constant 0 : i32
      %eq3A_559 = arith.cmpi eq, %jit3A_557, %eq3A_558 : i32
      %jit3A_560 = arith.constant 1 : i32
      %select_n3A_561 = arith.select %eq3A_559, %jit3A_560, %jit3A_557 : i32
      %rem3A_562 = arith.remsi %add3A_483, %select_n3A_561 : i32
      %ne3A_563 = arith.constant 0 : i32
      %ne3A_564 = arith.cmpi ne, %rem3A_562, %ne3A_563 : i32
      %lt3A_565 = arith.constant 0 : i32
      %lt3A_566 = arith.cmpi slt, %rem3A_562, %lt3A_565 : i32
      %lt3A_567 = arith.constant 0 : i32
      %lt3A_568 = arith.cmpi slt, %select_n3A_561, %lt3A_567 : i32
      %ne3A_569 = arith.xori %lt3A_566, %lt3A_568 : i1
      %and3A_570 = arith.andi %ne3A_569, %ne3A_564 : i1
      %add3A_571 = arith.addi %rem3A_562, %select_n3A_561 : i32
      %select_n3A_572 = arith.select %and3A_570, %add3A_571, %rem3A_562 : i32
      %mul3A_573 = arith.constant 1408 : i32
      %mul3A_574 = arith.muli %select_n3A_572, %mul3A_573 : i32
      %multiple_of3A = tpu.assume_multiple %mul3A_574, 128 : i32
      %mul3A_575 = arith.constant 16 : i32
      %mul3A_576 = arith.muli %multiple_of3A, %mul3A_575 : i32
      %jit3A_577 = arith.constant 128 : i32
      %div3A_578 = arith.divsi %mul3A_576, %jit3A_577 : i32
      %sign3A_579 = arith.constant 0 : i32
      %sign3A_580 = arith.cmpi sgt, %mul3A_576, %sign3A_579 : i32
      %sign3A_581 = arith.extui %sign3A_580 : i1 to i32
      %sign3A_582 = arith.constant 0 : i32
      %sign3A_583 = arith.cmpi slt, %mul3A_576, %sign3A_582 : i32
      %sign3A_584 = arith.extui %sign3A_583 : i1 to i32
      %sign3A_585 = arith.subi %sign3A_581, %sign3A_584 : i32
      %sign3A_586 = arith.constant 0 : i32
      %sign3A_587 = arith.cmpi sgt, %jit3A_577, %sign3A_586 : i32
      %sign3A_588 = arith.extui %sign3A_587 : i1 to i32
      %sign3A_589 = arith.constant 0 : i32
      %sign3A_590 = arith.cmpi slt, %jit3A_577, %sign3A_589 : i32
      %sign3A_591 = arith.extui %sign3A_590 : i1 to i32
      %sign3A_592 = arith.subi %sign3A_588, %sign3A_591 : i32
      %ne3A_593 = arith.cmpi ne, %sign3A_585, %sign3A_592 : i32
      %rem3A_594 = arith.remsi %mul3A_576, %jit3A_577 : i32
      %ne3A_595 = arith.constant 0 : i32
      %ne3A_596 = arith.cmpi ne, %rem3A_594, %ne3A_595 : i32
      %and3A_597 = arith.andi %ne3A_593, %ne3A_596 : i1
      %sub3A_598 = arith.constant 1 : i32
      %sub3A_599 = arith.subi %div3A_578, %sub3A_598 : i32
      %select_n3A_600 = arith.select %and3A_597, %sub3A_599, %div3A_578 : i32
      %multiple_of3A_601 = tpu.assume_multiple %select_n3A_600, 8 : i32
      %dma_start3A = arith.constant 0 : i32
      %dma_start3A_602 = tpu.memref_slice %arg4[%select_n3A_556, %multiple_of3A_601, %dma_start3A] : memref<26x12504x128xf32, #tpu.memory_space<hbm>> -> memref<1x176x128xf32, #tpu.memory_space<hbm>>
      %dma_start3A_603 = tpu.memref_squeeze %dma_start3A_602 : memref<1x176x128xf32, #tpu.memory_space<hbm>> -> memref<176x128xf32, #tpu.memory_space<hbm>>
      %dma_start3A_604 = arith.constant 0 : i32
      %dma_start3A_605 = tpu.memref_slice %arg4[%select_n3A_556, %multiple_of3A_601, %dma_start3A_604] : memref<26x12504x128xf32, #tpu.memory_space<hbm>> -> memref<1x176x128xf32, #tpu.memory_space<hbm>>
      %dma_start3A_606 = tpu.memref_squeeze %dma_start3A_605 : memref<1x176x128xf32, #tpu.memory_space<hbm>> -> memref<176x128xf32, #tpu.memory_space<hbm>>
      tpu.enqueue_dma source(%arg8 : memref<176x128xf32, #tpu.memory_space<vmem>>) target(%dma_start3A_606 : memref<176x128xf32, #tpu.memory_space<hbm>>) target_semaphore(%arg13 : memref<!tpu.dma_semaphore, #tpu.memory_space<semaphore_mem>>)
    } else {
    }
    %scan3A = arith.constant 1 : i32
    %scan3A_489 = arith.constant 28 : i32
    %scan3A_490 = arith.addi %scan3A, %scan3A_489 : i32
    %scan3A_491 = arith.constant 1 : i32
    scf.for %scan3A_515 = %scan3A to %scan3A_490 step %scan3A_491  : i32 {
      %mul3A_516 = arith.constant 2 : i32
      %mul3A_517 = arith.muli %scan3A_515, %mul3A_516 : i32
      %add3A_518 = arith.constant 0 : i32
      %add3A_519 = arith.addi %mul3A_517, %add3A_518 : i32
      %mul3A_520 = arith.constant 32 : i32
      %mul3A_521 = arith.muli %mul3A_520, %add3A_519 : i32
      %add3A_522 = arith.addi %add3A, %mul3A_521 : i32
      %lt3A_523 = arith.constant 1846 : i32
      %lt3A_524 = arith.cmpi slt, %add3A_522, %lt3A_523 : i32
      %convert_element_type3A_525 = arith.extui %lt3A_524 : i1 to i32
      %cond3A_526 = arith.constant 0 : i32
      %cond3A_527 = arith.cmpi ne, %convert_element_type3A_525, %cond3A_526 : i32
      scf.if %cond3A_527 {
        %add3A_540 = arith.constant 1 : i32
        %add3A_541 = arith.addi %add3A_519, %add3A_540 : i32
        %mul3A_542 = arith.constant 32 : i32
        %mul3A_543 = arith.muli %mul3A_542, %add3A_541 : i32
        %add3A_544 = arith.addi %add3A, %mul3A_543 : i32
        %lt3A_545 = arith.constant 1846 : i32
        %lt3A_546 = arith.cmpi slt, %add3A_544, %lt3A_545 : i32
        %convert_element_type3A_547 = arith.extui %lt3A_546 : i1 to i32
        %cond3A_548 = arith.constant 0 : i32
        %cond3A_549 = arith.cmpi ne, %convert_element_type3A_547, %cond3A_548 : i32
        scf.if %cond3A_549 {
          %jit3A_644 = arith.constant 71 : i32
          %div3A_645 = arith.divsi %add3A_544, %jit3A_644 : i32
          %sign3A_646 = arith.constant 0 : i32
          %sign3A_647 = arith.cmpi sgt, %add3A_544, %sign3A_646 : i32
          %sign3A_648 = arith.extui %sign3A_647 : i1 to i32
          %sign3A_649 = arith.constant 0 : i32
          %sign3A_650 = arith.cmpi slt, %add3A_544, %sign3A_649 : i32
          %sign3A_651 = arith.extui %sign3A_650 : i1 to i32
          %sign3A_652 = arith.subi %sign3A_648, %sign3A_651 : i32
          %sign3A_653 = arith.constant 0 : i32
          %sign3A_654 = arith.cmpi sgt, %jit3A_644, %sign3A_653 : i32
          %sign3A_655 = arith.extui %sign3A_654 : i1 to i32
          %sign3A_656 = arith.constant 0 : i32
          %sign3A_657 = arith.cmpi slt, %jit3A_644, %sign3A_656 : i32
          %sign3A_658 = arith.extui %sign3A_657 : i1 to i32
          %sign3A_659 = arith.subi %sign3A_655, %sign3A_658 : i32
          %ne3A_660 = arith.cmpi ne, %sign3A_652, %sign3A_659 : i32
          %rem3A_661 = arith.remsi %add3A_544, %jit3A_644 : i32
          %ne3A_662 = arith.constant 0 : i32
          %ne3A_663 = arith.cmpi ne, %rem3A_661, %ne3A_662 : i32
          %and3A_664 = arith.andi %ne3A_660, %ne3A_663 : i1
          %sub3A_665 = arith.constant 1 : i32
          %sub3A_666 = arith.subi %div3A_645, %sub3A_665 : i32
          %select_n3A_667 = arith.select %and3A_664, %sub3A_666, %div3A_645 : i32
          %jit3A_668 = arith.constant 71 : i32
          %eq3A_669 = arith.constant 0 : i32
          %eq3A_670 = arith.cmpi eq, %jit3A_668, %eq3A_669 : i32
          %jit3A_671 = arith.constant 1 : i32
          %select_n3A_672 = arith.select %eq3A_670, %jit3A_671, %jit3A_668 : i32
          %rem3A_673 = arith.remsi %add3A_544, %select_n3A_672 : i32
          %ne3A_674 = arith.constant 0 : i32
          %ne3A_675 = arith.cmpi ne, %rem3A_673, %ne3A_674 : i32
          %lt3A_676 = arith.constant 0 : i32
          %lt3A_677 = arith.cmpi slt, %rem3A_673, %lt3A_676 : i32
          %lt3A_678 = arith.constant 0 : i32
          %lt3A_679 = arith.cmpi slt, %select_n3A_672, %lt3A_678 : i32
          %ne3A_680 = arith.xori %lt3A_677, %lt3A_679 : i1
          %and3A_681 = arith.andi %ne3A_680, %ne3A_675 : i1
          %add3A_682 = arith.addi %rem3A_673, %select_n3A_672 : i32
          %select_n3A_683 = arith.select %and3A_681, %add3A_682, %rem3A_673 : i32
          %mul3A_684 = arith.constant 1408 : i32
          %mul3A_685 = arith.muli %select_n3A_683, %mul3A_684 : i32
          %multiple_of3A_686 = tpu.assume_multiple %mul3A_685, 128 : i32
          %dma_start3A_687 = arith.constant 0 : i32
          %dma_start3A_688 = tpu.memref_slice %arg2[%select_n3A_667, %dma_start3A_687, %multiple_of3A_686] : memref<26x16x100000xf32, #tpu.memory_space<hbm>> -> memref<1x16x1408xf32, #tpu.memory_space<hbm>>
          %dma_start3A_689 = tpu.memref_squeeze %dma_start3A_688 : memref<1x16x1408xf32, #tpu.memory_space<hbm>> -> memref<16x1408xf32, #tpu.memory_space<hbm>>
          %dma_start3A_690 = arith.constant 0 : i32
          %dma_start3A_691 = tpu.memref_slice %arg2[%select_n3A_667, %dma_start3A_690, %multiple_of3A_686] : memref<26x16x100000xf32, #tpu.memory_space<hbm>> -> memref<1x16x1408xf32, #tpu.memory_space<hbm>>
          %dma_start3A_692 = tpu.memref_squeeze %dma_start3A_691 : memref<1x16x1408xf32, #tpu.memory_space<hbm>> -> memref<16x1408xf32, #tpu.memory_space<hbm>>
          tpu.enqueue_dma source(%dma_start3A_692 : memref<16x1408xf32, #tpu.memory_space<hbm>>) target(%arg6 : memref<16x1408xf32, #tpu.memory_space<vmem>>) target_semaphore(%arg11 : memref<!tpu.dma_semaphore, #tpu.memory_space<semaphore_mem>>)
        } else {
        }
        %dma_wait3A_550 = arith.constant 0 : i32
        %dma_wait3A_551 = arith.constant 0 : i32
        %dma_wait3A_552 = arith.constant 0 : i32
        %dma_wait3A_553 = tpu.memref_slice %arg2[%dma_wait3A_550, %dma_wait3A_551, %dma_wait3A_552] : memref<26x16x100000xf32, #tpu.memory_space<hbm>> -> memref<1x16x1408xf32, #tpu.memory_space<hbm>>
        %dma_wait3A_554 = tpu.memref_squeeze %dma_wait3A_553 : memref<1x16x1408xf32, #tpu.memory_space<hbm>> -> memref<16x1408xf32, #tpu.memory_space<hbm>>
        %dma_wait3A_555 = arith.constant 0 : i32
        %dma_wait3A_556 = arith.constant 0 : i32
        %dma_wait3A_557 = tpu.memref_slice %arg2[%dma_wait3A_550, %dma_wait3A_555, %dma_wait3A_556] : memref<26x16x100000xf32, #tpu.memory_space<hbm>> -> memref<1x16x1408xf32, #tpu.memory_space<hbm>>
        %dma_wait3A_558 = tpu.memref_squeeze %dma_wait3A_557 : memref<1x16x1408xf32, #tpu.memory_space<hbm>> -> memref<16x1408xf32, #tpu.memory_space<hbm>>
        tpu.wait_dma2 semaphore(%arg10 : memref<!tpu.dma_semaphore, #tpu.memory_space<semaphore_mem>>) src(%dma_wait3A_558 : memref<16x1408xf32, #tpu.memory_space<hbm>>) dst(%arg5 : memref<16x1408xf32, #tpu.memory_space<vmem>>)
        %dma_wait3A_559 = arith.constant 0 : i32
        %dma_wait3A_560 = arith.constant 0 : i32
        %dma_wait3A_561 = arith.constant 0 : i32
        %dma_wait3A_562 = tpu.memref_slice %arg4[%dma_wait3A_559, %dma_wait3A_560, %dma_wait3A_561] : memref<26x12504x128xf32, #tpu.memory_space<hbm>> -> memref<1x176x128xf32, #tpu.memory_space<hbm>>
        %dma_wait3A_563 = tpu.memref_squeeze %dma_wait3A_562 : memref<1x176x128xf32, #tpu.memory_space<hbm>> -> memref<176x128xf32, #tpu.memory_space<hbm>>
        %dma_wait3A_564 = arith.constant 0 : i32
        %dma_wait3A_565 = arith.constant 0 : i32
        %dma_wait3A_566 = tpu.memref_slice %arg4[%dma_wait3A_559, %dma_wait3A_564, %dma_wait3A_565] : memref<26x12504x128xf32, #tpu.memory_space<hbm>> -> memref<1x176x128xf32, #tpu.memory_space<hbm>>
        %dma_wait3A_567 = tpu.memref_squeeze %dma_wait3A_566 : memref<1x176x128xf32, #tpu.memory_space<hbm>> -> memref<176x128xf32, #tpu.memory_space<hbm>>
        tpu.wait_dma2 semaphore(%arg12 : memref<!tpu.dma_semaphore, #tpu.memory_space<semaphore_mem>>) src(%dma_wait3A_567 : memref<176x128xf32, #tpu.memory_space<hbm>>) dst(%arg7 : memref<176x128xf32, #tpu.memory_space<vmem>>)
        %parallel_loop3A = arith.constant 0 : i32
        %parallel_loop3A_568 = arith.constant 88 : i32
        %parallel_loop3A_569 = arith.constant 1 : i32
        scf.for %parallel_loop3A_644 = %parallel_loop3A to %parallel_loop3A_568 step %parallel_loop3A_569  : i32 {
          %parallel_loop3A_645 = arith.constant 2 : i32
          %parallel_loop3A_646 = arith.muli %parallel_loop3A_644, %parallel_loop3A_645 : i32
          %parallel_loop3A_647 = vector.broadcast %parallel_loop3A_646 : i32 to vector<16xi32>
          %parallel_loop3A_648 = arith.addi %select_n3A, %parallel_loop3A_647 : vector<16xi32>
          %parallel_loop3A_649 = arith.constant 16 : i32
          %parallel_loop3A_650 = arith.muli %parallel_loop3A_644, %parallel_loop3A_649 : i32
          %parallel_loop3A_651 = arith.constant 0 : i32
          %parallel_loop3A_652 = arith.index_cast %parallel_loop3A_651 : i32 to index
          %parallel_loop3A_653 = arith.index_cast %parallel_loop3A_650 : i32 to index
          %parallel_loop3A_654 = tpu.vector_load %arg5[%parallel_loop3A_652, %parallel_loop3A_653] {strides = array<i32>} : memref<16x1408xf32, #tpu.memory_space<vmem>>, vector<16xf32>,
          tpu.vector_store_idx %arg7[%parallel_loop3A_648, %add3A_49], %parallel_loop3A_654 : memref<176x128xf32, #tpu.memory_space<vmem>>[vector<16xi32>, vector<16xi32>], vector<16xf32>,
          %parallel_loop3A_655 = arith.constant 1 : i32
          %parallel_loop3A_656 = arith.index_cast %parallel_loop3A_655 : i32 to index
          %parallel_loop3A_657 = arith.index_cast %parallel_loop3A_650 : i32 to index
          %parallel_loop3A_658 = tpu.vector_load %arg5[%parallel_loop3A_656, %parallel_loop3A_657] {strides = array<i32>} : memref<16x1408xf32, #tpu.memory_space<vmem>>, vector<16xf32>,
          tpu.vector_store_idx %arg7[%parallel_loop3A_648, %add3A_77], %parallel_loop3A_658 : memref<176x128xf32, #tpu.memory_space<vmem>>[vector<16xi32>, vector<16xi32>], vector<16xf32>,
          %parallel_loop3A_659 = arith.constant 2 : i32
          %parallel_loop3A_660 = arith.index_cast %parallel_loop3A_659 : i32 to index
          %parallel_loop3A_661 = arith.index_cast %parallel_loop3A_650 : i32 to index
          %parallel_loop3A_662 = tpu.vector_load %arg5[%parallel_loop3A_660, %parallel_loop3A_661] {strides = array<i32>} : memref<16x1408xf32, #tpu.memory_space<vmem>>, vector<16xf32>,
          tpu.vector_store_idx %arg7[%parallel_loop3A_648, %add3A_105], %parallel_loop3A_662 : memref<176x128xf32, #tpu.memory_space<vmem>>[vector<16xi32>, vector<16xi32>], vector<16xf32>,
          %parallel_loop3A_663 = arith.constant 3 : i32
          %parallel_loop3A_664 = arith.index_cast %parallel_loop3A_663 : i32 to index
          %parallel_loop3A_665 = arith.index_cast %parallel_loop3A_650 : i32 to index
          %parallel_loop3A_666 = tpu.vector_load %arg5[%parallel_loop3A_664, %parallel_loop3A_665] {strides = array<i32>} : memref<16x1408xf32, #tpu.memory_space<vmem>>, vector<16xf32>,
          tpu.vector_store_idx %arg7[%parallel_loop3A_648, %add3A_133], %parallel_loop3A_666 : memref<176x128xf32, #tpu.memory_space<vmem>>[vector<16xi32>, vector<16xi32>], vector<16xf32>,
          %parallel_loop3A_667 = arith.constant 4 : i32
          %parallel_loop3A_668 = arith.index_cast %parallel_loop3A_667 : i32 to index
          %parallel_loop3A_669 = arith.index_cast %parallel_loop3A_650 : i32 to index
          %parallel_loop3A_670 = tpu.vector_load %arg5[%parallel_loop3A_668, %parallel_loop3A_669] {strides = array<i32>} : memref<16x1408xf32, #tpu.memory_space<vmem>>, vector<16xf32>,
          tpu.vector_store_idx %arg7[%parallel_loop3A_648, %add3A_161], %parallel_loop3A_670 : memref<176x128xf32, #tpu.memory_space<vmem>>[vector<16xi32>, vector<16xi32>], vector<16xf32>,
          %parallel_loop3A_671 = arith.constant 5 : i32
          %parallel_loop3A_672 = arith.index_cast %parallel_loop3A_671 : i32 to index
          %parallel_loop3A_673 = arith.index_cast %parallel_loop3A_650 : i32 to index
          %parallel_loop3A_674 = tpu.vector_load %arg5[%parallel_loop3A_672, %parallel_loop3A_673] {strides = array<i32>} : memref<16x1408xf32, #tpu.memory_space<vmem>>, vector<16xf32>,
          tpu.vector_store_idx %arg7[%parallel_loop3A_648, %add3A_189], %parallel_loop3A_674 : memref<176x128xf32, #tpu.memory_space<vmem>>[vector<16xi32>, vector<16xi32>], vector<16xf32>,
          %parallel_loop3A_675 = arith.constant 6 : i32
          %parallel_loop3A_676 = arith.index_cast %parallel_loop3A_675 : i32 to index
          %parallel_loop3A_677 = arith.index_cast %parallel_loop3A_650 : i32 to index
          %parallel_loop3A_678 = tpu.vector_load %arg5[%parallel_loop3A_676, %parallel_loop3A_677] {strides = array<i32>} : memref<16x1408xf32, #tpu.memory_space<vmem>>, vector<16xf32>,
          tpu.vector_store_idx %arg7[%parallel_loop3A_648, %add3A_217], %parallel_loop3A_678 : memref<176x128xf32, #tpu.memory_space<vmem>>[vector<16xi32>, vector<16xi32>], vector<16xf32>,
          %parallel_loop3A_679 = arith.constant 7 : i32
          %parallel_loop3A_680 = arith.index_cast %parallel_loop3A_679 : i32 to index
          %parallel_loop3A_681 = arith.index_cast %parallel_loop3A_650 : i32 to index
          %parallel_loop3A_682 = tpu.vector_load %arg5[%parallel_loop3A_680, %parallel_loop3A_681] {strides = array<i32>} : memref<16x1408xf32, #tpu.memory_space<vmem>>, vector<16xf32>,
          tpu.vector_store_idx %arg7[%parallel_loop3A_648, %add3A_245], %parallel_loop3A_682 : memref<176x128xf32, #tpu.memory_space<vmem>>[vector<16xi32>, vector<16xi32>], vector<16xf32>,
          %parallel_loop3A_683 = arith.constant 8 : i32
          %parallel_loop3A_684 = arith.index_cast %parallel_loop3A_683 : i32 to index
          %parallel_loop3A_685 = arith.index_cast %parallel_loop3A_650 : i32 to index
          %parallel_loop3A_686 = tpu.vector_load %arg5[%parallel_loop3A_684, %parallel_loop3A_685] {strides = array<i32>} : memref<16x1408xf32, #tpu.memory_space<vmem>>, vector<16xf32>,
          tpu.vector_store_idx %arg7[%parallel_loop3A_648, %add3A_273], %parallel_loop3A_686 : memref<176x128xf32, #tpu.memory_space<vmem>>[vector<16xi32>, vector<16xi32>], vector<16xf32>,
          %parallel_loop3A_687 = arith.constant 9 : i32
          %parallel_loop3A_688 = arith.index_cast %parallel_loop3A_687 : i32 to index
          %parallel_loop3A_689 = arith.index_cast %parallel_loop3A_650 : i32 to index
          %parallel_loop3A_690 = tpu.vector_load %arg5[%parallel_loop3A_688, %parallel_loop3A_689] {strides = array<i32>} : memref<16x1408xf32, #tpu.memory_space<vmem>>, vector<16xf32>,
          tpu.vector_store_idx %arg7[%parallel_loop3A_648, %add3A_301], %parallel_loop3A_690 : memref<176x128xf32, #tpu.memory_space<vmem>>[vector<16xi32>, vector<16xi32>], vector<16xf32>,
          %parallel_loop3A_691 = arith.constant 10 : i32
          %parallel_loop3A_692 = arith.index_cast %parallel_loop3A_691 : i32 to index
          %parallel_loop3A_693 = arith.index_cast %parallel_loop3A_650 : i32 to index
          %parallel_loop3A_694 = tpu.vector_load %arg5[%parallel_loop3A_692, %parallel_loop3A_693] {strides = array<i32>} : memref<16x1408xf32, #tpu.memory_space<vmem>>, vector<16xf32>,
          tpu.vector_store_idx %arg7[%parallel_loop3A_648, %add3A_329], %parallel_loop3A_694 : memref<176x128xf32, #tpu.memory_space<vmem>>[vector<16xi32>, vector<16xi32>], vector<16xf32>,
          %parallel_loop3A_695 = arith.constant 11 : i32
          %parallel_loop3A_696 = arith.index_cast %parallel_loop3A_695 : i32 to index
          %parallel_loop3A_697 = arith.index_cast %parallel_loop3A_650 : i32 to index
          %parallel_loop3A_698 = tpu.vector_load %arg5[%parallel_loop3A_696, %parallel_loop3A_697] {strides = array<i32>} : memref<16x1408xf32, #tpu.memory_space<vmem>>, vector<16xf32>,
          tpu.vector_store_idx %arg7[%parallel_loop3A_648, %add3A_357], %parallel_loop3A_698 : memref<176x128xf32, #tpu.memory_space<vmem>>[vector<16xi32>, vector<16xi32>], vector<16xf32>,
          %parallel_loop3A_699 = arith.constant 12 : i32
          %parallel_loop3A_700 = arith.index_cast %parallel_loop3A_699 : i32 to index
          %parallel_loop3A_701 = arith.index_cast %parallel_loop3A_650 : i32 to index
          %parallel_loop3A_702 = tpu.vector_load %arg5[%parallel_loop3A_700, %parallel_loop3A_701] {strides = array<i32>} : memref<16x1408xf32, #tpu.memory_space<vmem>>, vector<16xf32>,
          tpu.vector_store_idx %arg7[%parallel_loop3A_648, %add3A_385], %parallel_loop3A_702 : memref<176x128xf32, #tpu.memory_space<vmem>>[vector<16xi32>, vector<16xi32>], vector<16xf32>,
          %parallel_loop3A_703 = arith.constant 13 : i32
          %parallel_loop3A_704 = arith.index_cast %parallel_loop3A_703 : i32 to index
          %parallel_loop3A_705 = arith.index_cast %parallel_loop3A_650 : i32 to index
          %parallel_loop3A_706 = tpu.vector_load %arg5[%parallel_loop3A_704, %parallel_loop3A_705] {strides = array<i32>} : memref<16x1408xf32, #tpu.memory_space<vmem>>, vector<16xf32>,
          tpu.vector_store_idx %arg7[%parallel_loop3A_648, %add3A_413], %parallel_loop3A_706 : memref<176x128xf32, #tpu.memory_space<vmem>>[vector<16xi32>, vector<16xi32>], vector<16xf32>,
          %parallel_loop3A_707 = arith.constant 14 : i32
          %parallel_loop3A_708 = arith.index_cast %parallel_loop3A_707 : i32 to index
          %parallel_loop3A_709 = arith.index_cast %parallel_loop3A_650 : i32 to index
          %parallel_loop3A_710 = tpu.vector_load %arg5[%parallel_loop3A_708, %parallel_loop3A_709] {strides = array<i32>} : memref<16x1408xf32, #tpu.memory_space<vmem>>, vector<16xf32>,
          tpu.vector_store_idx %arg7[%parallel_loop3A_648, %add3A_441], %parallel_loop3A_710 : memref<176x128xf32, #tpu.memory_space<vmem>>[vector<16xi32>, vector<16xi32>], vector<16xf32>,
          %parallel_loop3A_711 = arith.constant 15 : i32
          %parallel_loop3A_712 = arith.index_cast %parallel_loop3A_711 : i32 to index
          %parallel_loop3A_713 = arith.index_cast %parallel_loop3A_650 : i32 to index
          %parallel_loop3A_714 = tpu.vector_load %arg5[%parallel_loop3A_712, %parallel_loop3A_713] {strides = array<i32>} : memref<16x1408xf32, #tpu.memory_space<vmem>>, vector<16xf32>,
          tpu.vector_store_idx %arg7[%parallel_loop3A_648, %add3A_469], %parallel_loop3A_714 : memref<176x128xf32, #tpu.memory_space<vmem>>[vector<16xi32>, vector<16xi32>], vector<16xf32>,
        } {sc.loop_unroll_factor = 1 : i64, sc.parallel_access}
        %jit3A_570 = arith.constant 71 : i32
        %div3A_571 = arith.divsi %add3A_522, %jit3A_570 : i32
        %sign3A_572 = arith.constant 0 : i32
        %sign3A_573 = arith.cmpi sgt, %add3A_522, %sign3A_572 : i32
        %sign3A_574 = arith.extui %sign3A_573 : i1 to i32
        %sign3A_575 = arith.constant 0 : i32
        %sign3A_576 = arith.cmpi slt, %add3A_522, %sign3A_575 : i32
        %sign3A_577 = arith.extui %sign3A_576 : i1 to i32
        %sign3A_578 = arith.subi %sign3A_574, %sign3A_577 : i32
        %sign3A_579 = arith.constant 0 : i32
        %sign3A_580 = arith.cmpi sgt, %jit3A_570, %sign3A_579 : i32
        %sign3A_581 = arith.extui %sign3A_580 : i1 to i32
        %sign3A_582 = arith.constant 0 : i32
        %sign3A_583 = arith.cmpi slt, %jit3A_570, %sign3A_582 : i32
        %sign3A_584 = arith.extui %sign3A_583 : i1 to i32
        %sign3A_585 = arith.subi %sign3A_581, %sign3A_584 : i32
        %ne3A_586 = arith.cmpi ne, %sign3A_578, %sign3A_585 : i32
        %rem3A_587 = arith.remsi %add3A_522, %jit3A_570 : i32
        %ne3A_588 = arith.constant 0 : i32
        %ne3A_589 = arith.cmpi ne, %rem3A_587, %ne3A_588 : i32
        %and3A_590 = arith.andi %ne3A_586, %ne3A_589 : i1
        %sub3A_591 = arith.constant 1 : i32
        %sub3A_592 = arith.subi %div3A_571, %sub3A_591 : i32
        %select_n3A_593 = arith.select %and3A_590, %sub3A_592, %div3A_571 : i32
        %jit3A_594 = arith.constant 71 : i32
        %eq3A_595 = arith.constant 0 : i32
        %eq3A_596 = arith.cmpi eq, %jit3A_594, %eq3A_595 : i32
        %jit3A_597 = arith.constant 1 : i32
        %select_n3A_598 = arith.select %eq3A_596, %jit3A_597, %jit3A_594 : i32
        %rem3A_599 = arith.remsi %add3A_522, %select_n3A_598 : i32
        %ne3A_600 = arith.constant 0 : i32
        %ne3A_601 = arith.cmpi ne, %rem3A_599, %ne3A_600 : i32
        %lt3A_602 = arith.constant 0 : i32
        %lt3A_603 = arith.cmpi slt, %rem3A_599, %lt3A_602 : i32
        %lt3A_604 = arith.constant 0 : i32
        %lt3A_605 = arith.cmpi slt, %select_n3A_598, %lt3A_604 : i32
        %ne3A_606 = arith.xori %lt3A_603, %lt3A_605 : i1
        %and3A_607 = arith.andi %ne3A_606, %ne3A_601 : i1
        %add3A_608 = arith.addi %rem3A_599, %select_n3A_598 : i32
        %select_n3A_609 = arith.select %and3A_607, %add3A_608, %rem3A_599 : i32
        %mul3A_610 = arith.constant 1408 : i32
        %mul3A_611 = arith.muli %select_n3A_609, %mul3A_610 : i32
        %multiple_of3A = tpu.assume_multiple %mul3A_611, 128 : i32
        %mul3A_612 = arith.constant 16 : i32
        %mul3A_613 = arith.muli %multiple_of3A, %mul3A_612 : i32
        %jit3A_614 = arith.constant 128 : i32
        %div3A_615 = arith.divsi %mul3A_613, %jit3A_614 : i32
        %sign3A_616 = arith.constant 0 : i32
        %sign3A_617 = arith.cmpi sgt, %mul3A_613, %sign3A_616 : i32
        %sign3A_618 = arith.extui %sign3A_617 : i1 to i32
        %sign3A_619 = arith.constant 0 : i32
        %sign3A_620 = arith.cmpi slt, %mul3A_613, %sign3A_619 : i32
        %sign3A_621 = arith.extui %sign3A_620 : i1 to i32
        %sign3A_622 = arith.subi %sign3A_618, %sign3A_621 : i32
        %sign3A_623 = arith.constant 0 : i32
        %sign3A_624 = arith.cmpi sgt, %jit3A_614, %sign3A_623 : i32
        %sign3A_625 = arith.extui %sign3A_624 : i1 to i32
        %sign3A_626 = arith.constant 0 : i32
        %sign3A_627 = arith.cmpi slt, %jit3A_614, %sign3A_626 : i32
        %sign3A_628 = arith.extui %sign3A_627 : i1 to i32
        %sign3A_629 = arith.subi %sign3A_625, %sign3A_628 : i32
        %ne3A_630 = arith.cmpi ne, %sign3A_622, %sign3A_629 : i32
        %rem3A_631 = arith.remsi %mul3A_613, %jit3A_614 : i32
        %ne3A_632 = arith.constant 0 : i32
        %ne3A_633 = arith.cmpi ne, %rem3A_631, %ne3A_632 : i32
        %and3A_634 = arith.andi %ne3A_630, %ne3A_633 : i1
        %sub3A_635 = arith.constant 1 : i32
        %sub3A_636 = arith.subi %div3A_615, %sub3A_635 : i32
        %select_n3A_637 = arith.select %and3A_634, %sub3A_636, %div3A_615 : i32
        %multiple_of3A_638 = tpu.assume_multiple %select_n3A_637, 8 : i32
        %dma_start3A = arith.constant 0 : i32
        %dma_start3A_639 = tpu.memref_slice %arg4[%select_n3A_593, %multiple_of3A_638, %dma_start3A] : memref<26x12504x128xf32, #tpu.memory_space<hbm>> -> memref<1x176x128xf32, #tpu.memory_space<hbm>>
        %dma_start3A_640 = tpu.memref_squeeze %dma_start3A_639 : memref<1x176x128xf32, #tpu.memory_space<hbm>> -> memref<176x128xf32, #tpu.memory_space<hbm>>
        %dma_start3A_641 = arith.constant 0 : i32
        %dma_start3A_642 = tpu.memref_slice %arg4[%select_n3A_593, %multiple_of3A_638, %dma_start3A_641] : memref<26x12504x128xf32, #tpu.memory_space<hbm>> -> memref<1x176x128xf32, #tpu.memory_space<hbm>>
        %dma_start3A_643 = tpu.memref_squeeze %dma_start3A_642 : memref<1x176x128xf32, #tpu.memory_space<hbm>> -> memref<176x128xf32, #tpu.memory_space<hbm>>
        tpu.enqueue_dma source(%arg7 : memref<176x128xf32, #tpu.memory_space<vmem>>) target(%dma_start3A_643 : memref<176x128xf32, #tpu.memory_space<hbm>>) target_semaphore(%arg12 : memref<!tpu.dma_semaphore, #tpu.memory_space<semaphore_mem>>)
      } else {
      }
      %mul3A_528 = arith.constant 2 : i32
      %mul3A_529 = arith.muli %scan3A_515, %mul3A_528 : i32
      %add3A_530 = arith.constant 1 : i32
      %add3A_531 = arith.addi %mul3A_529, %add3A_530 : i32
      %mul3A_532 = arith.constant 32 : i32
      %mul3A_533 = arith.muli %mul3A_532, %add3A_531 : i32
      %add3A_534 = arith.addi %add3A, %mul3A_533 : i32
      %lt3A_535 = arith.constant 1846 : i32
      %lt3A_536 = arith.cmpi slt, %add3A_534, %lt3A_535 : i32
      %convert_element_type3A_537 = arith.extui %lt3A_536 : i1 to i32
      %cond3A_538 = arith.constant 0 : i32
      %cond3A_539 = arith.cmpi ne, %convert_element_type3A_537, %cond3A_538 : i32
      scf.if %cond3A_539 {
        %add3A_540 = arith.constant 1 : i32
        %add3A_541 = arith.addi %add3A_531, %add3A_540 : i32
        %mul3A_542 = arith.constant 32 : i32
        %mul3A_543 = arith.muli %mul3A_542, %add3A_541 : i32
        %add3A_544 = arith.addi %add3A, %mul3A_543 : i32
        %lt3A_545 = arith.constant 1846 : i32
        %lt3A_546 = arith.cmpi slt, %add3A_544, %lt3A_545 : i32
        %convert_element_type3A_547 = arith.extui %lt3A_546 : i1 to i32
        %cond3A_548 = arith.constant 0 : i32
        %cond3A_549 = arith.cmpi ne, %convert_element_type3A_547, %cond3A_548 : i32
        scf.if %cond3A_549 {
          %jit3A_644 = arith.constant 71 : i32
          %div3A_645 = arith.divsi %add3A_544, %jit3A_644 : i32
          %sign3A_646 = arith.constant 0 : i32
          %sign3A_647 = arith.cmpi sgt, %add3A_544, %sign3A_646 : i32
          %sign3A_648 = arith.extui %sign3A_647 : i1 to i32
          %sign3A_649 = arith.constant 0 : i32
          %sign3A_650 = arith.cmpi slt, %add3A_544, %sign3A_649 : i32
          %sign3A_651 = arith.extui %sign3A_650 : i1 to i32
          %sign3A_652 = arith.subi %sign3A_648, %sign3A_651 : i32
          %sign3A_653 = arith.constant 0 : i32
          %sign3A_654 = arith.cmpi sgt, %jit3A_644, %sign3A_653 : i32
          %sign3A_655 = arith.extui %sign3A_654 : i1 to i32
          %sign3A_656 = arith.constant 0 : i32
          %sign3A_657 = arith.cmpi slt, %jit3A_644, %sign3A_656 : i32
          %sign3A_658 = arith.extui %sign3A_657 : i1 to i32
          %sign3A_659 = arith.subi %sign3A_655, %sign3A_658 : i32
          %ne3A_660 = arith.cmpi ne, %sign3A_652, %sign3A_659 : i32
          %rem3A_661 = arith.remsi %add3A_544, %jit3A_644 : i32
          %ne3A_662 = arith.constant 0 : i32
          %ne3A_663 = arith.cmpi ne, %rem3A_661, %ne3A_662 : i32
          %and3A_664 = arith.andi %ne3A_660, %ne3A_663 : i1
          %sub3A_665 = arith.constant 1 : i32
          %sub3A_666 = arith.subi %div3A_645, %sub3A_665 : i32
          %select_n3A_667 = arith.select %and3A_664, %sub3A_666, %div3A_645 : i32
          %jit3A_668 = arith.constant 71 : i32
          %eq3A_669 = arith.constant 0 : i32
          %eq3A_670 = arith.cmpi eq, %jit3A_668, %eq3A_669 : i32
          %jit3A_671 = arith.constant 1 : i32
          %select_n3A_672 = arith.select %eq3A_670, %jit3A_671, %jit3A_668 : i32
          %rem3A_673 = arith.remsi %add3A_544, %select_n3A_672 : i32
          %ne3A_674 = arith.constant 0 : i32
          %ne3A_675 = arith.cmpi ne, %rem3A_673, %ne3A_674 : i32
          %lt3A_676 = arith.constant 0 : i32
          %lt3A_677 = arith.cmpi slt, %rem3A_673, %lt3A_676 : i32
          %lt3A_678 = arith.constant 0 : i32
          %lt3A_679 = arith.cmpi slt, %select_n3A_672, %lt3A_678 : i32
          %ne3A_680 = arith.xori %lt3A_677, %lt3A_679 : i1
          %and3A_681 = arith.andi %ne3A_680, %ne3A_675 : i1
          %add3A_682 = arith.addi %rem3A_673, %select_n3A_672 : i32
          %select_n3A_683 = arith.select %and3A_681, %add3A_682, %rem3A_673 : i32
          %mul3A_684 = arith.constant 1408 : i32
          %mul3A_685 = arith.muli %select_n3A_683, %mul3A_684 : i32
          %multiple_of3A_686 = tpu.assume_multiple %mul3A_685, 128 : i32
          %dma_start3A_687 = arith.constant 0 : i32
          %dma_start3A_688 = tpu.memref_slice %arg2[%select_n3A_667, %dma_start3A_687, %multiple_of3A_686] : memref<26x16x100000xf32, #tpu.memory_space<hbm>> -> memref<1x16x1408xf32, #tpu.memory_space<hbm>>
          %dma_start3A_689 = tpu.memref_squeeze %dma_start3A_688 : memref<1x16x1408xf32, #tpu.memory_space<hbm>> -> memref<16x1408xf32, #tpu.memory_space<hbm>>
          %dma_start3A_690 = arith.constant 0 : i32
          %dma_start3A_691 = tpu.memref_slice %arg2[%select_n3A_667, %dma_start3A_690, %multiple_of3A_686] : memref<26x16x100000xf32, #tpu.memory_space<hbm>> -> memref<1x16x1408xf32, #tpu.memory_space<hbm>>
          %dma_start3A_692 = tpu.memref_squeeze %dma_start3A_691 : memref<1x16x1408xf32, #tpu.memory_space<hbm>> -> memref<16x1408xf32, #tpu.memory_space<hbm>>
          tpu.enqueue_dma source(%dma_start3A_692 : memref<16x1408xf32, #tpu.memory_space<hbm>>) target(%arg5 : memref<16x1408xf32, #tpu.memory_space<vmem>>) target_semaphore(%arg10 : memref<!tpu.dma_semaphore, #tpu.memory_space<semaphore_mem>>)
        } else {
        }
        %dma_wait3A_550 = arith.constant 0 : i32
        %dma_wait3A_551 = arith.constant 0 : i32
        %dma_wait3A_552 = arith.constant 0 : i32
        %dma_wait3A_553 = tpu.memref_slice %arg2[%dma_wait3A_550, %dma_wait3A_551, %dma_wait3A_552] : memref<26x16x100000xf32, #tpu.memory_space<hbm>> -> memref<1x16x1408xf32, #tpu.memory_space<hbm>>
        %dma_wait3A_554 = tpu.memref_squeeze %dma_wait3A_553 : memref<1x16x1408xf32, #tpu.memory_space<hbm>> -> memref<16x1408xf32, #tpu.memory_space<hbm>>
        %dma_wait3A_555 = arith.constant 0 : i32
        %dma_wait3A_556 = arith.constant 0 : i32
        %dma_wait3A_557 = tpu.memref_slice %arg2[%dma_wait3A_550, %dma_wait3A_555, %dma_wait3A_556] : memref<26x16x100000xf32, #tpu.memory_space<hbm>> -> memref<1x16x1408xf32, #tpu.memory_space<hbm>>
        %dma_wait3A_558 = tpu.memref_squeeze %dma_wait3A_557 : memref<1x16x1408xf32, #tpu.memory_space<hbm>> -> memref<16x1408xf32, #tpu.memory_space<hbm>>
        tpu.wait_dma2 semaphore(%arg11 : memref<!tpu.dma_semaphore, #tpu.memory_space<semaphore_mem>>) src(%dma_wait3A_558 : memref<16x1408xf32, #tpu.memory_space<hbm>>) dst(%arg6 : memref<16x1408xf32, #tpu.memory_space<vmem>>)
        %dma_wait3A_559 = arith.constant 0 : i32
        %dma_wait3A_560 = arith.constant 0 : i32
        %dma_wait3A_561 = arith.constant 0 : i32
        %dma_wait3A_562 = tpu.memref_slice %arg4[%dma_wait3A_559, %dma_wait3A_560, %dma_wait3A_561] : memref<26x12504x128xf32, #tpu.memory_space<hbm>> -> memref<1x176x128xf32, #tpu.memory_space<hbm>>
        %dma_wait3A_563 = tpu.memref_squeeze %dma_wait3A_562 : memref<1x176x128xf32, #tpu.memory_space<hbm>> -> memref<176x128xf32, #tpu.memory_space<hbm>>
        %dma_wait3A_564 = arith.constant 0 : i32
        %dma_wait3A_565 = arith.constant 0 : i32
        %dma_wait3A_566 = tpu.memref_slice %arg4[%dma_wait3A_559, %dma_wait3A_564, %dma_wait3A_565] : memref<26x12504x128xf32, #tpu.memory_space<hbm>> -> memref<1x176x128xf32, #tpu.memory_space<hbm>>
        %dma_wait3A_567 = tpu.memref_squeeze %dma_wait3A_566 : memref<1x176x128xf32, #tpu.memory_space<hbm>> -> memref<176x128xf32, #tpu.memory_space<hbm>>
        tpu.wait_dma2 semaphore(%arg13 : memref<!tpu.dma_semaphore, #tpu.memory_space<semaphore_mem>>) src(%dma_wait3A_567 : memref<176x128xf32, #tpu.memory_space<hbm>>) dst(%arg8 : memref<176x128xf32, #tpu.memory_space<vmem>>)
        %parallel_loop3A = arith.constant 0 : i32
        %parallel_loop3A_568 = arith.constant 88 : i32
        %parallel_loop3A_569 = arith.constant 1 : i32
        scf.for %parallel_loop3A_644 = %parallel_loop3A to %parallel_loop3A_568 step %parallel_loop3A_569  : i32 {
          %parallel_loop3A_645 = arith.constant 2 : i32
          %parallel_loop3A_646 = arith.muli %parallel_loop3A_644, %parallel_loop3A_645 : i32
          %parallel_loop3A_647 = vector.broadcast %parallel_loop3A_646 : i32 to vector<16xi32>
          %parallel_loop3A_648 = arith.addi %select_n3A, %parallel_loop3A_647 : vector<16xi32>
          %parallel_loop3A_649 = arith.constant 16 : i32
          %parallel_loop3A_650 = arith.muli %parallel_loop3A_644, %parallel_loop3A_649 : i32
          %parallel_loop3A_651 = arith.constant 0 : i32
          %parallel_loop3A_652 = arith.index_cast %parallel_loop3A_651 : i32 to index
          %parallel_loop3A_653 = arith.index_cast %parallel_loop3A_650 : i32 to index
          %parallel_loop3A_654 = tpu.vector_load %arg6[%parallel_loop3A_652, %parallel_loop3A_653] {strides = array<i32>} : memref<16x1408xf32, #tpu.memory_space<vmem>>, vector<16xf32>,
          tpu.vector_store_idx %arg8[%parallel_loop3A_648, %add3A_49], %parallel_loop3A_654 : memref<176x128xf32, #tpu.memory_space<vmem>>[vector<16xi32>, vector<16xi32>], vector<16xf32>,
          %parallel_loop3A_655 = arith.constant 1 : i32
          %parallel_loop3A_656 = arith.index_cast %parallel_loop3A_655 : i32 to index
          %parallel_loop3A_657 = arith.index_cast %parallel_loop3A_650 : i32 to index
          %parallel_loop3A_658 = tpu.vector_load %arg6[%parallel_loop3A_656, %parallel_loop3A_657] {strides = array<i32>} : memref<16x1408xf32, #tpu.memory_space<vmem>>, vector<16xf32>,
          tpu.vector_store_idx %arg8[%parallel_loop3A_648, %add3A_77], %parallel_loop3A_658 : memref<176x128xf32, #tpu.memory_space<vmem>>[vector<16xi32>, vector<16xi32>], vector<16xf32>,
          %parallel_loop3A_659 = arith.constant 2 : i32
          %parallel_loop3A_660 = arith.index_cast %parallel_loop3A_659 : i32 to index
          %parallel_loop3A_661 = arith.index_cast %parallel_loop3A_650 : i32 to index
          %parallel_loop3A_662 = tpu.vector_load %arg6[%parallel_loop3A_660, %parallel_loop3A_661] {strides = array<i32>} : memref<16x1408xf32, #tpu.memory_space<vmem>>, vector<16xf32>,
          tpu.vector_store_idx %arg8[%parallel_loop3A_648, %add3A_105], %parallel_loop3A_662 : memref<176x128xf32, #tpu.memory_space<vmem>>[vector<16xi32>, vector<16xi32>], vector<16xf32>,
          %parallel_loop3A_663 = arith.constant 3 : i32
          %parallel_loop3A_664 = arith.index_cast %parallel_loop3A_663 : i32 to index
          %parallel_loop3A_665 = arith.index_cast %parallel_loop3A_650 : i32 to index
          %parallel_loop3A_666 = tpu.vector_load %arg6[%parallel_loop3A_664, %parallel_loop3A_665] {strides = array<i32>} : memref<16x1408xf32, #tpu.memory_space<vmem>>, vector<16xf32>,
          tpu.vector_store_idx %arg8[%parallel_loop3A_648, %add3A_133], %parallel_loop3A_666 : memref<176x128xf32, #tpu.memory_space<vmem>>[vector<16xi32>, vector<16xi32>], vector<16xf32>,
          %parallel_loop3A_667 = arith.constant 4 : i32
          %parallel_loop3A_668 = arith.index_cast %parallel_loop3A_667 : i32 to index
          %parallel_loop3A_669 = arith.index_cast %parallel_loop3A_650 : i32 to index
          %parallel_loop3A_670 = tpu.vector_load %arg6[%parallel_loop3A_668, %parallel_loop3A_669] {strides = array<i32>} : memref<16x1408xf32, #tpu.memory_space<vmem>>, vector<16xf32>,
          tpu.vector_store_idx %arg8[%parallel_loop3A_648, %add3A_161], %parallel_loop3A_670 : memref<176x128xf32, #tpu.memory_space<vmem>>[vector<16xi32>, vector<16xi32>], vector<16xf32>,
          %parallel_loop3A_671 = arith.constant 5 : i32
          %parallel_loop3A_672 = arith.index_cast %parallel_loop3A_671 : i32 to index
          %parallel_loop3A_673 = arith.index_cast %parallel_loop3A_650 : i32 to index
          %parallel_loop3A_674 = tpu.vector_load %arg6[%parallel_loop3A_672, %parallel_loop3A_673] {strides = array<i32>} : memref<16x1408xf32, #tpu.memory_space<vmem>>, vector<16xf32>,
          tpu.vector_store_idx %arg8[%parallel_loop3A_648, %add3A_189], %parallel_loop3A_674 : memref<176x128xf32, #tpu.memory_space<vmem>>[vector<16xi32>, vector<16xi32>], vector<16xf32>,
          %parallel_loop3A_675 = arith.constant 6 : i32
          %parallel_loop3A_676 = arith.index_cast %parallel_loop3A_675 : i32 to index
          %parallel_loop3A_677 = arith.index_cast %parallel_loop3A_650 : i32 to index
          %parallel_loop3A_678 = tpu.vector_load %arg6[%parallel_loop3A_676, %parallel_loop3A_677] {strides = array<i32>} : memref<16x1408xf32, #tpu.memory_space<vmem>>, vector<16xf32>,
          tpu.vector_store_idx %arg8[%parallel_loop3A_648, %add3A_217], %parallel_loop3A_678 : memref<176x128xf32, #tpu.memory_space<vmem>>[vector<16xi32>, vector<16xi32>], vector<16xf32>,
          %parallel_loop3A_679 = arith.constant 7 : i32
          %parallel_loop3A_680 = arith.index_cast %parallel_loop3A_679 : i32 to index
          %parallel_loop3A_681 = arith.index_cast %parallel_loop3A_650 : i32 to index
          %parallel_loop3A_682 = tpu.vector_load %arg6[%parallel_loop3A_680, %parallel_loop3A_681] {strides = array<i32>} : memref<16x1408xf32, #tpu.memory_space<vmem>>, vector<16xf32>,
          tpu.vector_store_idx %arg8[%parallel_loop3A_648, %add3A_245], %parallel_loop3A_682 : memref<176x128xf32, #tpu.memory_space<vmem>>[vector<16xi32>, vector<16xi32>], vector<16xf32>,
          %parallel_loop3A_683 = arith.constant 8 : i32
          %parallel_loop3A_684 = arith.index_cast %parallel_loop3A_683 : i32 to index
          %parallel_loop3A_685 = arith.index_cast %parallel_loop3A_650 : i32 to index
          %parallel_loop3A_686 = tpu.vector_load %arg6[%parallel_loop3A_684, %parallel_loop3A_685] {strides = array<i32>} : memref<16x1408xf32, #tpu.memory_space<vmem>>, vector<16xf32>,
          tpu.vector_store_idx %arg8[%parallel_loop3A_648, %add3A_273], %parallel_loop3A_686 : memref<176x128xf32, #tpu.memory_space<vmem>>[vector<16xi32>, vector<16xi32>], vector<16xf32>,
          %parallel_loop3A_687 = arith.constant 9 : i32
          %parallel_loop3A_688 = arith.index_cast %parallel_loop3A_687 : i32 to index
          %parallel_loop3A_689 = arith.index_cast %parallel_loop3A_650 : i32 to index
          %parallel_loop3A_690 = tpu.vector_load %arg6[%parallel_loop3A_688, %parallel_loop3A_689] {strides = array<i32>} : memref<16x1408xf32, #tpu.memory_space<vmem>>, vector<16xf32>,
          tpu.vector_store_idx %arg8[%parallel_loop3A_648, %add3A_301], %parallel_loop3A_690 : memref<176x128xf32, #tpu.memory_space<vmem>>[vector<16xi32>, vector<16xi32>], vector<16xf32>,
          %parallel_loop3A_691 = arith.constant 10 : i32
          %parallel_loop3A_692 = arith.index_cast %parallel_loop3A_691 : i32 to index
          %parallel_loop3A_693 = arith.index_cast %parallel_loop3A_650 : i32 to index
          %parallel_loop3A_694 = tpu.vector_load %arg6[%parallel_loop3A_692, %parallel_loop3A_693] {strides = array<i32>} : memref<16x1408xf32, #tpu.memory_space<vmem>>, vector<16xf32>,
          tpu.vector_store_idx %arg8[%parallel_loop3A_648, %add3A_329], %parallel_loop3A_694 : memref<176x128xf32, #tpu.memory_space<vmem>>[vector<16xi32>, vector<16xi32>], vector<16xf32>,
          %parallel_loop3A_695 = arith.constant 11 : i32
          %parallel_loop3A_696 = arith.index_cast %parallel_loop3A_695 : i32 to index
          %parallel_loop3A_697 = arith.index_cast %parallel_loop3A_650 : i32 to index
          %parallel_loop3A_698 = tpu.vector_load %arg6[%parallel_loop3A_696, %parallel_loop3A_697] {strides = array<i32>} : memref<16x1408xf32, #tpu.memory_space<vmem>>, vector<16xf32>,
          tpu.vector_store_idx %arg8[%parallel_loop3A_648, %add3A_357], %parallel_loop3A_698 : memref<176x128xf32, #tpu.memory_space<vmem>>[vector<16xi32>, vector<16xi32>], vector<16xf32>,
          %parallel_loop3A_699 = arith.constant 12 : i32
          %parallel_loop3A_700 = arith.index_cast %parallel_loop3A_699 : i32 to index
          %parallel_loop3A_701 = arith.index_cast %parallel_loop3A_650 : i32 to index
          %parallel_loop3A_702 = tpu.vector_load %arg6[%parallel_loop3A_700, %parallel_loop3A_701] {strides = array<i32>} : memref<16x1408xf32, #tpu.memory_space<vmem>>, vector<16xf32>,
          tpu.vector_store_idx %arg8[%parallel_loop3A_648, %add3A_385], %parallel_loop3A_702 : memref<176x128xf32, #tpu.memory_space<vmem>>[vector<16xi32>, vector<16xi32>], vector<16xf32>,
          %parallel_loop3A_703 = arith.constant 13 : i32
          %parallel_loop3A_704 = arith.index_cast %parallel_loop3A_703 : i32 to index
          %parallel_loop3A_705 = arith.index_cast %parallel_loop3A_650 : i32 to index
          %parallel_loop3A_706 = tpu.vector_load %arg6[%parallel_loop3A_704, %parallel_loop3A_705] {strides = array<i32>} : memref<16x1408xf32, #tpu.memory_space<vmem>>, vector<16xf32>,
          tpu.vector_store_idx %arg8[%parallel_loop3A_648, %add3A_413], %parallel_loop3A_706 : memref<176x128xf32, #tpu.memory_space<vmem>>[vector<16xi32>, vector<16xi32>], vector<16xf32>,
          %parallel_loop3A_707 = arith.constant 14 : i32
          %parallel_loop3A_708 = arith.index_cast %parallel_loop3A_707 : i32 to index
          %parallel_loop3A_709 = arith.index_cast %parallel_loop3A_650 : i32 to index
          %parallel_loop3A_710 = tpu.vector_load %arg6[%parallel_loop3A_708, %parallel_loop3A_709] {strides = array<i32>} : memref<16x1408xf32, #tpu.memory_space<vmem>>, vector<16xf32>,
          tpu.vector_store_idx %arg8[%parallel_loop3A_648, %add3A_441], %parallel_loop3A_710 : memref<176x128xf32, #tpu.memory_space<vmem>>[vector<16xi32>, vector<16xi32>], vector<16xf32>,
          %parallel_loop3A_711 = arith.constant 15 : i32
          %parallel_loop3A_712 = arith.index_cast %parallel_loop3A_711 : i32 to index
          %parallel_loop3A_713 = arith.index_cast %parallel_loop3A_650 : i32 to index
          %parallel_loop3A_714 = tpu.vector_load %arg6[%parallel_loop3A_712, %parallel_loop3A_713] {strides = array<i32>} : memref<16x1408xf32, #tpu.memory_space<vmem>>, vector<16xf32>,
          tpu.vector_store_idx %arg8[%parallel_loop3A_648, %add3A_469], %parallel_loop3A_714 : memref<176x128xf32, #tpu.memory_space<vmem>>[vector<16xi32>, vector<16xi32>], vector<16xf32>,
        } {sc.loop_unroll_factor = 1 : i64, sc.parallel_access}
        %jit3A_570 = arith.constant 71 : i32
        %div3A_571 = arith.divsi %add3A_534, %jit3A_570 : i32
        %sign3A_572 = arith.constant 0 : i32
        %sign3A_573 = arith.cmpi sgt, %add3A_534, %sign3A_572 : i32
        %sign3A_574 = arith.extui %sign3A_573 : i1 to i32
        %sign3A_575 = arith.constant 0 : i32
        %sign3A_576 = arith.cmpi slt, %add3A_534, %sign3A_575 : i32
        %sign3A_577 = arith.extui %sign3A_576 : i1 to i32
        %sign3A_578 = arith.subi %sign3A_574, %sign3A_577 : i32
        %sign3A_579 = arith.constant 0 : i32
        %sign3A_580 = arith.cmpi sgt, %jit3A_570, %sign3A_579 : i32
        %sign3A_581 = arith.extui %sign3A_580 : i1 to i32
        %sign3A_582 = arith.constant 0 : i32
        %sign3A_583 = arith.cmpi slt, %jit3A_570, %sign3A_582 : i32
        %sign3A_584 = arith.extui %sign3A_583 : i1 to i32
        %sign3A_585 = arith.subi %sign3A_581, %sign3A_584 : i32
        %ne3A_586 = arith.cmpi ne, %sign3A_578, %sign3A_585 : i32
        %rem3A_587 = arith.remsi %add3A_534, %jit3A_570 : i32
        %ne3A_588 = arith.constant 0 : i32
        %ne3A_589 = arith.cmpi ne, %rem3A_587, %ne3A_588 : i32
        %and3A_590 = arith.andi %ne3A_586, %ne3A_589 : i1
        %sub3A_591 = arith.constant 1 : i32
        %sub3A_592 = arith.subi %div3A_571, %sub3A_591 : i32
        %select_n3A_593 = arith.select %and3A_590, %sub3A_592, %div3A_571 : i32
        %jit3A_594 = arith.constant 71 : i32
        %eq3A_595 = arith.constant 0 : i32
        %eq3A_596 = arith.cmpi eq, %jit3A_594, %eq3A_595 : i32
        %jit3A_597 = arith.constant 1 : i32
        %select_n3A_598 = arith.select %eq3A_596, %jit3A_597, %jit3A_594 : i32
        %rem3A_599 = arith.remsi %add3A_534, %select_n3A_598 : i32
        %ne3A_600 = arith.constant 0 : i32
        %ne3A_601 = arith.cmpi ne, %rem3A_599, %ne3A_600 : i32
        %lt3A_602 = arith.constant 0 : i32
        %lt3A_603 = arith.cmpi slt, %rem3A_599, %lt3A_602 : i32
        %lt3A_604 = arith.constant 0 : i32
        %lt3A_605 = arith.cmpi slt, %select_n3A_598, %lt3A_604 : i32
        %ne3A_606 = arith.xori %lt3A_603, %lt3A_605 : i1
        %and3A_607 = arith.andi %ne3A_606, %ne3A_601 : i1
        %add3A_608 = arith.addi %rem3A_599, %select_n3A_598 : i32
        %select_n3A_609 = arith.select %and3A_607, %add3A_608, %rem3A_599 : i32
        %mul3A_610 = arith.constant 1408 : i32
        %mul3A_611 = arith.muli %select_n3A_609, %mul3A_610 : i32
        %multiple_of3A = tpu.assume_multiple %mul3A_611, 128 : i32
        %mul3A_612 = arith.constant 16 : i32
        %mul3A_613 = arith.muli %multiple_of3A, %mul3A_612 : i32
        %jit3A_614 = arith.constant 128 : i32
        %div3A_615 = arith.divsi %mul3A_613, %jit3A_614 : i32
        %sign3A_616 = arith.constant 0 : i32
        %sign3A_617 = arith.cmpi sgt, %mul3A_613, %sign3A_616 : i32
        %sign3A_618 = arith.extui %sign3A_617 : i1 to i32
        %sign3A_619 = arith.constant 0 : i32
        %sign3A_620 = arith.cmpi slt, %mul3A_613, %sign3A_619 : i32
        %sign3A_621 = arith.extui %sign3A_620 : i1 to i32
        %sign3A_622 = arith.subi %sign3A_618, %sign3A_621 : i32
        %sign3A_623 = arith.constant 0 : i32
        %sign3A_624 = arith.cmpi sgt, %jit3A_614, %sign3A_623 : i32
        %sign3A_625 = arith.extui %sign3A_624 : i1 to i32
        %sign3A_626 = arith.constant 0 : i32
        %sign3A_627 = arith.cmpi slt, %jit3A_614, %sign3A_626 : i32
        %sign3A_628 = arith.extui %sign3A_627 : i1 to i32
        %sign3A_629 = arith.subi %sign3A_625, %sign3A_628 : i32
        %ne3A_630 = arith.cmpi ne, %sign3A_622, %sign3A_629 : i32
        %rem3A_631 = arith.remsi %mul3A_613, %jit3A_614 : i32
        %ne3A_632 = arith.constant 0 : i32
        %ne3A_633 = arith.cmpi ne, %rem3A_631, %ne3A_632 : i32
        %and3A_634 = arith.andi %ne3A_630, %ne3A_633 : i1
        %sub3A_635 = arith.constant 1 : i32
        %sub3A_636 = arith.subi %div3A_615, %sub3A_635 : i32
        %select_n3A_637 = arith.select %and3A_634, %sub3A_636, %div3A_615 : i32
        %multiple_of3A_638 = tpu.assume_multiple %select_n3A_637, 8 : i32
        %dma_start3A = arith.constant 0 : i32
        %dma_start3A_639 = tpu.memref_slice %arg4[%select_n3A_593, %multiple_of3A_638, %dma_start3A] : memref<26x12504x128xf32, #tpu.memory_space<hbm>> -> memref<1x176x128xf32, #tpu.memory_space<hbm>>
        %dma_start3A_640 = tpu.memref_squeeze %dma_start3A_639 : memref<1x176x128xf32, #tpu.memory_space<hbm>> -> memref<176x128xf32, #tpu.memory_space<hbm>>
        %dma_start3A_641 = arith.constant 0 : i32
        %dma_start3A_642 = tpu.memref_slice %arg4[%select_n3A_593, %multiple_of3A_638, %dma_start3A_641] : memref<26x12504x128xf32, #tpu.memory_space<hbm>> -> memref<1x176x128xf32, #tpu.memory_space<hbm>>
        %dma_start3A_643 = tpu.memref_squeeze %dma_start3A_642 : memref<1x176x128xf32, #tpu.memory_space<hbm>> -> memref<176x128xf32, #tpu.memory_space<hbm>>
        tpu.enqueue_dma source(%arg8 : memref<176x128xf32, #tpu.memory_space<vmem>>) target(%dma_start3A_643 : memref<176x128xf32, #tpu.memory_space<hbm>>) target_semaphore(%arg13 : memref<!tpu.dma_semaphore, #tpu.memory_space<semaphore_mem>>)
      } else {
      }
    }
    %scan3A_492 = arith.constant 28 : i32
    %dma_wait3A = arith.constant 0 : i32
    %dma_wait3A_493 = arith.constant 0 : i32
    %dma_wait3A_494 = arith.constant 0 : i32
    %dma_wait3A_495 = tpu.memref_slice %arg4[%dma_wait3A, %dma_wait3A_493, %dma_wait3A_494] : memref<26x12504x128xf32, #tpu.memory_space<hbm>> -> memref<1x176x128xf32, #tpu.memory_space<hbm>>
    %dma_wait3A_496 = tpu.memref_squeeze %dma_wait3A_495 : memref<1x176x128xf32, #tpu.memory_space<hbm>> -> memref<176x128xf32, #tpu.memory_space<hbm>>
    %dma_wait3A_497 = arith.constant 0 : i32
    %dma_wait3A_498 = arith.constant 0 : i32
    %dma_wait3A_499 = tpu.memref_slice %arg4[%dma_wait3A, %dma_wait3A_497, %dma_wait3A_498] : memref<26x12504x128xf32, #tpu.memory_space<hbm>> -> memref<1x176x128xf32, #tpu.memory_space<hbm>>
    %dma_wait3A_500 = tpu.memref_squeeze %dma_wait3A_499 : memref<1x176x128xf32, #tpu.memory_space<hbm>> -> memref<176x128xf32, #tpu.memory_space<hbm>>
    tpu.wait_dma2 semaphore(%arg12 : memref<!tpu.dma_semaphore, #tpu.memory_space<semaphore_mem>>) src(%dma_wait3A_500 : memref<176x128xf32, #tpu.memory_space<hbm>>) dst(%arg7 : memref<176x128xf32, #tpu.memory_space<vmem>>)
    %dma_wait3A_501 = arith.constant 0 : i32
    %dma_wait3A_502 = arith.constant 0 : i32
    %dma_wait3A_503 = arith.constant 0 : i32
    %dma_wait3A_504 = tpu.memref_slice %arg4[%dma_wait3A_501, %dma_wait3A_502, %dma_wait3A_503] : memref<26x12504x128xf32, #tpu.memory_space<hbm>> -> memref<1x176x128xf32, #tpu.memory_space<hbm>>
    %dma_wait3A_505 = tpu.memref_squeeze %dma_wait3A_504 : memref<1x176x128xf32, #tpu.memory_space<hbm>> -> memref<176x128xf32, #tpu.memory_space<hbm>>
    %dma_wait3A_506 = arith.constant 0 : i32
    %dma_wait3A_507 = arith.constant 0 : i32
    %dma_wait3A_508 = tpu.memref_slice %arg4[%dma_wait3A_501, %dma_wait3A_506, %dma_wait3A_507] : memref<26x12504x128xf32, #tpu.memory_space<hbm>> -> memref<1x176x128xf32, #tpu.memory_space<hbm>>
    %dma_wait3A_509 = tpu.memref_squeeze %dma_wait3A_508 : memref<1x176x128xf32, #tpu.memory_space<hbm>> -> memref<176x128xf32, #tpu.memory_space<hbm>>
    tpu.wait_dma2 semaphore(%arg13 : memref<!tpu.dma_semaphore, #tpu.memory_space<semaphore_mem>>) src(%dma_wait3A_509 : memref<176x128xf32, #tpu.memory_space<hbm>>) dst(%arg8 : memref<176x128xf32, #tpu.memory_space<vmem>>)
    %eq3A_510 = arith.constant 0 : i32
    %eq3A_511 = arith.cmpi eq, %add3A, %eq3A_510 : i32
    %convert_element_type3A_512 = arith.extui %eq3A_511 : i1 to i32
    %cond3A_513 = arith.constant 0 : i32
    %cond3A_514 = arith.cmpi ne, %convert_element_type3A_512, %cond3A_513 : i32
    scf.if %cond3A_514 {
      %scan3A_515 = arith.constant 0 : i32
      %scan3A_516 = arith.constant 26 : i32
      %scan3A_517 = arith.addi %scan3A_515, %scan3A_516 : i32
      %scan3A_518 = arith.constant 1 : i32
      scf.for %scan3A_520 = %scan3A_515 to %scan3A_517 step %scan3A_518  : i32 {
        "tpu.region"() ({
          %run_scoped3A = tpu.sem_alloc : memref<!tpu.dma_semaphore, #tpu.memory_space<semaphore_mem>>
          %dma_start3A = arith.constant 0 : i32
          %dma_start3A_521 = arith.constant 0 : i32
          %dma_start3A_522 = tpu.memref_slice %arg3[%scan3A_520, %dma_start3A, %dma_start3A_521] : memref<26x8x128xf32, #tpu.memory_space<hbm>> -> memref<1x8x128xf32, #tpu.memory_space<hbm>>
          %dma_start3A_523 = tpu.memref_squeeze %dma_start3A_522 : memref<1x8x128xf32, #tpu.memory_space<hbm>> -> memref<8x128xf32, #tpu.memory_space<hbm>>
          %dma_start3A_524 = arith.constant 0 : i32
          %dma_start3A_525 = arith.constant 0 : i32
          %dma_start3A_526 = tpu.memref_slice %arg3[%scan3A_520, %dma_start3A_524, %dma_start3A_525] : memref<26x8x128xf32, #tpu.memory_space<hbm>> -> memref<1x8x128xf32, #tpu.memory_space<hbm>>
          %dma_start3A_527 = tpu.memref_squeeze %dma_start3A_526 : memref<1x8x128xf32, #tpu.memory_space<hbm>> -> memref<8x128xf32, #tpu.memory_space<hbm>>
          tpu.enqueue_dma source(%dma_start3A_527 : memref<8x128xf32, #tpu.memory_space<hbm>>) target(%arg9 : memref<8x128xf32, #tpu.memory_space<vmem>>) target_semaphore(%run_scoped3A : memref<!tpu.dma_semaphore, #tpu.memory_space<semaphore_mem>>)
          %dma_wait3A_528 = arith.constant 0 : i32
          %dma_wait3A_529 = arith.constant 0 : i32
          %dma_wait3A_530 = tpu.memref_slice %arg3[%scan3A_520, %dma_wait3A_528, %dma_wait3A_529] : memref<26x8x128xf32, #tpu.memory_space<hbm>> -> memref<1x8x128xf32, #tpu.memory_space<hbm>>
          %dma_wait3A_531 = tpu.memref_squeeze %dma_wait3A_530 : memref<1x8x128xf32, #tpu.memory_space<hbm>> -> memref<8x128xf32, #tpu.memory_space<hbm>>
          %dma_wait3A_532 = arith.constant 0 : i32
          %dma_wait3A_533 = arith.constant 0 : i32
          %dma_wait3A_534 = tpu.memref_slice %arg3[%scan3A_520, %dma_wait3A_532, %dma_wait3A_533] : memref<26x8x128xf32, #tpu.memory_space<hbm>> -> memref<1x8x128xf32, #tpu.memory_space<hbm>>
          %dma_wait3A_535 = tpu.memref_squeeze %dma_wait3A_534 : memref<1x8x128xf32, #tpu.memory_space<hbm>> -> memref<8x128xf32, #tpu.memory_space<hbm>>
          tpu.wait_dma2 semaphore(%run_scoped3A : memref<!tpu.dma_semaphore, #tpu.memory_space<semaphore_mem>>) src(%dma_wait3A_535 : memref<8x128xf32, #tpu.memory_space<hbm>>) dst(%arg9 : memref<8x128xf32, #tpu.memory_space<vmem>>)
          tpu.yield
        }) : () -> ()
        "tpu.region"() ({
          %run_scoped3A = tpu.sem_alloc : memref<!tpu.dma_semaphore, #tpu.memory_space<semaphore_mem>>
          %dma_start3A = arith.constant 12496 : i32
          %dma_start3A_521 = arith.constant 0 : i32
          %dma_start3A_522 = tpu.memref_slice %arg4[%scan3A_520, %dma_start3A, %dma_start3A_521] : memref<26x12504x128xf32, #tpu.memory_space<hbm>> -> memref<1x8x128xf32, #tpu.memory_space<hbm>>
          %dma_start3A_523 = tpu.memref_squeeze %dma_start3A_522 : memref<1x8x128xf32, #tpu.memory_space<hbm>> -> memref<8x128xf32, #tpu.memory_space<hbm>>
          %dma_start3A_524 = arith.constant 12496 : i32
          %dma_start3A_525 = arith.constant 0 : i32
          %dma_start3A_526 = tpu.memref_slice %arg4[%scan3A_520, %dma_start3A_524, %dma_start3A_525] : memref<26x12504x128xf32, #tpu.memory_space<hbm>> -> memref<1x8x128xf32, #tpu.memory_space<hbm>>
          %dma_start3A_527 = tpu.memref_squeeze %dma_start3A_526 : memref<1x8x128xf32, #tpu.memory_space<hbm>> -> memref<8x128xf32, #tpu.memory_space<hbm>>
          tpu.enqueue_dma source(%arg9 : memref<8x128xf32, #tpu.memory_space<vmem>>) target(%dma_start3A_527 : memref<8x128xf32, #tpu.memory_space<hbm>>) target_semaphore(%run_scoped3A : memref<!tpu.dma_semaphore, #tpu.memory_space<semaphore_mem>>)
          %dma_wait3A_528 = arith.constant 12496 : i32
          %dma_wait3A_529 = arith.constant 0 : i32
          %dma_wait3A_530 = tpu.memref_slice %arg4[%scan3A_520, %dma_wait3A_528, %dma_wait3A_529] : memref<26x12504x128xf32, #tpu.memory_space<hbm>> -> memref<1x8x128xf32, #tpu.memory_space<hbm>>
          %dma_wait3A_531 = tpu.memref_squeeze %dma_wait3A_530 : memref<1x8x128xf32, #tpu.memory_space<hbm>> -> memref<8x128xf32, #tpu.memory_space<hbm>>
          %dma_wait3A_532 = arith.constant 12496 : i32
          %dma_wait3A_533 = arith.constant 0 : i32
          %dma_wait3A_534 = tpu.memref_slice %arg4[%scan3A_520, %dma_wait3A_532, %dma_wait3A_533] : memref<26x12504x128xf32, #tpu.memory_space<hbm>> -> memref<1x8x128xf32, #tpu.memory_space<hbm>>
          %dma_wait3A_535 = tpu.memref_squeeze %dma_wait3A_534 : memref<1x8x128xf32, #tpu.memory_space<hbm>> -> memref<8x128xf32, #tpu.memory_space<hbm>>
          tpu.wait_dma2 semaphore(%run_scoped3A : memref<!tpu.dma_semaphore, #tpu.memory_space<semaphore_mem>>) src(%arg9 : memref<8x128xf32, #tpu.memory_space<vmem>>) dst(%dma_wait3A_535 : memref<8x128xf32, #tpu.memory_space<hbm>>)
          tpu.yield
        }) : () -> ()
      }
      %scan3A_519 = arith.constant 26 : i32
    } else {
    }
    return
  }
}

#map = affine_map<(d0, d1) -> (0, 0)>
module attributes {stable_mosaic.version = 14 : i64} {
  func.func @_gather_rows(%arg0: i32, %arg1: i32, %arg2: memref<2600832x16xf32, #tpu.memory_space<hbm>>, %arg3: memref<16384x26xi32, #tpu.memory_space<hbm>>, %arg4: memref<425984x16xf32, #tpu.memory_space<hbm>>, %arg5: memref<128x26xi32, #tpu.memory_space<vmem>>, %arg6: memref<3328xi32, #tpu.memory_space<vmem>>, %arg7: memref<3328x16xf32, #tpu.memory_space<vmem>>, %arg8: memref<!tpu.dma_semaphore, #tpu.memory_space<semaphore_mem>>) attributes {dimension_semantics = [#tpu.dimension_semantics<core_parallel>, #tpu.dimension_semantics<subcore_parallel>], iteration_bounds = array<i64: 2, 16>, scalar_prefetch = 0 : i64, scratch_operands = 4 : i64, tpu.core_type = #tpu.core_type<sc_vector_subcore>, window_params = [{transform_indices = #map}, {transform_indices = #map}, {transform_indices = #map}]} {
    %mul3A = arith.constant 2 : i32
    %mul3A_0 = arith.muli %arg1, %mul3A : i32
    %add3A = arith.addi %mul3A_0, %arg0 : i32
    %mul3A_1 = arith.constant 512 : i32
    %mul3A_2 = arith.muli %add3A, %mul3A_1 : i32
    %iota3A = tpu.iota {dimensions = array<i32: 0>} : vector<16xi32>
    %mul3A_3 = arith.constant 100032 : i32
    %mul3A_4 = vector.broadcast %mul3A_3 : i32 to vector<16xi32>
    %mul3A_5 = arith.muli %iota3A, %mul3A_4 : vector<16xi32>
    %iota3A_6 = tpu.iota {dimensions = array<i32: 0>} : vector<16xi32>
    %add3A_7 = arith.constant 10 : i32
    %add3A_8 = vector.broadcast %add3A_7 : i32 to vector<16xi32>
    %add3A_9 = arith.addi %iota3A_6, %add3A_8 : vector<16xi32>
    %mul3A_10 = arith.constant 100032 : i32
    %mul3A_11 = vector.broadcast %mul3A_10 : i32 to vector<16xi32>
    %mul3A_12 = arith.muli %add3A_9, %mul3A_11 : vector<16xi32>
    %scan3A = arith.constant 0 : i32
    %scan3A_13 = arith.constant 4 : i32
    %scan3A_14 = arith.addi %scan3A, %scan3A_13 : i32
    %scan3A_15 = arith.constant 1 : i32
    scf.for %scan3A_17 = %scan3A to %scan3A_14 step %scan3A_15  : i32 {
      %mul3A_18 = arith.constant 128 : i32
      %mul3A_19 = arith.muli %scan3A_17, %mul3A_18 : i32
      %add3A_20 = arith.addi %mul3A_2, %mul3A_19 : i32
      "tpu.region"() ({
        %run_scoped3A = tpu.sem_alloc : memref<!tpu.dma_semaphore, #tpu.memory_space<semaphore_mem>>
        %dma_start3A_32 = arith.constant 0 : i32
        %dma_start3A_33 = tpu.memref_slice %arg3[%add3A_20, %dma_start3A_32] : memref<16384x26xi32, #tpu.memory_space<hbm>> -> memref<128x26xi32, #tpu.memory_space<hbm>>
        %dma_start3A_34 = arith.constant 0 : i32
        %dma_start3A_35 = tpu.memref_slice %arg3[%add3A_20, %dma_start3A_34] : memref<16384x26xi32, #tpu.memory_space<hbm>> -> memref<128x26xi32, #tpu.memory_space<hbm>>
        tpu.enqueue_dma source(%dma_start3A_35 : memref<128x26xi32, #tpu.memory_space<hbm>>) target(%arg5 : memref<128x26xi32, #tpu.memory_space<vmem>>) target_semaphore(%run_scoped3A : memref<!tpu.dma_semaphore, #tpu.memory_space<semaphore_mem>>)
        %dma_wait3A_36 = arith.constant 0 : i32
        %dma_wait3A_37 = tpu.memref_slice %arg3[%add3A_20, %dma_wait3A_36] : memref<16384x26xi32, #tpu.memory_space<hbm>> -> memref<128x26xi32, #tpu.memory_space<hbm>>
        %dma_wait3A_38 = arith.constant 0 : i32
        %dma_wait3A_39 = tpu.memref_slice %arg3[%add3A_20, %dma_wait3A_38] : memref<16384x26xi32, #tpu.memory_space<hbm>> -> memref<128x26xi32, #tpu.memory_space<hbm>>
        tpu.wait_dma2 semaphore(%run_scoped3A : memref<!tpu.dma_semaphore, #tpu.memory_space<semaphore_mem>>) src(%dma_wait3A_39 : memref<128x26xi32, #tpu.memory_space<hbm>>) dst(%arg5 : memref<128x26xi32, #tpu.memory_space<vmem>>)
        tpu.yield
      }) : () -> ()
      %scan3A_21 = arith.constant 0 : i32
      %scan3A_22 = arith.constant 128 : i32
      %scan3A_23 = arith.addi %scan3A_21, %scan3A_22 : i32
      %scan3A_24 = arith.constant 1 : i32
      scf.for %scan3A_32 = %scan3A_21 to %scan3A_23 step %scan3A_24  : i32 {
        %get3A = arith.index_cast %scan3A_32 : i32 to index
        %get3A_33 = arith.constant 0 : index
        %get3A_34 = tpu.vector_load %arg5[%get3A, %get3A_33] {strides = array<i32>} : memref<128x26xi32, #tpu.memory_space<vmem>>, vector<16xi32>,
        %add3A_35 = arith.addi %get3A_34, %mul3A_5 : vector<16xi32>
        %mul3A_36 = arith.constant 26 : i32
        %mul3A_37 = arith.muli %scan3A_32, %mul3A_36 : i32
        %swap3A = arith.index_cast %mul3A_37 : i32 to index
        %swap3A_38 = tpu.vector_load %arg6[%swap3A] {strides = array<i32>} : memref<3328xi32, #tpu.memory_space<vmem>>, vector<16xi32>,
        tpu.vector_store %arg6[%swap3A], %add3A_35 {strides = array<i32>} : memref<3328xi32, #tpu.memory_space<vmem>>, vector<16xi32>,
        %get3A_39 = arith.index_cast %scan3A_32 : i32 to index
        %get3A_40 = arith.constant 10 : index
        %get3A_41 = tpu.vector_load %arg5[%get3A_39, %get3A_40] {strides = array<i32>} : memref<128x26xi32, #tpu.memory_space<vmem>>, vector<16xi32>,
        %add3A_42 = arith.addi %get3A_41, %mul3A_12 : vector<16xi32>
        %mul3A_43 = arith.constant 26 : i32
        %mul3A_44 = arith.muli %scan3A_32, %mul3A_43 : i32
        %add3A_45 = arith.constant 10 : i32
        %add3A_46 = arith.addi %mul3A_44, %add3A_45 : i32
        %swap3A_47 = arith.index_cast %add3A_46 : i32 to index
        %swap3A_48 = tpu.vector_load %arg6[%swap3A_47] {strides = array<i32>} : memref<3328xi32, #tpu.memory_space<vmem>>, vector<16xi32>,
        tpu.vector_store %arg6[%swap3A_47], %add3A_42 {strides = array<i32>} : memref<3328xi32, #tpu.memory_space<vmem>>, vector<16xi32>,
      }
      %scan3A_25 = arith.constant 128 : i32
      %dma_start3A = arith.constant 0 : i32
      %dma_start3A_26 = arith.constant 0 : i32
      %dma_start3A_27 = tpu.memref_slice %arg2[%dma_start3A, %dma_start3A_26] : memref<2600832x16xf32, #tpu.memory_space<hbm>> -> memref<2600832x16xf32, #tpu.memory_space<hbm>>
      tpu.enqueue_indirect_dma source(%dma_start3A_27 : memref<2600832x16xf32, #tpu.memory_space<hbm>>) target(%arg7 : memref<3328x16xf32, #tpu.memory_space<vmem>>) offsets(%arg6 : memref<3328xi32, #tpu.memory_space<vmem>>) semaphore(%arg8 : memref<!tpu.dma_semaphore, #tpu.memory_space<semaphore_mem>>)
      %dma_wait3A = arith.constant 0 : i32
      %dma_wait3A_28 = arith.constant 0 : i32
      %dma_wait3A_29 = tpu.memref_slice %arg2[%dma_wait3A, %dma_wait3A_28] : memref<2600832x16xf32, #tpu.memory_space<hbm>> -> memref<2600832x16xf32, #tpu.memory_space<hbm>>
      tpu.wait_indirect_dma semaphore(%arg8 : memref<!tpu.dma_semaphore, #tpu.memory_space<semaphore_mem>>) src(%dma_wait3A_29 : memref<2600832x16xf32, #tpu.memory_space<hbm>>) dst(%arg7 : memref<3328x16xf32, #tpu.memory_space<vmem>>)
      %mul3A_30 = arith.constant 26 : i32
      %mul3A_31 = arith.muli %add3A_20, %mul3A_30 : i32
      "tpu.region"() ({
        %run_scoped3A = tpu.sem_alloc : memref<!tpu.dma_semaphore, #tpu.memory_space<semaphore_mem>>
        %dma_start3A_32 = arith.constant 0 : i32
        %dma_start3A_33 = tpu.memref_slice %arg4[%mul3A_31, %dma_start3A_32] : memref<425984x16xf32, #tpu.memory_space<hbm>> -> memref<3328x16xf32, #tpu.memory_space<hbm>>
        %dma_start3A_34 = arith.constant 0 : i32
        %dma_start3A_35 = tpu.memref_slice %arg4[%mul3A_31, %dma_start3A_34] : memref<425984x16xf32, #tpu.memory_space<hbm>> -> memref<3328x16xf32, #tpu.memory_space<hbm>>
        tpu.enqueue_dma source(%arg7 : memref<3328x16xf32, #tpu.memory_space<vmem>>) target(%dma_start3A_35 : memref<3328x16xf32, #tpu.memory_space<hbm>>) target_semaphore(%run_scoped3A : memref<!tpu.dma_semaphore, #tpu.memory_space<semaphore_mem>>)
        %dma_wait3A_36 = arith.constant 0 : i32
        %dma_wait3A_37 = tpu.memref_slice %arg4[%mul3A_31, %dma_wait3A_36] : memref<425984x16xf32, #tpu.memory_space<hbm>> -> memref<3328x16xf32, #tpu.memory_space<hbm>>
        %dma_wait3A_38 = arith.constant 0 : i32
        %dma_wait3A_39 = tpu.memref_slice %arg4[%mul3A_31, %dma_wait3A_38] : memref<425984x16xf32, #tpu.memory_space<hbm>> -> memref<3328x16xf32, #tpu.memory_space<hbm>>
        tpu.wait_dma2 semaphore(%run_scoped3A : memref<!tpu.dma_semaphore, #tpu.memory_space<semaphore_mem>>) src(%arg7 : memref<3328x16xf32, #tpu.memory_space<vmem>>) dst(%dma_wait3A_39 : memref<3328x16xf32, #tpu.memory_space<hbm>>)
        tpu.yield
      }) : () -> ()
    }
    %scan3A_16 = arith.constant 4 : i32
    return
  }
}

</mosaic_0001>

<sc_bundles>
// kernel: kernel.4.cloned.1.call-start
scs
__scs_entry_jumppad:
0x0: {  	(pc) =	sbr.rel $0x88, $3  }
0x1: {  	(tag) =	ssettag $0x0;
	lr =	simm.s32 $0x1  }
0x2: {  	[smem:$0x3F9F] =	sst lr;
	_ =	strace $0xD0000000  }
0x3: {  	_ = 	snop  }
0x4: {  	_ = 	snop  }
0x5: {  	_ = 	snop  }
0x6: {  	_ = 	snop  }
0x7: {  	_ = 	snop  }
__scs_overlays_trampoline_lowered:
0x8: {  	[smem:$0x3FAE] =	sst s0  }
0x9: {  	[smem:$0x3FAF] =	sst s1  }
0xa: {  	[smem:$0x3FB0] =	sst s2  }
0xb: {  	[smem:$0x3FB1] =	sst s3  }
0xc: {  	[smem:$0x3FB2] =	sst s4  }
0xd: {  	[smem:$0x3FB3] =	sst s5  }
0xe: {  	[smem:$0x3FB4] =	sst s6  }
0xf: {  	[smem:$0x3FB5] =	sst s7  }
0x10: {  	[smem:$0x3FB6] =	sst s8  }
0x11: {  	[smem:$0x3FB7] =	sst s9;
	s0 =	simm.s32 @!p0 $0x0  }
0x12: {  	s1 =	sld [smem:$0x3F9D];
	s0 =	simm.s32 @p0 $0x1  }
0x13: {  	[smem:$0x3FB8] =	sst s0;
	s0 =	simm.s32 @!p1 $0x0  }
0x14: {  	s2 =	sld [smem:$0x3F9C];
	s0 =	simm.s32 @p1 $0x1  }
0x15: {  	[smem:$0x3FB9] =	sst s0;
	s0 =	simm.s32 @!p2 $0x0  }
0x16: {  	s3 =	sld [smem:$0x3FDB];
	s0 =	simm.s32 @p2 $0x1  }
0x17: {  	s4 =	simm.s32 $0x1BF5;
	[smem:$0x3FBB] =	sst s0  }
0x18: {  	s0 =	sld [smem:$0x3F9E];
	_ =	swait.ge [sflag:s4], $0x0  }
0x19: {  	s7 =	sld [smem:$0x3F9F]  }
0x1a: {  	s8 =	sadd.s32 $0xFFFFE003, lr  }
0x1b: {  	s9 =	sadd.s32 $0xFFFFFEF7, lr;
	s5 =	simm.s32 $0xFFFFFFFF;
	p2 =	slt.u32 s8, $0xFFFFF086  }
0x1c: {  	p1 =	slt.u32 s9, $0xF7A;
	s5 =	simm.s32 @!p2 $0x0  }
0x1d: {  	s5 =	simm.s32 @p1 $0x1;
	p0 =	seq.s32 s7, s2  }
0x1e: {  	s7 =	smul.u32 @!p0 $0xF7A, s2;
	p2 =	seq.s32 @!p0 s5, $0x0  }
0x1f: {  	s9 =	smul.u32 $0xF7A, s1;
	s8 =	simm.s32 @!p0 $0x1BF5;
	p2 =	por !p2, p0  }
0x20: {  	[sflag:s8] =	ssyncset.s32 @!p0 $0xFFFFF086;
	s6 =	sadd.s32 @!p0 s3, s7;
	s7 =	simm.s32 @!p0 $0x108  }
0x21: {  	s3 =	sadd.s32 s3, s9;
	s6 =	sadd.s32 @!p0 $0x88, s6;
	s7 =	simm.s32 @p2 $0x1082  }
0x22: {  	[simem:s7], [sflag:s8] =	dma.local @!p0 [hbm:s6], $0xF7A  }
0x23: {  	s9 =	sor.u32 $0xD0000000, s2;
	s6 =	simm.s32 $0x108;
	_ =	swait.ge @!p0 [sflag:s8], $0x0  }
0x24: {  	s3 =	sadd.s32 $0x88, s3;
	s6 =	simm.s32 @!p1 $0x1082;
	[sflag:s4] =	ssyncset.s32 $0xFFFFF086  }
0x25: {  	[simem:s6], [sflag:s4] =	dma.local [hbm:s3], $0xF7A  }
0x26: {  	[smem:$0x3F9F] =	sst s1;
	(tag) =	ssettag s2;
	_ =	strace s9  }
0x27: {  	s1 =	sld [smem:$0x3FAF]  }
0x28: {  	s2 =	sld [smem:$0x3FB0]  }
0x29: {  	s4 =	sld [smem:$0x3FB2]  }
0x2a: {  	p0 =	seq.s32 s5, $0x0;
	s5 =	sld [smem:$0x3FB3]  }
0x2b: {  	s6 =	sld [smem:$0x3FB4]  }
0x2c: {  	s7 =	sld [smem:$0x3FB5]  }
0x2d: {  	s3 =	simm.s32 $0x108;
	s8 =	sld [smem:$0x3FB6]  }
0x2e: {  	s3 =	simm.s32 @!p0 $0x1082;
	s9 =	sld [smem:$0x3FB7]  }
0x2f: {  	lr =	sadd.s32 s0, s3;
	s0 =	sld [smem:$0x3FAE]  }
0x30: {  	s3 =	sld [smem:$0x3FB1]  }
0x31: {  	[smem:$0x3FBA] =	sst s10  }
0x32: {  	s10 =	sld [smem:$0x3FB8];
	_ =	sdelay $0x3  }
0x33: {  	p0 =	seq.s32 s10, $0x1;
	s10 =	sld [smem:$0x3FBA];
	_ =	sdelay $0x3  }
0x34: {  	[smem:$0x3FBA] =	sst s10  }
0x35: {  	s10 =	sld [smem:$0x3FB9];
	_ =	sdelay $0x3  }
0x36: {  	p1 =	seq.s32 s10, $0x1;
	s10 =	sld [smem:$0x3FBA];
	_ =	sdelay $0x3  }
0x37: {  	[smem:$0x3FBA] =	sst s10  }
0x38: {  	s10 =	sld [smem:$0x3FBB]  }
0x39: {  	_ = 	snop;
	(pc) =	sbr.ind lr, $3  }
0x3a: {  	_ = 	snop  }
0x3b: {  	_ = 	snop  }
0x3c: {  	p2 =	seq.s32 s10, $0x1;
	s10 =	sld [smem:$0x3FBA]  }
0x3d: {  	_ =	shalt  }
0x3e: {  	_ =	shalt  }
0x3f: {  	_ =	shalt  }
0x40: {  	_ =	shalt  }
0x41: {  	_ =	shalt  }
0x42: {  	_ =	shalt  }
0x43: {  	_ =	shalt  }
0x44: {  	_ =	shalt  }
0x45: {  	_ =	shalt  }
0x46: {  	_ =	shalt  }
0x47: {  	_ =	shalt  }
0x48: {  	_ =	shalt  }
0x49: {  	_ =	shalt  }
0x4a: {  	_ =	shalt  }
0x4b: {  	_ =	shalt  }
0x4c: {  	_ =	shalt  }
0x4d: {  	_ =	shalt  }
0x4e: {  	_ =	shalt  }
0x4f: {  	_ =	shalt  }
0x50: {  	_ =	shalt  }
0x51: {  	_ =	shalt  }
0x52: {  	_ =	shalt  }
0x53: {  	_ =	shalt  }
0x54: {  	_ =	shalt  }
0x55: {  	_ =	shalt  }
0x56: {  	_ =	shalt  }
0x57: {  	_ =	shalt  }
0x58: {  	_ =	shalt  }
0x59: {  	_ =	shalt  }
0x5a: {  	_ =	shalt  }
0x5b: {  	_ =	shalt  }
0x5c: {  	_ =	shalt  }
0x5d: {  	_ =	shalt  }
0x5e: {  	_ =	shalt  }
0x5f: {  	_ =	shalt  }
0x60: {  	_ =	shalt  }
0x61: {  	_ =	shalt  }
0x62: {  	_ =	shalt  }
0x63: {  	_ =	shalt  }
0x64: {  	_ =	shalt  }
0x65: {  	_ =	shalt  }
0x66: {  	_ =	shalt  }
0x67: {  	_ =	shalt  }
0x68: {  	_ =	shalt  }
0x69: {  	_ =	shalt  }
0x6a: {  	_ =	shalt  }
0x6b: {  	_ =	shalt  }
0x6c: {  	_ =	shalt  }
0x6d: {  	_ =	shalt  }
0x6e: {  	_ =	shalt  }
0x6f: {  	_ =	shalt  }
0x70: {  	_ =	shalt  }
0x71: {  	_ =	shalt  }
0x72: {  	_ =	shalt  }
0x73: {  	_ =	shalt  }
0x74: {  	_ =	shalt  }
0x75: {  	_ =	shalt  }
0x76: {  	_ =	shalt  }
0x77: {  	_ =	shalt  }
0x78: {  	_ =	shalt  }
0x79: {  	_ =	shalt  }
0x7a: {  	_ =	shalt  }
0x7b: {  	_ =	shalt  }
0x7c: {  	_ =	shalt  }
0x7d: {  	_ =	shalt  }
0x7e: {  	_ =	shalt  }
0x7f: {  	_ =	shalt  }
0x80: {  	_ =	shalt  }
0x81: {  	_ =	shalt  }
0x82: {  	_ =	shalt  }
0x83: {  	_ =	shalt  }
0x84: {  	_ =	shalt  }
0x85: {  	_ =	shalt  }
0x86: {  	_ =	shalt  }
0x87: {  	_ =	shalt  }
.Lfunc_end0:
.L_simem_size_0:
called_computation_lowered:
.L_overlay_start_0:
0x88: {  	s2 =	sld [smem:$0x3FD9]  }
0x89: {  	s3 =	sld [smem:$0x3FFE];
	_ =	sdelay $0x1  }
0x8a: {  	s1 =	srdreg.scid  }
0x8b: {  	s0 =	sand.u32 $0x1, s1  }
0x8c: {  	s17 =	sshll.u32 s0, $0xA;
	s2 =	sadd.s32 s3, s2  }
0x8d: {  	s2 =	sadd.s32 s2, s17  }
0x8e: {  	[smem:$0x3FC6] =	sst s2  }
0x8f: {  	_ = 	snop  }
0x90: {  	s2 =	sld [smem:$0x3FC8]  }
0x91: {  	s18 =	sld [smem:$0x3FD0];
	(tm) =	ssettm $0x1  }
0x92: {  	s4 =	sld [smem:$0x3FFB];
	_ =	sdelay $0x3  }
0x93: {  	_ =	strace s4  }
0x94: {  	s4 =	sld [smem:$0x3FFC];
	_ =	sdelay $0x3  }
0x95: {  	_ =	strace s4  }
0x96: {  	s4 =	sld [smem:$0x3FFD];
	_ =	sdelay $0x3  }
0x97: {  	_ =	strace s4  }
0x98: {  	_ =	strace $0x8FFFFFFF  }
0x99: {  	s19 =	sld [smem:$0x3FDB];
	_ =	sdelay $0x1  }
0x9a: {  	s5 =	simm.s32 $_scs_section_size  }
0x9b: {  	s6 =	simm.s32 $_size__tile_overlayer_lowered;
	s7 =	simm.s32 $_tile_overlayer_lowered  }
0x9c: {  	s22 =	simm.s32 $0x1BFF;
	s21 =	sshll.u32 s7, $0x1;
	s4 =	sadd.s32 s5, s19  }
0x9d: {  	s8 =	simm.s32 $0x0;
	s20 =	sshll.u32 s6, $0x1;
	s6 =	sadd.s32 s21, s4  }
0x9e: {  	[timem:s8], [sflag:s22] =	dma.local [hbm:s6], s20  }
0x9f: {  	_ =	swait.ge [sflag:s22], s20  }
0xa0: {  	s5 =	ssub.s32 $0x0, s20;
	[sflag:s22] =	ssyncset.done $0x0  }
0xa1: {  	[sflag:s22] =	ssyncadd.s32 s5;
	_ =	sdelay $0x1  }
0xa2: {  	s23 =	simm.s32 $0x1B8B  }
0xa3: {  	_ =	swait.ge [sflag:s23], $0x1  }
0xa4: {  	[sflag:s23] =	ssyncset.done $0x0  }
0xa5: {  	s25 =	simm.s32 $0x1B8E;
	s24 =	sld [smem:$0x3FFE];
	[sflag:s23] =	ssyncadd.s32 $0xFFFFFFFF  }
0xa6: {  	s26 =	simm.s32 $execute0_lowered;
	[smem:$0x3FD2] =	sst s25  }
0xa7: {  	s6 =	sshll.u32 s26, $0x1;
	_ =	strace $0x80000046;
	[dreg:$0x1] =	wrdreg $0xFFFFFFFF  }
0xa8: {  	s28 =	simm.s32 $_size_execute0_lowered;
	s4 =	sadd.s32 s4, s6;
	[dreg:$0x0] =	wrdreg $0x0  }
0xa9: {  	s6 =	sshll.u32 s28, $0x1;
	[dreg:$0x2] =	wrdreg s4  }
0xaa: {  	[dreg:$0x3] =	wrdreg s6  }
0xab: {  	[dreg:$0x4] =	wrdreg $0xC0  }
0xac: {  	_ =	task [dreg:s8], $0x5FFFF  }
0xad: {  	[dreg:$0x1] =	wrdreg $0xFFFFFFFF  }
0xae: {  	[dreg:$0x0] =	wrdreg $0x60  }
0xaf: {  	[dreg:$0x2] =	wrdreg s2  }
0xb0: {  	[dreg:$0x3] =	wrdreg s18  }
0xb1: {  	[dreg:$0x4] =	wrdreg s24  }
0xb2: {  	[dreg:$0x5] =	wrdreg $0x9  }
0xb3: {  	_ =	task.clear_ibuf [dreg:s8], $0x6FFFF;
	_ =	strace $0x90000046  }
0xb4: {  	s29 =	simm.s32 $0x9;
	_ =	strace $0x80000048  }
0xb5: {  	_ =	swait.ge [sflag:s29], $0x1  }
0xb6: {  	[sflag:s29] =	ssyncadd.s32 $0xFFFFFFFF  }
0xb7: {  	_ =	strace $0x90000048  }
0xb8: {  	_ =	sfence  }
0xb9: {  	s30 =	sld [smem:$0x0];
	_ =	sdelay $0x2  }
0xba: {  	s31 =	sshll.u32 s1, $0xD;
	s1 =	sshrl.u32 s1, $0x2  }
0xbb: {  	s3 =	sand.u32 $0x4000, s31;
	s1 =	sadd.s32 s1, s30  }
0xbc: {  	s0 =	sor.u32 s3, s0;
	s1 =	sshll.u32 s1, $0x11  }
0xbd: {  	s0 =	sor.u32 s1, s0  }
0xbe: {  	s0 =	sadd.s32 $0x8F2B, s0  }
0xbf: {  	[sflag:s0] =	ssyncadd.remote.s32 $0x1  }
0xc0: {  	_ =	sfence.sel $0xFFFF  }
0xc1: {  	[dreg:$0x0] =	wrdreg $0xFFFFFFFF;
	(pc) =	sbr.abs _section_cstart, $3  }
0xc2: {  	[dreg:$0x1] =	wrdreg $0xFFFFFFFF  }
0xc3: {  	_ =	task.clear_ibuf [dreg:s8], $0x2FFFF;
	_ =	strace $0x9FFFFFFF  }
0xc4: {  	(tm) =	ssettm $0x7FFFFFFF  }
0xc5: {  	_ =	shalt  }
tec
execute0_lowered:
.L_overlay_start_1:
0x0: {  	(tag) =	ssettag $0x1  }
0x1: {  	s1 =	rddreg [dreg:$0x0]  }
0x2: {  	s3 =	rddreg [dreg:$0x1];
	s0 =	srdreg.scid  }
0x3: {  	s4 =	stileid.u32;
	s2 =	rddreg [dreg:$0x2]  }
0x4: {  	s9 =	simm.s32 $0x187000;
	s29 =	simm.s32 $0xC3800;
	s18 =	simm.s32 $0x1  }
0x5: {  	s19 =	simm.s32 $0xB000;
	s20 =	simm.s32 $0x2;
	s21 =	simm.s32 $0x10800  }
0x6: {  	s22 =	simm.s32 $0x3;
	s23 =	simm.s32 $0x4;
	s0 =	sand.u32 $0x1, s0  }
0x7: {  	s5 =	sshll.u32 s4, $0x1;
	s4 =	simm.s32 $0x0;
	s31 =	sadd.s32 $0x31700, s2  }
0x8: {  	s5 =	sor.u32 s0, s5;
	[smem:$0x7FF] =	sst s4;
	s0 =	ssub.s32 $0x2, s0  }
0x9: {  	s6 =	sor.u32 $0x40, s5;
	_ =	strace $0x80000047;
	s8 =	smul.u32 $0x580, s5  }
0xa: {  	s11 =	sshrl.u32 s0, $0x1;
	s12 =	smul.u32 $0xB00, s5;
	[dreg:$0xa] =	wrdreg s31  }
0xb: {  	v0 =	vlaneseq.u32;
	s7 =	sadd.s32 $0xFFFFFFB9, s6;
	p0 =	sgt.u32 s6, $0x46;
	s0 =	ssub.s32 s0, s11  }
0xc: {  	v1 =	vand.u32 $0x7, v0;
	s11 =	simm.s32 $0x0;
	s7 =	smin.u32 s6, s7;
	s9 =	simm.s32 @!p0 $0x0  }
0xd: {  	v2 =	vshrl.u32 v0, $0x3;
	v0 =	vmul.u32 $0x10, v1;
	s24 =	sadd.s32 s1, s8;
	s0 =	smax.u32 s0, $0x1;
	p0 =	sne.s32 s5, $0x0  }
0xe: {  	v1 =	vmul.u32 $0x80, v2;
	s10 =	smul.u32 $0x2C00, s7;
	s7 =	sadd.s32 $0xA00, s2;
	[dreg:$0x4] =	wrdreg s24  }
.Ltmp0:
0xf: {  	v2 =	vor.u32 $0x1, v0;
	v3 =	vor.u32 $0x2, v0;
	v4 =	vor.u32 $0x3, v0;
	s28 =	sadd.s32 $0xB000, s24;
	[dreg:$0x9] =	wrdreg s0;
	(pc) =	sbr.rel .LBB2_1-.Ltmp0, $4  }
0x10: {  	v5 =	vor.u32 $0x4, v0;
	v6 =	vor.u32 $0x5, v0;
	v7 =	vor.u32 $0x6, v0;
	s25 =	sadd.s32 s7, s12;
	[dreg:$0x6] =	wrdreg s28;
	s9 =	sadd.s32 s10, s9  }
0x11: {  	v8 =	vor.u32 $0x7, v0;
	v9 =	vor.u32 $0x8, v0;
	v10 =	vor.u32 $0x9, v0;
	[dreg:$0x5] =	wrdreg s25;
	s30 =	sadd.s32 $0x16000, s25;
	s26 =	sshrl.u32 s9, $0x3  }
0x12: {  	v11 =	vor.u32 $0xA, v0;
	v12 =	vor.u32 $0xB, v0;
	v13 =	vor.u32 $0xC, v0;
	s24 =	simm.s32 $0x16000;
	[dreg:$0x8] =	wrdreg s30;
	s8 =	sadd.s32 s1, s26  }
0x13: {  	v14 =	vor.u32 $0xD, v0;
	v15 =	vor.u32 $0xE, v0;
	v16 =	vor.u32 $0xF, v0;
	s25 =	simm.s32 $0x5;
	s26 =	simm.s32 $0x2C00;
	[dreg:$0x7] =	wrdreg s8  }
.LBB2_13:
0x14: {  	_ =	swait.ge [sflag:s22], $0x5800  }
.Ltmp1:
0x15: {  	[sflag:s22] =	ssyncset.done $0x0;
	(pc) =	sbr.rel @!p0 .LBB2_14-.Ltmp1, $4  }
0x16: {  	[sflag:s22] =	ssyncadd.s32 $0xFFFFA800  }
0x17: {  	_ =	swait.ge [sflag:s23], $0x5800  }
0x18: {  	s26 =	simm.s32 $0x2C00;
	[sflag:s23] =	ssyncset.done $0x0  }
0x19: {  	s29 =	simm.s32 $0xC3800;
	s11 =	rddreg [dreg:$0xb];
	[sflag:s23] =	ssyncadd.s32 $0xFFFFA800  }
.LBB2_17:
0x1a: {  	s11 =	sadd.s32 $0x1, s11;
	s0 =	rddreg [dreg:$0x9]  }
0x1b: {  	p1 =	sne.s32 s11, s0  }
.Ltmp2:
0x1c: {  	_ = 	snop;
	(pc) =	sbr.rel @!p1 .LBB2_18-.Ltmp2, $1  }
0x1d: {  	_ =	sdelay $0x3  }
.LBB2_1:
0x1e: {  	[dreg:$0xb] =	wrdreg s11  }
0x1f: {  	s0 =	rddreg [dreg:$0x4]  }
0x20: {  	[tilespmem:s4], [sflag:$0x1] =	stream.strided.gather [hbm4b:s0+s26], $0x5800, s29, s26, $0x38;
	[tilespmem:$0x16400] =	vst v63  }
0x21: {  	s31 =	rddreg [dreg:$0x6];
	s2 =	simm.s32 $0x5800  }
0x22: {  	[tilespmem:s2], [sflag:$0x2] =	stream.strided.gather [hbm4b:s31+s26], $0x5800, s29, s26, $0x38;
	[tilespmem:$0x16400] =	vst v63  }
0x23: {  	v17 =	vmov s4;
	_ =	swait.ge [sflag:s18], $0x5800  }
0x24: {  	s8 =	sand.u32 $0x3C00, s4;
	v17 =	vshll.u32 v17, $0x7;
	s2 =	sand.u32 $0x70, s4;
	[sflag:s18] =	ssyncset.done $0x0  }
0x25: {  	v22 =	vor.u32 v1, v17;
	s11 =	sor.u32 s2, s8;
	[sflag:s18] =	ssyncadd.s32 $0xFFFFA800  }
0x26: {  	v18 =	vor.u32 v0, v22;
	v17 =	vld [tilespmem:s11+$0x0];
	_ =	sdelay $0x4  }
0x27: {  	[tilespmem:v18+s19+$0x0] =	vst.idx.msk $0xffff, v17  }
0x28: {  	v18 =	vor.u32 v2, v22;
	v17 =	vld [tilespmem:s11+$0x80];
	_ =	sdelay $0x4  }
0x29: {  	[tilespmem:v18+s19+$0x0] =	vst.idx.msk $0xffff, v17  }
0x2a: {  	s9 =	simm.s32 $0x2;
	v19 =	vor.u32 v3, v22;
	v18 =	vld [tilespmem:s11+$0x100]  }
0x2b: {  	s10 =	simm.s32 $0x80;
	s12 =	simm.s32 $0x10;
	v17 =	vmov s9  }
0x2c: {  	s0 =	sand.u32 $0x3C00, s10;
	s2 =	sand.u32 $0x70, s12;
	v17 =	vshll.u32 v17, $0x7  }
0x2d: {  	s28 =	sor.u32 s2, s0;
	v17 =	vor.u32 v1, v17  }
0x2e: {  	v20 =	vld [tilespmem:s28+$0x0];
	v21 =	vor.u32 v0, v17  }
0x2f: {  	[tilespmem:v19+s19+$0x0] =	vst.idx.msk $0xffff, v18  }
0x30: {  	v19 =	vor.u32 v4, v22;
	v18 =	vld [tilespmem:s11+$0x180];
	_ =	sdelay $0x2  }
0x31: {  	[tilespmem:v21+s19+$0x0] =	vst.idx.msk $0xffff, v20  }
0x32: {  	v21 =	vor.u32 v2, v17;
	v20 =	vld [tilespmem:s28+$0x80]  }
0x33: {  	[tilespmem:v19+s19+$0x0] =	vst.idx.msk $0xffff, v18  }
0x34: {  	v19 =	vor.u32 v5, v22;
	v18 =	vld [tilespmem:s11+$0x200];
	_ =	sdelay $0x2  }
0x35: {  	[tilespmem:v21+s19+$0x0] =	vst.idx.msk $0xffff, v20  }
0x36: {  	s13 =	simm.s32 $0x4;
	v21 =	vor.u32 v3, v17;
	v20 =	vld [tilespmem:s28+$0x100]  }
0x37: {  	s14 =	simm.s32 $0x100;
	s15 =	simm.s32 $0x20;
	v23 =	vmov s13;
	[tilespmem:v19+s19+$0x0] =	vst.idx.msk $0xffff, v18  }
0x38: {  	s2 =	sand.u32 $0x70, s15;
	s0 =	sand.u32 $0x3C00, s14;
	v18 =	vshll.u32 v23, $0x7;
	v23 =	vor.u32 v6, v22;
	v19 =	vld [tilespmem:s11+$0x280]  }
0x39: {  	s0 =	sor.u32 s2, s0;
	v18 =	vor.u32 v1, v18  }
0x3a: {  	v24 =	vld [tilespmem:s0+$0x0];
	v25 =	vor.u32 v0, v18  }
0x3b: {  	[tilespmem:v21+s19+$0x0] =	vst.idx.msk $0xffff, v20  }
0x3c: {  	v21 =	vor.u32 v4, v17;
	v20 =	vld [tilespmem:s28+$0x180]  }
0x3d: {  	[tilespmem:v23+s19+$0x0] =	vst.idx.msk $0xffff, v19  }
0x3e: {  	v23 =	vor.u32 v7, v22;
	v19 =	vld [tilespmem:s11+$0x300]  }
0x3f: {  	[tilespmem:v25+s19+$0x0] =	vst.idx.msk $0xffff, v24  }
0x40: {  	s16 =	sand.u32 $0x7, s4;
	v25 =	vor.u32 v2, v18;
	v24 =	vld [tilespmem:s0+$0x80]  }
0x41: {  	s2 =	sshll.u32 s16, $0x4;
	[tilespmem:v21+s19+$0x0] =	vst.idx.msk $0xffff, v20  }
0x42: {  	s2 =	sadd.s32 $0x0, s2;
	v21 =	vor.u32 v5, v17;
	v20 =	vld [tilespmem:s28+$0x200]  }
0x43: {  	s2 =	sor.u32 $0x380, s2;
	[tilespmem:v23+s19+$0x0] =	vst.idx.msk $0xffff, v19  }
0x44: {  	v26 =	vor.u32 v8, v22;
	v23 =	vld [tilespmem:s2+$0x0]  }
0x45: {  	s17 =	simm.s32 $0x6;
	[tilespmem:v25+s19+$0x0] =	vst.idx.msk $0xffff, v24  }
0x46: {  	s30 =	simm.s32 $0x180;
	s8 =	simm.s32 $0x30;
	v19 =	vmov s17;
	v25 =	vor.u32 v3, v18;
	v24 =	vld [tilespmem:s0+$0x100]  }
0x47: {  	s8 =	sand.u32 $0x70, s8;
	v19 =	vshll.u32 v19, $0x7;
	s2 =	sand.u32 $0x3C00, s30;
	[tilespmem:v21+s19+$0x0] =	vst.idx.msk $0xffff, v20  }
0x48: {  	v21 =	vor.u32 v6, v17;
	s2 =	sor.u32 s8, s2;
	v19 =	vor.u32 v1, v19;
	v20 =	vld [tilespmem:s28+$0x280]  }
0x49: {  	[tilespmem:v26+s19+$0x0] =	vst.idx.msk $0xffff, v23;
	v23 =	vld [tilespmem:s2+$0x0];
	v26 =	vor.u32 v0, v19  }
0x4a: {  	v28 =	vor.u32 v9, v22;
	v27 =	vld [tilespmem:s11+$0x2C00]  }
0x4b: {  	[tilespmem:v25+s19+$0x0] =	vst.idx.msk $0xffff, v24  }
0x4c: {  	v25 =	vor.u32 v4, v18;
	v24 =	vld [tilespmem:s0+$0x180]  }
0x4d: {  	[tilespmem:v21+s19+$0x0] =	vst.idx.msk $0xffff, v20  }
0x4e: {  	v21 =	vor.u32 v7, v17;
	v20 =	vld [tilespmem:s28+$0x300];
	[tilespmem:v26+s19+$0x0] =	vst.idx.msk $0xffff, v23  }
0x4f: {  	s31 =	simm.s32 $0x1;
	v26 =	vor.u32 v2, v19;
	v23 =	vld [tilespmem:s2+$0x80];
	[tilespmem:v28+s19+$0x0] =	vst.idx.msk $0xffff, v27  }
0x50: {  	s8 =	sand.u32 $0x7, s31;
	v28 =	vor.u32 v10, v22;
	v27 =	vld [tilespmem:s11+$0x2C80]  }
0x51: {  	s8 =	sshll.u32 s8, $0x4;
	[tilespmem:v25+s19+$0x0] =	vst.idx.msk $0xffff, v24  }
0x52: {  	s8 =	sadd.s32 $0x80, s8;
	v25 =	vor.u32 v5, v18;
	v24 =	vld [tilespmem:s0+$0x200]  }
0x53: {  	s8 =	sor.u32 $0x380, s8;
	[tilespmem:v21+s19+$0x0] =	vst.idx.msk $0xffff, v20  }
0x54: {  	v29 =	vor.u32 v8, v17;
	v21 =	vld [tilespmem:s8+$0x0];
	[tilespmem:v26+s19+$0x0] =	vst.idx.msk $0xffff, v23  }
0x55: {  	s9 =	simm.s32 $0x8;
	v26 =	vor.u32 v3, v19;
	v23 =	vld [tilespmem:s2+$0x100];
	[tilespmem:v28+s19+$0x0] =	vst.idx.msk $0xffff, v27  }
0x56: {  	s10 =	simm.s32 $0x40;
	s17 =	simm.s32 $0x200;
	v20 =	vmov s9;
	v28 =	vor.u32 v11, v22;
	v27 =	vld [tilespmem:s11+$0x2D00]  }
0x57: {  	s9 =	sand.u32 $0x3C00, s17;
	v20 =	vshll.u32 v20, $0x7;
	s8 =	sand.u32 $0x70, s10;
	[tilespmem:v25+s19+$0x0] =	vst.idx.msk $0xffff, v24  }
0x58: {  	s14 =	sor.u32 s8, s9;
	v20 =	vor.u32 v1, v20;
	v25 =	vor.u32 v6, v18;
	v24 =	vld [tilespmem:s0+$0x280]  }
0x59: {  	[tilespmem:v29+s19+$0x0] =	vst.idx.msk $0xffff, v21;
	v21 =	vld [tilespmem:s14+$0x0];
	v29 =	vor.u32 v0, v20  }
0x5a: {  	[tilespmem:v26+s19+$0x0] =	vst.idx.msk $0xffff, v23;
	v23 =	vld [tilespmem:s28+$0x2C00];
	v26 =	vor.u32 v9, v17  }
0x5b: {  	v31 =	vor.u32 v4, v19;
	v30 =	vld [tilespmem:s2+$0x180];
	[tilespmem:v28+s19+$0x0] =	vst.idx.msk $0xffff, v27  }
0x5c: {  	v28 =	vor.u32 v12, v22;
	v27 =	vld [tilespmem:s11+$0x2D80]  }
0x5d: {  	[tilespmem:v25+s19+$0x0] =	vst.idx.msk $0xffff, v24  }
0x5e: {  	v25 =	vor.u32 v7, v18;
	[tilespmem:v29+s19+$0x0] =	vst.idx.msk $0xffff, v21;
	v24 =	vld [tilespmem:s0+$0x300]  }
0x5f: {  	s12 =	simm.s32 $0x2;
	v29 =	vor.u32 v2, v20;
	v21 =	vld [tilespmem:s14+$0x80];
	[tilespmem:v26+s19+$0x0] =	vst.idx.msk $0xffff, v23  }
0x60: {  	s8 =	sand.u32 $0x7, s12;
	v26 =	vor.u32 v10, v17;
	[tilespmem:v31+s19+$0x0] =	vst.idx.msk $0xffff, v30;
	v23 =	vld [tilespmem:s28+$0x2C80]  }
0x61: {  	s8 =	sshll.u32 s8, $0x4;
	v31 =	vor.u32 v5, v19;
	v30 =	vld [tilespmem:s2+$0x200];
	[tilespmem:v28+s19+$0x0] =	vst.idx.msk $0xffff, v27  }
0x62: {  	s8 =	sadd.s32 $0x100, s8;
	v28 =	vor.u32 v13, v22;
	v27 =	vld [tilespmem:s11+$0x2E00]  }
0x63: {  	s8 =	sor.u32 $0x380, s8;
	[tilespmem:v25+s19+$0x0] =	vst.idx.msk $0xffff, v24  }
0x64: {  	v25 =	vor.u32 v8, v18;
	[tilespmem:v29+s19+$0x0] =	vst.idx.msk $0xffff, v21;
	v24 =	vld [tilespmem:s8+$0x0]  }
0x65: {  	s13 =	simm.s32 $0xA;
	v32 =	vor.u32 v3, v20;
	v29 =	vld [tilespmem:s14+$0x100];
	[tilespmem:v26+s19+$0x0] =	vst.idx.msk $0xffff, v23  }
0x66: {  	s15 =	simm.s32 $0x50;
	s12 =	simm.s32 $0x280;
	v21 =	vmov s13;
	v26 =	vor.u32 v11, v17;
	[tilespmem:v31+s19+$0x0] =	vst.idx.msk $0xffff, v30;
	v23 =	vld [tilespmem:s28+$0x2D00]  }
0x67: {  	s16 =	sand.u32 $0x3C00, s12;
	v21 =	vshll.u32 v21, $0x7;
	s8 =	sand.u32 $0x70, s15;
	v31 =	vor.u32 v6, v19;
	v30 =	vld [tilespmem:s2+$0x280];
	[tilespmem:v28+s19+$0x0] =	vst.idx.msk $0xffff, v27  }
0x68: {  	s10 =	sor.u32 s8, s16;
	v21 =	vor.u32 v1, v21;
	v28 =	vor.u32 v14, v22;
	v27 =	vld [tilespmem:s11+$0x2E80]  }
0x69: {  	[tilespmem:v25+s19+$0x0] =	vst.idx.msk $0xffff, v24;
	v24 =	vld [tilespmem:s10+$0x0];
	v25 =	vor.u32 v0, v21  }
0x6a: {  	v62 =	vor.u32 v9, v18;
	[tilespmem:v32+s19+$0x0] =	vst.idx.msk $0xffff, v29;
	v29 =	vld [tilespmem:s0+$0x2C00]  }
0x6b: {  	v34 =	vor.u32 v4, v20;
	v33 =	vld [tilespmem:s14+$0x180];
	[tilespmem:v26+s19+$0x0] =	vst.idx.msk $0xffff, v23  }
0x6c: {  	v26 =	vor.u32 v12, v17;
	[tilespmem:v31+s19+$0x0] =	vst.idx.msk $0xffff, v30;
	v23 =	vld [tilespmem:s28+$0x2D80]  }
0x6d: {  	v31 =	vor.u32 v7, v19;
	v30 =	vld [tilespmem:s2+$0x300];
	[tilespmem:v28+s19+$0x0] =	vst.idx.msk $0xffff, v27  }
0x6e: {  	[tilespmem:v25+s19+$0x0] =	vst.idx.msk $0xffff, v24;
	v25 =	vor.u32 v15, v22;
	v24 =	vld [tilespmem:s11+$0x2F00]  }
0x6f: {  	s13 =	simm.s32 $0x3;
	v35 =	vor.u32 v2, v21;
	v28 =	vld [tilespmem:s10+$0x80];
	[tilespmem:v62+s19+$0x0] =	vst.idx.msk $0xffff, v29  }
0x70: {  	s30 =	sand.u32 $0x7, s13;
	[tilespmem:v34+s19+$0x0] =	vst.idx.msk $0xffff, v33  }
0x71: {  	v63 =	vor.u32 v10, v18;
	s8 =	sshll.u32 s30, $0x4;
	v32 =	vld [tilespmem:s0+$0x2C80];
	[tilespmem:v26+s19+$0x0] =	vst.idx.msk $0xffff, v23  }
0x72: {  	v36 =	vor.u32 v5, v20;
	s8 =	sadd.s32 $0x180, s8;
	v34 =	vld [tilespmem:s14+$0x200];
	[tilespmem:v31+s19+$0x0] =	vst.idx.msk $0xffff, v30  }
0x73: {  	v38 =	vor.u32 v13, v17;
	s8 =	sor.u32 $0x380, s8;
	v37 =	vld [tilespmem:s28+$0x2E00];
	[tilespmem:v25+s19+$0x0] =	vst.idx.msk $0xffff, v24  }
0x74: {  	v27 =	vld [tilespmem:s8+$0x0];
	[tilespmem:v35+s19+$0x0] =	vst.idx.msk $0xffff, v28;
	v28 =	vor.u32 v8, v19  }
0x75: {  	v22 =	vor.u32 v16, v22;
	v23 =	vld [tilespmem:s11+$0x2F80]  }
0x76: {  	s31 =	simm.s32 $0xC;
	v30 =	vor.u32 v3, v21;
	v29 =	vld [tilespmem:s10+$0x100];
	[tilespmem:v63+s19+$0x0] =	vst.idx.msk $0xffff, v32  }
0x77: {  	s9 =	simm.s32 $0x60;
	v26 =	vor.u32 v11, v18;
	v24 =	vmov s31;
	s8 =	simm.s32 $0x300;
	[tilespmem:v36+s19+$0x0] =	vst.idx.msk $0xffff, v34;
	v25 =	vld [tilespmem:s0+$0x2D00]  }
0x78: {  	s15 =	sand.u32 $0x70, s9;
	v24 =	vshll.u32 v24, $0x7;
	s16 =	sand.u32 $0x3C00, s8;
	s11 =	simm.s32 $0xE;
	v32 =	vor.u32 v6, v20;
	v31 =	vld [tilespmem:s14+$0x280];
	[tilespmem:v38+s19+$0x0] =	vst.idx.msk $0xffff, v37  }
.LBB2_2:
0x79: {  	p1 =	sne.s32 s11, $0xAE;
	s15 =	sor.u32 s15, s16;
	v24 =	vor.u32 v1, v24;
	[tilespmem:v28+s19+$0x0] =	vst.idx.msk $0xffff, v27;
	v27 =	vld [tilespmem:s28+$0x2E80];
	v28 =	vor.u32 v14, v17  }
0x7a: {  	v33 =	vld [tilespmem:s15+$0x0];
	v34 =	vor.u32 v0, v24;
	[tilespmem:v22+s19+$0x0] =	vst.idx.msk $0xffff, v23  }
0x7b: {  	v23 =	vor.u32 v9, v19;
	[tilespmem:v30+s19+$0x0] =	vst.idx.msk $0xffff, v29;
	v22 =	vld [tilespmem:s2+$0x2C00]  }
0x7c: {  	v30 =	vor.u32 v4, v21;
	v29 =	vld [tilespmem:s10+$0x180];
	[tilespmem:v26+s19+$0x0] =	vst.idx.msk $0xffff, v25  }
0x7d: {  	v26 =	vor.u32 v12, v18;
	[tilespmem:v32+s19+$0x0] =	vst.idx.msk $0xffff, v31;
	v25 =	vld [tilespmem:s0+$0x2D80]  }
0x7e: {  	v32 =	vor.u32 v7, v20;
	v31 =	vld [tilespmem:s14+$0x300];
	[tilespmem:v28+s19+$0x0] =	vst.idx.msk $0xffff, v27  }
0x7f: {  	s13 =	sadd.s32 $0x1, s13;
	[tilespmem:v34+s19+$0x0] =	vst.idx.msk $0xffff, v33;
	v33 =	vld [tilespmem:s28+$0x2F00];
	v34 =	vor.u32 v15, v17  }
0x80: {  	v36 =	vor.u32 v2, v24;
	s16 =	sand.u32 $0x7, s13;
	v35 =	vld [tilespmem:s15+$0x80];
	[tilespmem:v23+s19+$0x0] =	vst.idx.msk $0xffff, v22  }
0x81: {  	v38 =	vor.u32 v10, v19;
	s16 =	sshll.u32 s16, $0x4;
	[tilespmem:v30+s19+$0x0] =	vst.idx.msk $0xffff, v29;
	v37 =	vld [tilespmem:s2+$0x2C80]  }
0x82: {  	v40 =	vor.u32 v5, v21;
	s16 =	sadd.s32 s16, s17;
	s17 =	smov.u32 s12;
	s12 =	smov.u32 s8;
	v39 =	vld [tilespmem:s10+$0x200];
	[tilespmem:v26+s19+$0x0] =	vst.idx.msk $0xffff, v25  }
0x83: {  	v42 =	vor.u32 v13, v18;
	s16 =	sor.u32 $0x380, s16;
	[tilespmem:v32+s19+$0x0] =	vst.idx.msk $0xffff, v31;
	v41 =	vld [tilespmem:s0+$0x2E00]  }
.Ltmp3:
0x84: {  	v28 =	vor.u32 v8, v20;
	v27 =	vld [tilespmem:s16+$0x0];
	[tilespmem:v34+s19+$0x0] =	vst.idx.msk $0xffff, v33;
	(pc) =	sbr.rel @p1 .LBB2_2-.Ltmp3, $4  }
0x85: {  	v22 =	vor.u32 v16, v17;
	v17 =	vmovc v18;
	v18 =	vmov v19;
	v19 =	vmov v20;
	[tilespmem:v36+s19+$0x0] =	vst.idx.msk $0xffff, v35;
	v23 =	vld [tilespmem:s28+$0x2F80];
	s28 =	smov.u32 s0;
	s0 =	smov.u32 s2;
	s2 =	smov.u32 s14  }
0x86: {  	v20 =	vmov v21;
	v21 =	vmov v24;
	v30 =	vor.u32 v3, v24;
	s14 =	smov.u32 s10;
	s10 =	smov.u32 s15;
	v29 =	vld [tilespmem:s15+$0x100];
	[tilespmem:v38+s19+$0x0] =	vst.idx.msk $0xffff, v37  }
0x87: {  	s9 =	sadd.s32 $0x10, s9;
	s8 =	sadd.s32 $0x80, s8;
	v24 =	vmov s11;
	v26 =	vor.u32 v11, v18;
	[tilespmem:v40+s19+$0x0] =	vst.idx.msk $0xffff, v39;
	v25 =	vld [tilespmem:s0+$0x2D00]  }
0x88: {  	s11 =	sadd.s32 $0x2, s11;
	v24 =	vshll.u32 v24, $0x7;
	v32 =	vor.u32 v6, v20;
	s16 =	sand.u32 $0x3C00, s8;
	s15 =	sand.u32 $0x70, s9;
	v31 =	vld [tilespmem:s14+$0x280];
	[tilespmem:v42+s19+$0x0] =	vst.idx.msk $0xffff, v41  }
0x89: {  	s11 =	sor.u32 s15, s16;
	v24 =	vor.u32 v1, v24  }
0x8a: {  	v33 =	vld [tilespmem:s11+$0x0];
	v34 =	vor.u32 v0, v24;
	_ =	sdelay $0x4  }
0x8b: {  	[tilespmem:v34+s19+$0x0] =	vst.idx.msk $0xffff, v33  }
0x8c: {  	v36 =	vor.u32 v2, v24;
	v33 =	vld [tilespmem:s11+$0x80];
	_ =	sdelay $0x4  }
0x8d: {  	[tilespmem:v36+s19+$0x0] =	vst.idx.msk $0xffff, v33  }
0x8e: {  	v37 =	vor.u32 v3, v24;
	v33 =	vld [tilespmem:s11+$0x100];
	_ =	sdelay $0x3  }
0x8f: {  	[tilespmem:v30+s19+$0x0] =	vst.idx.msk $0xffff, v29  }
0x90: {  	v30 =	vor.u32 v4, v21;
	v29 =	vld [tilespmem:s10+$0x180];
	[tilespmem:v37+s19+$0x0] =	vst.idx.msk $0xffff, v33  }
0x91: {  	v38 =	vor.u32 v4, v24;
	v33 =	vld [tilespmem:s11+$0x180];
	_ =	sdelay $0x3  }
0x92: {  	[tilespmem:v30+s19+$0x0] =	vst.idx.msk $0xffff, v29  }
0x93: {  	v30 =	vor.u32 v5, v21;
	v29 =	vld [tilespmem:s10+$0x200];
	[tilespmem:v38+s19+$0x0] =	vst.idx.msk $0xffff, v33  }
0x94: {  	v39 =	vor.u32 v5, v24;
	v33 =	vld [tilespmem:s11+$0x200];
	_ =	sdelay $0x3  }
0x95: {  	[tilespmem:v30+s19+$0x0] =	vst.idx.msk $0xffff, v29  }
0x96: {  	v30 =	vor.u32 v6, v21;
	v29 =	vld [tilespmem:s10+$0x280];
	[tilespmem:v39+s19+$0x0] =	vst.idx.msk $0xffff, v33  }
0x97: {  	v40 =	vor.u32 v6, v24;
	v33 =	vld [tilespmem:s11+$0x280];
	_ =	sdelay $0x2  }
0x98: {  	[tilespmem:v32+s19+$0x0] =	vst.idx.msk $0xffff, v31  }
0x99: {  	v41 =	vor.u32 v7, v20;
	v31 =	vld [tilespmem:s14+$0x300];
	[tilespmem:v30+s19+$0x0] =	vst.idx.msk $0xffff, v29  }
0x9a: {  	s9 =	sadd.s32 $0x1, s13;
	v30 =	vor.u32 v7, v21;
	v29 =	vld [tilespmem:s10+$0x300];
	[tilespmem:v40+s19+$0x0] =	vst.idx.msk $0xffff, v33  }
0x9b: {  	s13 =	sand.u32 $0x7, s9;
	s9 =	sadd.s32 $0x1, s9;
	v42 =	vor.u32 v7, v24;
	v33 =	vld [tilespmem:s11+$0x300]  }
0x9c: {  	s13 =	sshll.u32 s13, $0x4;
	s31 =	sand.u32 $0x7, s9;
	s9 =	sadd.s32 $0x1, s9  }
0x9d: {  	s13 =	sadd.s32 s13, s17;
	s15 =	sshll.u32 s31, $0x4;
	s9 =	sand.u32 $0x7, s9  }
0x9e: {  	s13 =	sor.u32 $0x380, s13;
	s12 =	sadd.s32 s15, s12;
	s9 =	sshll.u32 s9, $0x4;
	[tilespmem:v41+s19+$0x0] =	vst.idx.msk $0xffff, v31  }
0x9f: {  	v43 =	vor.u32 v8, v20;
	s12 =	sor.u32 $0x380, s12;
	s8 =	sadd.s32 s9, s8;
	v31 =	vld [tilespmem:s13+$0x0];
	[tilespmem:v30+s19+$0x0] =	vst.idx.msk $0xffff, v29  }
0xa0: {  	s8 =	sor.u32 $0x380, s8;
	v30 =	vor.u32 v8, v21;
	v29 =	vld [tilespmem:s12+$0x0];
	[tilespmem:v42+s19+$0x0] =	vst.idx.msk $0xffff, v33  }
0xa1: {  	v44 =	vor.u32 v8, v24;
	v33 =	vld [tilespmem:s8+$0x0];
	_ =	sdelay $0x1  }
0xa2: {  	[tilespmem:v28+s19+$0x0] =	vst.idx.msk $0xffff, v27  }
0xa3: {  	v28 =	vor.u32 v9, v19;
	v27 =	vld [tilespmem:s2+$0x2C00];
	[tilespmem:v43+s19+$0x0] =	vst.idx.msk $0xffff, v31  }
0xa4: {  	v45 =	vor.u32 v9, v20;
	v31 =	vld [tilespmem:s14+$0x2C00];
	[tilespmem:v30+s19+$0x0] =	vst.idx.msk $0xffff, v29  }
0xa5: {  	v30 =	vor.u32 v9, v21;
	v29 =	vld [tilespmem:s10+$0x2C00];
	[tilespmem:v44+s19+$0x0] =	vst.idx.msk $0xffff, v33  }
0xa6: {  	v46 =	vor.u32 v9, v24;
	v33 =	vld [tilespmem:s11+$0x2C00];
	_ =	sdelay $0x1  }
0xa7: {  	[tilespmem:v28+s19+$0x0] =	vst.idx.msk $0xffff, v27  }
0xa8: {  	v28 =	vor.u32 v10, v19;
	v27 =	vld [tilespmem:s2+$0x2C80];
	[tilespmem:v45+s19+$0x0] =	vst.idx.msk $0xffff, v31  }
0xa9: {  	v47 =	vor.u32 v10, v20;
	v31 =	vld [tilespmem:s14+$0x2C80];
	[tilespmem:v30+s19+$0x0] =	vst.idx.msk $0xffff, v29  }
0xaa: {  	v30 =	vor.u32 v10, v21;
	v29 =	vld [tilespmem:s10+$0x2C80];
	[tilespmem:v46+s19+$0x0] =	vst.idx.msk $0xffff, v33  }
0xab: {  	v48 =	vor.u32 v10, v24;
	v33 =	vld [tilespmem:s11+$0x2C80];
	_ =	sdelay $0x1  }
0xac: {  	[tilespmem:v28+s19+$0x0] =	vst.idx.msk $0xffff, v27  }
0xad: {  	v28 =	vor.u32 v11, v19;
	v27 =	vld [tilespmem:s2+$0x2D00];
	[tilespmem:v47+s19+$0x0] =	vst.idx.msk $0xffff, v31  }
0xae: {  	v49 =	vor.u32 v11, v20;
	v31 =	vld [tilespmem:s14+$0x2D00];
	[tilespmem:v30+s19+$0x0] =	vst.idx.msk $0xffff, v29  }
0xaf: {  	v30 =	vor.u32 v11, v21;
	v29 =	vld [tilespmem:s10+$0x2D00];
	[tilespmem:v48+s19+$0x0] =	vst.idx.msk $0xffff, v33  }
0xb0: {  	v50 =	vor.u32 v11, v24;
	v33 =	vld [tilespmem:s11+$0x2D00]  }
0xb1: {  	[tilespmem:v26+s19+$0x0] =	vst.idx.msk $0xffff, v25  }
0xb2: {  	v26 =	vor.u32 v12, v18;
	v25 =	vld [tilespmem:s0+$0x2D80];
	[tilespmem:v28+s19+$0x0] =	vst.idx.msk $0xffff, v27  }
0xb3: {  	v28 =	vor.u32 v12, v19;
	v27 =	vld [tilespmem:s2+$0x2D80];
	[tilespmem:v49+s19+$0x0] =	vst.idx.msk $0xffff, v31  }
0xb4: {  	v51 =	vor.u32 v12, v20;
	v31 =	vld [tilespmem:s14+$0x2D80];
	[tilespmem:v30+s19+$0x0] =	vst.idx.msk $0xffff, v29  }
0xb5: {  	v30 =	vor.u32 v12, v21;
	v29 =	vld [tilespmem:s10+$0x2D80];
	[tilespmem:v50+s19+$0x0] =	vst.idx.msk $0xffff, v33  }
0xb6: {  	v52 =	vor.u32 v12, v24;
	v33 =	vld [tilespmem:s11+$0x2D80]  }
0xb7: {  	[tilespmem:v26+s19+$0x0] =	vst.idx.msk $0xffff, v25  }
0xb8: {  	v26 =	vor.u32 v13, v18;
	v25 =	vld [tilespmem:s0+$0x2E00];
	[tilespmem:v28+s19+$0x0] =	vst.idx.msk $0xffff, v27  }
0xb9: {  	v28 =	vor.u32 v13, v19;
	v27 =	vld [tilespmem:s2+$0x2E00];
	[tilespmem:v51+s19+$0x0] =	vst.idx.msk $0xffff, v31  }
0xba: {  	v53 =	vor.u32 v13, v20;
	v31 =	vld [tilespmem:s14+$0x2E00];
	[tilespmem:v30+s19+$0x0] =	vst.idx.msk $0xffff, v29  }
0xbb: {  	v30 =	vor.u32 v13, v21;
	v29 =	vld [tilespmem:s10+$0x2E00];
	[tilespmem:v52+s19+$0x0] =	vst.idx.msk $0xffff, v33  }
0xbc: {  	[tilespmem:v22+s19+$0x0] =	vst.idx.msk $0xffff, v23;
	v23 =	vor.u32 v13, v24;
	v22 =	vld [tilespmem:s11+$0x2E00]  }
0xbd: {  	v54 =	vld [tilespmem:s28+$0x2E80];
	v55 =	vor.u32 v14, v17;
	[tilespmem:v26+s19+$0x0] =	vst.idx.msk $0xffff, v25  }
0xbe: {  	v26 =	vor.u32 v14, v18;
	v25 =	vld [tilespmem:s0+$0x2E80];
	[tilespmem:v28+s19+$0x0] =	vst.idx.msk $0xffff, v27  }
0xbf: {  	v28 =	vor.u32 v14, v19;
	v27 =	vld [tilespmem:s2+$0x2E80];
	[tilespmem:v53+s19+$0x0] =	vst.idx.msk $0xffff, v31  }
0xc0: {  	v56 =	vor.u32 v14, v20;
	v31 =	vld [tilespmem:s14+$0x2E80];
	[tilespmem:v30+s19+$0x0] =	vst.idx.msk $0xffff, v29  }
0xc1: {  	v30 =	vor.u32 v14, v21;
	v29 =	vld [tilespmem:s10+$0x2E80];
	[tilespmem:v23+s19+$0x0] =	vst.idx.msk $0xffff, v22  }
0xc2: {  	[tilespmem:v55+s19+$0x0] =	vst.idx.msk $0xffff, v54;
	v23 =	vor.u32 v14, v24;
	v22 =	vld [tilespmem:s11+$0x2E80]  }
0xc3: {  	v57 =	vor.u32 v15, v17;
	[tilespmem:v26+s19+$0x0] =	vst.idx.msk $0xffff, v25;
	v33 =	vld [tilespmem:s28+$0x2F00]  }
0xc4: {  	v26 =	vor.u32 v15, v18;
	v25 =	vld [tilespmem:s0+$0x2F00];
	[tilespmem:v28+s19+$0x0] =	vst.idx.msk $0xffff, v27  }
0xc5: {  	v28 =	vor.u32 v15, v19;
	v27 =	vld [tilespmem:s2+$0x2F00];
	[tilespmem:v56+s19+$0x0] =	vst.idx.msk $0xffff, v31  }
0xc6: {  	v58 =	vor.u32 v15, v20;
	v31 =	vld [tilespmem:s14+$0x2F00];
	[tilespmem:v30+s19+$0x0] =	vst.idx.msk $0xffff, v29  }
0xc7: {  	v30 =	vor.u32 v15, v21;
	v29 =	vld [tilespmem:s10+$0x2F00];
	[tilespmem:v23+s19+$0x0] =	vst.idx.msk $0xffff, v22  }
0xc8: {  	[tilespmem:v57+s19+$0x0] =	vst.idx.msk $0xffff, v33;
	v23 =	vor.u32 v15, v24;
	v22 =	vld [tilespmem:s11+$0x2F00]  }
0xc9: {  	v17 =	vor.u32 v16, v17;
	[tilespmem:v26+s19+$0x0] =	vst.idx.msk $0xffff, v25;
	v33 =	vld [tilespmem:s28+$0x2F80]  }
0xca: {  	v18 =	vor.u32 v16, v18;
	v25 =	vld [tilespmem:s0+$0x2F80];
	[tilespmem:v28+s19+$0x0] =	vst.idx.msk $0xffff, v27  }
0xcb: {  	v19 =	vor.u32 v16, v19;
	v26 =	vld [tilespmem:s2+$0x2F80];
	[tilespmem:v58+s19+$0x0] =	vst.idx.msk $0xffff, v31  }
0xcc: {  	v20 =	vor.u32 v16, v20;
	v27 =	vld [tilespmem:s14+$0x2F80];
	[tilespmem:v30+s19+$0x0] =	vst.idx.msk $0xffff, v29  }
0xcd: {  	v21 =	vor.u32 v16, v21;
	v28 =	vld [tilespmem:s10+$0x2F80];
	[tilespmem:v23+s19+$0x0] =	vst.idx.msk $0xffff, v22  }
0xce: {  	[tilespmem:v17+s19+$0x0] =	vst.idx.msk $0xffff, v33;
	v22 =	vor.u32 v16, v24;
	v17 =	vld [tilespmem:s11+$0x2F80]  }
0xcf: {  	[tilespmem:v18+s19+$0x0] =	vst.idx.msk $0xffff, v25  }
0xd0: {  	[tilespmem:v19+s19+$0x0] =	vst.idx.msk $0xffff, v26  }
0xd1: {  	[tilespmem:v20+s19+$0x0] =	vst.idx.msk $0xffff, v27  }
0xd2: {  	[tilespmem:v21+s19+$0x0] =	vst.idx.msk $0xffff, v28  }
0xd3: {  	[tilespmem:v22+s19+$0x0] =	vst.idx.msk $0xffff, v17  }
0xd4: {  	s9 =	simm.s32 $0x0;
	s10 =	rddreg [dreg:$0x5]  }
0xd5: {  	[hbm4b:s10+s9] =	stream.linear.scatter [tilespmem:s19], [sflag:$0x3], $0x5800, $0x38;
	[tilespmem:$0x16400] =	vst v63  }
0xd6: {  	s11 =	rddreg [dreg:$0x7]  }
0xd7: {  	[tilespmem:s9], [sflag:$0x1] =	stream.strided.gather [hbm4b:s11+s26], $0x5800, s29, s26, $0x38;
	[tilespmem:$0x16400] =	vst v63  }
0xd8: {  	v17 =	vmov s9;
	_ =	swait.ge [sflag:s20], $0x5800  }
0xd9: {  	s13 =	sand.u32 $0x3C00, s9;
	s12 =	sand.u32 $0x70, s9;
	v17 =	vshll.u32 v17, $0x7;
	[sflag:s20] =	ssyncset.done $0x0  }
0xda: {  	v22 =	vor.u32 v1, v17;
	s11 =	sor.u32 s12, s13;
	[sflag:s20] =	ssyncadd.s32 $0xFFFFA800  }
0xdb: {  	v18 =	vor.u32 v0, v22;
	v17 =	vld [tilespmem:s11+$0x5800];
	_ =	sdelay $0x4  }
0xdc: {  	[tilespmem:v18+s21+$0x0] =	vst.idx.msk $0xffff, v17  }
0xdd: {  	v18 =	vor.u32 v2, v22;
	v17 =	vld [tilespmem:s11+$0x5880];
	_ =	sdelay $0x4  }
0xde: {  	[tilespmem:v18+s21+$0x0] =	vst.idx.msk $0xffff, v17  }
0xdf: {  	s14 =	simm.s32 $0x2;
	v19 =	vor.u32 v3, v22;
	v18 =	vld [tilespmem:s11+$0x5900]  }
0xe0: {  	s16 =	simm.s32 $0x10;
	s15 =	simm.s32 $0x80;
	v17 =	vmov s14  }
0xe1: {  	s0 =	sand.u32 $0x3C00, s15;
	s8 =	sand.u32 $0x70, s16;
	v17 =	vshll.u32 v17, $0x7  }
0xe2: {  	s28 =	sor.u32 s8, s0;
	v17 =	vor.u32 v1, v17  }
0xe3: {  	v20 =	vld [tilespmem:s28+$0x5800];
	v21 =	vor.u32 v0, v17  }
0xe4: {  	[tilespmem:v19+s21+$0x0] =	vst.idx.msk $0xffff, v18  }
0xe5: {  	v19 =	vor.u32 v4, v22;
	v18 =	vld [tilespmem:s11+$0x5980];
	_ =	sdelay $0x2  }
0xe6: {  	[tilespmem:v21+s21+$0x0] =	vst.idx.msk $0xffff, v20  }
0xe7: {  	v21 =	vor.u32 v2, v17;
	v20 =	vld [tilespmem:s28+$0x5880]  }
0xe8: {  	[tilespmem:v19+s21+$0x0] =	vst.idx.msk $0xffff, v18  }
0xe9: {  	v19 =	vor.u32 v5, v22;
	v18 =	vld [tilespmem:s11+$0x5A00];
	_ =	sdelay $0x2  }
0xea: {  	[tilespmem:v21+s21+$0x0] =	vst.idx.msk $0xffff, v20  }
0xeb: {  	s17 =	simm.s32 $0x4;
	v21 =	vor.u32 v3, v17;
	v20 =	vld [tilespmem:s28+$0x5900]  }
0xec: {  	v23 =	vmov s17;
	s26 =	simm.s32 $0x100;
	s29 =	simm.s32 $0x20;
	[tilespmem:v19+s21+$0x0] =	vst.idx.msk $0xffff, v18  }
0xed: {  	s8 =	sand.u32 $0x70, s29;
	s0 =	sand.u32 $0x3C00, s26;
	v18 =	vshll.u32 v23, $0x7;
	v23 =	vor.u32 v6, v22;
	v19 =	vld [tilespmem:s11+$0x5A80]  }
0xee: {  	s0 =	sor.u32 s8, s0;
	v18 =	vor.u32 v1, v18  }
0xef: {  	v24 =	vld [tilespmem:s0+$0x5800];
	v25 =	vor.u32 v0, v18  }
0xf0: {  	[tilespmem:v21+s21+$0x0] =	vst.idx.msk $0xffff, v20  }
0xf1: {  	v21 =	vor.u32 v4, v17;
	v20 =	vld [tilespmem:s28+$0x5980]  }
0xf2: {  	[tilespmem:v23+s21+$0x0] =	vst.idx.msk $0xffff, v19  }
0xf3: {  	v23 =	vor.u32 v7, v22;
	v19 =	vld [tilespmem:s11+$0x5B00]  }
0xf4: {  	[tilespmem:v25+s21+$0x0] =	vst.idx.msk $0xffff, v24  }
0xf5: {  	s2 =	sand.u32 $0x7, s9;
	v25 =	vor.u32 v2, v18;
	v24 =	vld [tilespmem:s0+$0x5880]  }
0xf6: {  	s2 =	sshll.u32 s2, $0x4;
	[tilespmem:v21+s21+$0x0] =	vst.idx.msk $0xffff, v20  }
0xf7: {  	s2 =	sadd.s32 $0x0, s2;
	v21 =	vor.u32 v5, v17;
	v20 =	vld [tilespmem:s28+$0x5A00]  }
0xf8: {  	s2 =	sor.u32 $0x380, s2;
	[tilespmem:v23+s21+$0x0] =	vst.idx.msk $0xffff, v19  }
0xf9: {  	v26 =	vor.u32 v8, v22;
	v23 =	vld [tilespmem:s2+$0x5800]  }
0xfa: {  	s30 =	simm.s32 $0x6;
	[tilespmem:v25+s21+$0x0] =	vst.idx.msk $0xffff, v24  }
0xfb: {  	s31 =	simm.s32 $0x180;
	s9 =	simm.s32 $0x30;
	v19 =	vmov s30;
	v25 =	vor.u32 v3, v18;
	v24 =	vld [tilespmem:s0+$0x5900]  }
0xfc: {  	s8 =	sand.u32 $0x70, s9;
	v19 =	vshll.u32 v19, $0x7;
	s2 =	sand.u32 $0x3C00, s31;
	[tilespmem:v21+s21+$0x0] =	vst.idx.msk $0xffff, v20  }
0xfd: {  	v21 =	vor.u32 v6, v17;
	s2 =	sor.u32 s8, s2;
	v19 =	vor.u32 v1, v19;
	v20 =	vld [tilespmem:s28+$0x5A80]  }
0xfe: {  	[tilespmem:v26+s21+$0x0] =	vst.idx.msk $0xffff, v23;
	v23 =	vld [tilespmem:s2+$0x5800];
	v26 =	vor.u32 v0, v19  }
0xff: {  	v28 =	vor.u32 v9, v22;
	v27 =	vld [tilespmem:s11+$0x8400]  }
0x100: {  	[tilespmem:v25+s21+$0x0] =	vst.idx.msk $0xffff, v24  }
0x101: {  	v25 =	vor.u32 v4, v18;
	v24 =	vld [tilespmem:s0+$0x5980]  }
0x102: {  	[tilespmem:v21+s21+$0x0] =	vst.idx.msk $0xffff, v20  }
0x103: {  	v21 =	vor.u32 v7, v17;
	v20 =	vld [tilespmem:s28+$0x5B00];
	[tilespmem:v26+s21+$0x0] =	vst.idx.msk $0xffff, v23  }
0x104: {  	s10 =	simm.s32 $0x1;
	v26 =	vor.u32 v2, v19;
	v23 =	vld [tilespmem:s2+$0x5880];
	[tilespmem:v28+s21+$0x0] =	vst.idx.msk $0xffff, v27  }
0x105: {  	s8 =	sand.u32 $0x7, s10;
	v28 =	vor.u32 v10, v22;
	v27 =	vld [tilespmem:s11+$0x8480]  }
0x106: {  	s8 =	sshll.u32 s8, $0x4;
	[tilespmem:v25+s21+$0x0] =	vst.idx.msk $0xffff, v24  }
0x107: {  	s8 =	sadd.s32 $0x80, s8;
	v25 =	vor.u32 v5, v18;
	v24 =	vld [tilespmem:s0+$0x5A00]  }
0x108: {  	s8 =	sor.u32 $0x380, s8;
	[tilespmem:v21+s21+$0x0] =	vst.idx.msk $0xffff, v20  }
0x109: {  	v29 =	vor.u32 v8, v17;
	v21 =	vld [tilespmem:s8+$0x5800];
	[tilespmem:v26+s21+$0x0] =	vst.idx.msk $0xffff, v23  }
0x10a: {  	s12 =	simm.s32 $0x8;
	v26 =	vor.u32 v3, v19;
	v23 =	vld [tilespmem:s2+$0x5900];
	[tilespmem:v28+s21+$0x0] =	vst.idx.msk $0xffff, v27  }
0x10b: {  	s17 =	simm.s32 $0x200;
	s13 =	simm.s32 $0x40;
	v20 =	vmov s12;
	v28 =	vor.u32 v11, v22;
	v27 =	vld [tilespmem:s11+$0x8500]  }
0x10c: {  	s14 =	sand.u32 $0x3C00, s17;
	v20 =	vshll.u32 v20, $0x7;
	s8 =	sand.u32 $0x70, s13;
	[tilespmem:v25+s21+$0x0] =	vst.idx.msk $0xffff, v24  }
0x10d: {  	s14 =	sor.u32 s8, s14;
	v20 =	vor.u32 v1, v20;
	v25 =	vor.u32 v6, v18;
	v24 =	vld [tilespmem:s0+$0x5A80]  }
0x10e: {  	[tilespmem:v29+s21+$0x0] =	vst.idx.msk $0xffff, v21;
	v21 =	vld [tilespmem:s14+$0x5800];
	v29 =	vor.u32 v0, v20  }
0x10f: {  	[tilespmem:v26+s21+$0x0] =	vst.idx.msk $0xffff, v23;
	v23 =	vld [tilespmem:s28+$0x8400];
	v26 =	vor.u32 v9, v17  }
0x110: {  	v31 =	vor.u32 v4, v19;
	v30 =	vld [tilespmem:s2+$0x5980];
	[tilespmem:v28+s21+$0x0] =	vst.idx.msk $0xffff, v27  }
0x111: {  	v28 =	vor.u32 v12, v22;
	v27 =	vld [tilespmem:s11+$0x8580]  }
0x112: {  	[tilespmem:v25+s21+$0x0] =	vst.idx.msk $0xffff, v24  }
0x113: {  	v25 =	vor.u32 v7, v18;
	[tilespmem:v29+s21+$0x0] =	vst.idx.msk $0xffff, v21;
	v24 =	vld [tilespmem:s0+$0x5B00]  }
0x114: {  	s15 =	simm.s32 $0x2;
	v29 =	vor.u32 v2, v20;
	v21 =	vld [tilespmem:s14+$0x5880];
	[tilespmem:v26+s21+$0x0] =	vst.idx.msk $0xffff, v23  }
0x115: {  	s8 =	sand.u32 $0x7, s15;
	v26 =	vor.u32 v10, v17;
	[tilespmem:v31+s21+$0x0] =	vst.idx.msk $0xffff, v30;
	v23 =	vld [tilespmem:s28+$0x8480]  }
0x116: {  	s8 =	sshll.u32 s8, $0x4;
	v31 =	vor.u32 v5, v19;
	v30 =	vld [tilespmem:s2+$0x5A00];
	[tilespmem:v28+s21+$0x0] =	vst.idx.msk $0xffff, v27  }
0x117: {  	s8 =	sadd.s32 $0x100, s8;
	v28 =	vor.u32 v13, v22;
	v27 =	vld [tilespmem:s11+$0x8600]  }
0x118: {  	s8 =	sor.u32 $0x380, s8;
	[tilespmem:v25+s21+$0x0] =	vst.idx.msk $0xffff, v24  }
0x119: {  	v25 =	vor.u32 v8, v18;
	[tilespmem:v29+s21+$0x0] =	vst.idx.msk $0xffff, v21;
	v24 =	vld [tilespmem:s8+$0x5800]  }
0x11a: {  	s16 =	simm.s32 $0xA;
	v59 =	vor.u32 v3, v20;
	v29 =	vld [tilespmem:s14+$0x5900];
	[tilespmem:v26+s21+$0x0] =	vst.idx.msk $0xffff, v23  }
0x11b: {  	s26 =	simm.s32 $0x50;
	s12 =	simm.s32 $0x280;
	v21 =	vmov s16;
	v26 =	vor.u32 v11, v17;
	[tilespmem:v31+s21+$0x0] =	vst.idx.msk $0xffff, v30;
	v23 =	vld [tilespmem:s28+$0x8500]  }
0x11c: {  	s29 =	sand.u32 $0x3C00, s12;
	v21 =	vshll.u32 v21, $0x7;
	s8 =	sand.u32 $0x70, s26;
	v31 =	vor.u32 v6, v19;
	v30 =	vld [tilespmem:s2+$0x5A80];
	[tilespmem:v28+s21+$0x0] =	vst.idx.msk $0xffff, v27  }
0x11d: {  	s10 =	sor.u32 s8, s29;
	v21 =	vor.u32 v1, v21;
	v28 =	vor.u32 v14, v22;
	v27 =	vld [tilespmem:s11+$0x8680]  }
0x11e: {  	[tilespmem:v25+s21+$0x0] =	vst.idx.msk $0xffff, v24;
	v24 =	vld [tilespmem:s10+$0x5800];
	v25 =	vor.u32 v0, v21  }
0x11f: {  	v60 =	vor.u32 v9, v18;
	[tilespmem:v59+s21+$0x0] =	vst.idx.msk $0xffff, v29;
	v29 =	vld [tilespmem:s0+$0x8400]  }
0x120: {  	v62 =	vor.u32 v4, v20;
	v61 =	vld [tilespmem:s14+$0x5980];
	[tilespmem:v26+s21+$0x0] =	vst.idx.msk $0xffff, v23  }
0x121: {  	v26 =	vor.u32 v12, v17;
	[tilespmem:v31+s21+$0x0] =	vst.idx.msk $0xffff, v30;
	v23 =	vld [tilespmem:s28+$0x8580]  }
0x122: {  	v31 =	vor.u32 v7, v19;
	v30 =	vld [tilespmem:s2+$0x5B00];
	[tilespmem:v28+s21+$0x0] =	vst.idx.msk $0xffff, v27  }
0x123: {  	[tilespmem:v25+s21+$0x0] =	vst.idx.msk $0xffff, v24;
	v25 =	vor.u32 v15, v22;
	v24 =	vld [tilespmem:s11+$0x8700]  }
0x124: {  	s13 =	simm.s32 $0x3;
	v35 =	vor.u32 v2, v21;
	v28 =	vld [tilespmem:s10+$0x5880];
	[tilespmem:v60+s21+$0x0] =	vst.idx.msk $0xffff, v29  }
0x125: {  	s30 =	sand.u32 $0x7, s13;
	[tilespmem:v62+s21+$0x0] =	vst.idx.msk $0xffff, v61  }
0x126: {  	v63 =	vor.u32 v10, v18;
	s8 =	sshll.u32 s30, $0x4;
	v32 =	vld [tilespmem:s0+$0x8480];
	[tilespmem:v26+s21+$0x0] =	vst.idx.msk $0xffff, v23  }
0x127: {  	v36 =	vor.u32 v5, v20;
	s8 =	sadd.s32 $0x180, s8;
	v34 =	vld [tilespmem:s14+$0x5A00];
	[tilespmem:v31+s21+$0x0] =	vst.idx.msk $0xffff, v30  }
0x128: {  	v38 =	vor.u32 v13, v17;
	s8 =	sor.u32 $0x380, s8;
	v37 =	vld [tilespmem:s28+$0x8600];
	[tilespmem:v25+s21+$0x0] =	vst.idx.msk $0xffff, v24  }
0x129: {  	v27 =	vld [tilespmem:s8+$0x5800];
	[tilespmem:v35+s21+$0x0] =	vst.idx.msk $0xffff, v28;
	v28 =	vor.u32 v8, v19  }
0x12a: {  	v22 =	vor.u32 v16, v22;
	v23 =	vld [tilespmem:s11+$0x8780]  }
0x12b: {  	s31 =	simm.s32 $0xC;
	v30 =	vor.u32 v3, v21;
	v29 =	vld [tilespmem:s10+$0x5900];
	[tilespmem:v63+s21+$0x0] =	vst.idx.msk $0xffff, v32  }
0x12c: {  	s9 =	simm.s32 $0x60;
	v26 =	vor.u32 v11, v18;
	v24 =	vmov s31;
	s8 =	simm.s32 $0x300;
	[tilespmem:v36+s21+$0x0] =	vst.idx.msk $0xffff, v34;
	v25 =	vld [tilespmem:s0+$0x8500]  }
0x12d: {  	s15 =	sand.u32 $0x70, s9;
	v24 =	vshll.u32 v24, $0x7;
	s16 =	sand.u32 $0x3C00, s8;
	s11 =	simm.s32 $0xE;
	v32 =	vor.u32 v6, v20;
	v31 =	vld [tilespmem:s14+$0x5A80];
	[tilespmem:v38+s21+$0x0] =	vst.idx.msk $0xffff, v37  }
.LBB2_4:
0x12e: {  	p1 =	sne.s32 s11, $0xAE;
	s15 =	sor.u32 s15, s16;
	v24 =	vor.u32 v1, v24;
	[tilespmem:v28+s21+$0x0] =	vst.idx.msk $0xffff, v27;
	v27 =	vld [tilespmem:s28+$0x8680];
	v28 =	vor.u32 v14, v17  }
0x12f: {  	v33 =	vld [tilespmem:s15+$0x5800];
	v34 =	vor.u32 v0, v24;
	[tilespmem:v22+s21+$0x0] =	vst.idx.msk $0xffff, v23  }
0x130: {  	v23 =	vor.u32 v9, v19;
	[tilespmem:v30+s21+$0x0] =	vst.idx.msk $0xffff, v29;
	v22 =	vld [tilespmem:s2+$0x8400]  }
0x131: {  	v30 =	vor.u32 v4, v21;
	v29 =	vld [tilespmem:s10+$0x5980];
	[tilespmem:v26+s21+$0x0] =	vst.idx.msk $0xffff, v25  }
0x132: {  	v26 =	vor.u32 v12, v18;
	[tilespmem:v32+s21+$0x0] =	vst.idx.msk $0xffff, v31;
	v25 =	vld [tilespmem:s0+$0x8580]  }
0x133: {  	v32 =	vor.u32 v7, v20;
	v31 =	vld [tilespmem:s14+$0x5B00];
	[tilespmem:v28+s21+$0x0] =	vst.idx.msk $0xffff, v27  }
0x134: {  	s13 =	sadd.s32 $0x1, s13;
	[tilespmem:v34+s21+$0x0] =	vst.idx.msk $0xffff, v33;
	v33 =	vld [tilespmem:s28+$0x8700];
	v34 =	vor.u32 v15, v17  }
0x135: {  	v36 =	vor.u32 v2, v24;
	s16 =	sand.u32 $0x7, s13;
	v35 =	vld [tilespmem:s15+$0x5880];
	[tilespmem:v23+s21+$0x0] =	vst.idx.msk $0xffff, v22  }
0x136: {  	v38 =	vor.u32 v10, v19;
	s16 =	sshll.u32 s16, $0x4;
	[tilespmem:v30+s21+$0x0] =	vst.idx.msk $0xffff, v29;
	v37 =	vld [tilespmem:s2+$0x8480]  }
0x137: {  	v40 =	vor.u32 v5, v21;
	s16 =	sadd.s32 s16, s17;
	s17 =	smov.u32 s12;
	s12 =	smov.u32 s8;
	v39 =	vld [tilespmem:s10+$0x5A00];
	[tilespmem:v26+s21+$0x0] =	vst.idx.msk $0xffff, v25  }
0x138: {  	v42 =	vor.u32 v13, v18;
	s16 =	sor.u32 $0x380, s16;
	[tilespmem:v32+s21+$0x0] =	vst.idx.msk $0xffff, v31;
	v41 =	vld [tilespmem:s0+$0x8600]  }
.Ltmp4:
0x139: {  	v28 =	vor.u32 v8, v20;
	v27 =	vld [tilespmem:s16+$0x5800];
	[tilespmem:v34+s21+$0x0] =	vst.idx.msk $0xffff, v33;
	(pc) =	sbr.rel @p1 .LBB2_4-.Ltmp4, $4  }
0x13a: {  	v22 =	vor.u32 v16, v17;
	v17 =	vmovc v18;
	v18 =	vmov v19;
	v19 =	vmov v20;
	[tilespmem:v36+s21+$0x0] =	vst.idx.msk $0xffff, v35;
	v23 =	vld [tilespmem:s28+$0x8780];
	s28 =	smov.u32 s0;
	s0 =	smov.u32 s2;
	s2 =	smov.u32 s14  }
0x13b: {  	v20 =	vmov v21;
	v21 =	vmov v24;
	v30 =	vor.u32 v3, v24;
	s14 =	smov.u32 s10;
	s10 =	smov.u32 s15;
	v29 =	vld [tilespmem:s15+$0x5900];
	[tilespmem:v38+s21+$0x0] =	vst.idx.msk $0xffff, v37  }
0x13c: {  	s9 =	sadd.s32 $0x10, s9;
	s8 =	sadd.s32 $0x80, s8;
	v24 =	vmov s11;
	v26 =	vor.u32 v11, v18;
	[tilespmem:v40+s21+$0x0] =	vst.idx.msk $0xffff, v39;
	v25 =	vld [tilespmem:s0+$0x8500]  }
0x13d: {  	s11 =	sadd.s32 $0x2, s11;
	v24 =	vshll.u32 v24, $0x7;
	v32 =	vor.u32 v6, v20;
	s16 =	sand.u32 $0x3C00, s8;
	s15 =	sand.u32 $0x70, s9;
	v31 =	vld [tilespmem:s14+$0x5A80];
	[tilespmem:v42+s21+$0x0] =	vst.idx.msk $0xffff, v41  }
0x13e: {  	s11 =	sor.u32 s15, s16;
	v24 =	vor.u32 v1, v24  }
0x13f: {  	v33 =	vld [tilespmem:s11+$0x5800];
	v34 =	vor.u32 v0, v24;
	_ =	sdelay $0x4  }
0x140: {  	[tilespmem:v34+s21+$0x0] =	vst.idx.msk $0xffff, v33  }
0x141: {  	v36 =	vor.u32 v2, v24;
	v33 =	vld [tilespmem:s11+$0x5880];
	_ =	sdelay $0x4  }
0x142: {  	[tilespmem:v36+s21+$0x0] =	vst.idx.msk $0xffff, v33  }
0x143: {  	v37 =	vor.u32 v3, v24;
	v33 =	vld [tilespmem:s11+$0x5900];
	_ =	sdelay $0x3  }
0x144: {  	[tilespmem:v30+s21+$0x0] =	vst.idx.msk $0xffff, v29  }
0x145: {  	v38 =	vor.u32 v4, v21;
	v29 =	vld [tilespmem:s10+$0x5980];
	[tilespmem:v37+s21+$0x0] =	vst.idx.msk $0xffff, v33  }
0x146: {  	v39 =	vor.u32 v4, v24;
	v33 =	vld [tilespmem:s11+$0x5980];
	_ =	sdelay $0x3  }
0x147: {  	[tilespmem:v38+s21+$0x0] =	vst.idx.msk $0xffff, v29  }
0x148: {  	v40 =	vor.u32 v5, v21;
	v29 =	vld [tilespmem:s10+$0x5A00];
	[tilespmem:v39+s21+$0x0] =	vst.idx.msk $0xffff, v33  }
0x149: {  	v41 =	vor.u32 v5, v24;
	v33 =	vld [tilespmem:s11+$0x5A00];
	_ =	sdelay $0x3  }
0x14a: {  	[tilespmem:v40+s21+$0x0] =	vst.idx.msk $0xffff, v29  }
0x14b: {  	v42 =	vor.u32 v6, v21;
	v29 =	vld [tilespmem:s10+$0x5A80];
	[tilespmem:v41+s21+$0x0] =	vst.idx.msk $0xffff, v33  }
0x14c: {  	v43 =	vor.u32 v6, v24;
	v33 =	vld [tilespmem:s11+$0x5A80];
	_ =	sdelay $0x2  }
0x14d: {  	[tilespmem:v32+s21+$0x0] =	vst.idx.msk $0xffff, v31  }
0x14e: {  	v44 =	vor.u32 v7, v20;
	v31 =	vld [tilespmem:s14+$0x5B00];
	[tilespmem:v42+s21+$0x0] =	vst.idx.msk $0xffff, v29  }
0x14f: {  	s9 =	sadd.s32 $0x1, s13;
	v45 =	vor.u32 v7, v21;
	v29 =	vld [tilespmem:s10+$0x5B00];
	[tilespmem:v43+s21+$0x0] =	vst.idx.msk $0xffff, v33  }
0x150: {  	s13 =	sand.u32 $0x7, s9;
	s9 =	sadd.s32 $0x1, s9;
	v46 =	vor.u32 v7, v24;
	v33 =	vld [tilespmem:s11+$0x5B00]  }
0x151: {  	s13 =	sshll.u32 s13, $0x4;
	s30 =	sand.u32 $0x7, s9;
	s9 =	sadd.s32 $0x1, s9  }
0x152: {  	s13 =	sadd.s32 s13, s17;
	s15 =	sshll.u32 s30, $0x4;
	s9 =	sand.u32 $0x7, s9  }
0x153: {  	s13 =	sor.u32 $0x380, s13;
	s12 =	sadd.s32 s15, s12;
	s9 =	sshll.u32 s9, $0x4;
	[tilespmem:v44+s21+$0x0] =	vst.idx.msk $0xffff, v31  }
0x154: {  	v47 =	vor.u32 v8, v20;
	s12 =	sor.u32 $0x380, s12;
	s8 =	sadd.s32 s9, s8;
	v31 =	vld [tilespmem:s13+$0x5800];
	[tilespmem:v45+s21+$0x0] =	vst.idx.msk $0xffff, v29  }
0x155: {  	v48 =	vor.u32 v8, v21;
	s8 =	sor.u32 $0x380, s8;
	v29 =	vld [tilespmem:s12+$0x5800];
	[tilespmem:v46+s21+$0x0] =	vst.idx.msk $0xffff, v33  }
0x156: {  	v49 =	vor.u32 v8, v24;
	v33 =	vld [tilespmem:s8+$0x5800]  }
0x157: {  	[tilespmem:v28+s21+$0x0] =	vst.idx.msk $0xffff, v27  }
0x158: {  	v50 =	vor.u32 v9, v19;
	v27 =	vld [tilespmem:s2+$0x8400]  }
0x159: {  	[tilespmem:v47+s21+$0x0] =	vst.idx.msk $0xffff, v31  }
0x15a: {  	v51 =	vor.u32 v9, v20;
	v31 =	vld [tilespmem:s14+$0x8400];
	[tilespmem:v48+s21+$0x0] =	vst.idx.msk $0xffff, v29  }
0x15b: {  	v52 =	vor.u32 v9, v21;
	v29 =	vld [tilespmem:s10+$0x8400];
	[tilespmem:v49+s21+$0x0] =	vst.idx.msk $0xffff, v33  }
0x15c: {  	v53 =	vor.u32 v9, v24;
	v33 =	vld [tilespmem:s11+$0x8400]  }
0x15d: {  	[tilespmem:v50+s21+$0x0] =	vst.idx.msk $0xffff, v27  }
0x15e: {  	v54 =	vor.u32 v10, v19;
	v27 =	vld [tilespmem:s2+$0x8480]  }
0x15f: {  	[tilespmem:v51+s21+$0x0] =	vst.idx.msk $0xffff, v31  }
0x160: {  	v55 =	vor.u32 v10, v20;
	v31 =	vld [tilespmem:s14+$0x8480];
	[tilespmem:v52+s21+$0x0] =	vst.idx.msk $0xffff, v29  }
0x161: {  	v56 =	vor.u32 v10, v21;
	v29 =	vld [tilespmem:s10+$0x8480];
	[tilespmem:v53+s21+$0x0] =	vst.idx.msk $0xffff, v33  }
0x162: {  	v57 =	vor.u32 v10, v24;
	v33 =	vld [tilespmem:s11+$0x8480]  }
0x163: {  	[tilespmem:v54+s21+$0x0] =	vst.idx.msk $0xffff, v27  }
0x164: {  	v58 =	vor.u32 v11, v19;
	v27 =	vld [tilespmem:s2+$0x8500]  }
0x165: {  	[tilespmem:v55+s21+$0x0] =	vst.idx.msk $0xffff, v31  }
0x166: {  	v59 =	vor.u32 v11, v20;
	v31 =	vld [tilespmem:s14+$0x8500];
	[tilespmem:v56+s21+$0x0] =	vst.idx.msk $0xffff, v29  }
0x167: {  	v60 =	vor.u32 v11, v21;
	v29 =	vld [tilespmem:s10+$0x8500];
	[tilespmem:v57+s21+$0x0] =	vst.idx.msk $0xffff, v33  }
0x168: {  	v61 =	vor.u32 v11, v24;
	v33 =	vld [tilespmem:s11+$0x8500]  }
0x169: {  	[tilespmem:v58+s21+$0x0] =	vst.idx.msk $0xffff, v27  }
0x16a: {  	v63 =	vor.u32 v12, v19;
	[tilespmem:v26+s21+$0x0] =	vst.idx.msk $0xffff, v25;
	v27 =	vld [tilespmem:s2+$0x8580]  }
0x16b: {  	v62 =	vor.u32 v12, v18;
	v25 =	vld [tilespmem:s0+$0x8580];
	[tilespmem:v59+s21+$0x0] =	vst.idx.msk $0xffff, v31  }
0x16c: {  	v36 =	vor.u32 v12, v20;
	v31 =	vld [tilespmem:s14+$0x8580];
	[tilespmem:v60+s21+$0x0] =	vst.idx.msk $0xffff, v29  }
0x16d: {  	v37 =	vor.u32 v12, v21;
	v29 =	vld [tilespmem:s10+$0x8580];
	[tilespmem:v61+s21+$0x0] =	vst.idx.msk $0xffff, v33  }
0x16e: {  	v38 =	vor.u32 v12, v24;
	v33 =	vld [tilespmem:s11+$0x8580]  }
0x16f: {  	[tilespmem:v63+s21+$0x0] =	vst.idx.msk $0xffff, v27  }
0x170: {  	[tilespmem:v62+s21+$0x0] =	vst.idx.msk $0xffff, v25;
	v40 =	vor.u32 v13, v19;
	v27 =	vld [tilespmem:s2+$0x8600]  }
0x171: {  	v25 =	vld [tilespmem:s0+$0x8600];
	v39 =	vor.u32 v13, v18;
	[tilespmem:v36+s21+$0x0] =	vst.idx.msk $0xffff, v31  }
0x172: {  	v41 =	vor.u32 v13, v20;
	v31 =	vld [tilespmem:s14+$0x8600];
	[tilespmem:v37+s21+$0x0] =	vst.idx.msk $0xffff, v29  }
0x173: {  	v42 =	vor.u32 v13, v21;
	v29 =	vld [tilespmem:s10+$0x8600];
	[tilespmem:v38+s21+$0x0] =	vst.idx.msk $0xffff, v33  }
0x174: {  	[tilespmem:v22+s21+$0x0] =	vst.idx.msk $0xffff, v23;
	v44 =	vor.u32 v13, v24;
	v43 =	vld [tilespmem:s11+$0x8600]  }
0x175: {  	v45 =	vld [tilespmem:s28+$0x8680];
	[tilespmem:v40+s21+$0x0] =	vst.idx.msk $0xffff, v27;
	v46 =	vor.u32 v14, v17  }
0x176: {  	[tilespmem:v39+s21+$0x0] =	vst.idx.msk $0xffff, v25;
	v27 =	vld [tilespmem:s2+$0x8680];
	v48 =	vor.u32 v14, v19  }
0x177: {  	v47 =	vor.u32 v14, v18;
	v25 =	vld [tilespmem:s0+$0x8680];
	[tilespmem:v41+s21+$0x0] =	vst.idx.msk $0xffff, v31  }
0x178: {  	v31 =	vld [tilespmem:s14+$0x8680];
	v49 =	vor.u32 v14, v20;
	[tilespmem:v42+s21+$0x0] =	vst.idx.msk $0xffff, v29  }
0x179: {  	v50 =	vor.u32 v14, v21;
	v29 =	vld [tilespmem:s10+$0x8680];
	[tilespmem:v44+s21+$0x0] =	vst.idx.msk $0xffff, v43  }
0x17a: {  	v51 =	vor.u32 v14, v24;
	[tilespmem:v46+s21+$0x0] =	vst.idx.msk $0xffff, v45;
	v22 =	vld [tilespmem:s11+$0x8680]  }
0x17b: {  	[tilespmem:v48+s21+$0x0] =	vst.idx.msk $0xffff, v27;
	v52 =	vor.u32 v15, v17;
	v33 =	vld [tilespmem:s28+$0x8700]  }
0x17c: {  	v54 =	vor.u32 v15, v19;
	[tilespmem:v47+s21+$0x0] =	vst.idx.msk $0xffff, v25;
	v27 =	vld [tilespmem:s2+$0x8700]  }
0x17d: {  	v25 =	vld [tilespmem:s0+$0x8700];
	[tilespmem:v49+s21+$0x0] =	vst.idx.msk $0xffff, v31;
	v53 =	vor.u32 v15, v18  }
0x17e: {  	v55 =	vor.u32 v15, v20;
	v31 =	vld [tilespmem:s14+$0x8700];
	[tilespmem:v50+s21+$0x0] =	vst.idx.msk $0xffff, v29  }
0x17f: {  	v56 =	vor.u32 v15, v21;
	v29 =	vld [tilespmem:s10+$0x8700];
	[tilespmem:v51+s21+$0x0] =	vst.idx.msk $0xffff, v22  }
0x180: {  	v57 =	vor.u32 v15, v24;
	[tilespmem:v52+s21+$0x0] =	vst.idx.msk $0xffff, v33;
	v22 =	vld [tilespmem:s11+$0x8700]  }
0x181: {  	v17 =	vor.u32 v16, v17;
	[tilespmem:v54+s21+$0x0] =	vst.idx.msk $0xffff, v27;
	v33 =	vld [tilespmem:s28+$0x8780]  }
0x182: {  	v19 =	vor.u32 v16, v19;
	v58 =	vld [tilespmem:s2+$0x8780];
	[tilespmem:v53+s21+$0x0] =	vst.idx.msk $0xffff, v25  }
0x183: {  	v18 =	vor.u32 v16, v18;
	[tilespmem:v55+s21+$0x0] =	vst.idx.msk $0xffff, v31;
	v25 =	vld [tilespmem:s0+$0x8780]  }
0x184: {  	v60 =	vor.u32 v16, v20;
	v59 =	vld [tilespmem:s14+$0x8780];
	[tilespmem:v56+s21+$0x0] =	vst.idx.msk $0xffff, v29  }
0x185: {  	v62 =	vor.u32 v16, v21;
	v61 =	vld [tilespmem:s10+$0x8780];
	[tilespmem:v57+s21+$0x0] =	vst.idx.msk $0xffff, v22  }
0x186: {  	v63 =	vor.u32 v16, v24;
	[tilespmem:v17+s21+$0x0] =	vst.idx.msk $0xffff, v33;
	v17 =	vld [tilespmem:s11+$0x8780]  }
0x187: {  	[tilespmem:v19+s21+$0x0] =	vst.idx.msk $0xffff, v58  }
0x188: {  	[tilespmem:v18+s21+$0x0] =	vst.idx.msk $0xffff, v25  }
.Ltmp5:
0x189: {  	[tilespmem:v60+s21+$0x0] =	vst.idx.msk $0xffff, v59;
	(pc) =	sbr.rel .LBB2_6-.Ltmp5, $4  }
0x18a: {  	[tilespmem:v62+s21+$0x0] =	vst.idx.msk $0xffff, v61  }
0x18b: {  	[tilespmem:v63+s21+$0x0] =	vst.idx.msk $0xffff, v17  }
0x18c: {  	s28 =	simm.s32 $0x1;
	s31 =	rddreg [dreg:$0x8]  }
0x18d: {  	[hbm4b:s31+s4] =	stream.linear.scatter [tilespmem:s21], [sflag:$0x4], $0x5800, $0x38;
	[tilespmem:$0x16400] =	vst v63  }
.LBB2_12:
0x18e: {  	s28 =	sadd.s32 $0x1, s28  }
0x18f: {  	p1 =	sne.s32 s28, $0x1D  }
.Ltmp6:
0x190: {  	_ = 	snop;
	(pc) =	sbr.rel @!p1 .LBB2_13-.Ltmp6, $1  }
0x191: {  	_ =	sdelay $0x3  }
.LBB2_6:
0x192: {  	s30 =	sshll.u32 s28, $0x6  }
0x193: {  	s31 =	sor.u32 s5, s30  }
0x194: {  	s29 =	sor.u32 $0x20, s31  }
0x195: {  	p1 =	sgt.u32 s29, $0x735  }
0x196: {  	s0 =	smul.u32 @!p1 $0xE6C3, s29;
	_ =	sdelay $0x1  }
0x197: {  	s0 =	sshrl.u32 @!p1 s0, $0x16  }
0x198: {  	s2 =	smul.u32 @!p1 $0x47, s0;
	_ =	sdelay $0x1  }
0x199: {  	s2 =	ssub.s32 @!p1 s29, s2  }
0x19a: {  	s0 =	smul.u32 @!p1 $0x187000, s0;
	s2 =	sand.u32 @!p1 $0xFFFF, s2  }
0x19b: {  	s2 =	smul.u32 @!p1 $0x2C00, s2;
	_ =	sdelay $0x1  }
0x19c: {  	s0 =	sadd.s32 @!p1 s2, s0  }
0x19d: {  	s8 =	simm.s32 @!p1 $0xC3800;
	s0 =	sshrl.u32 @!p1 s0, $0x3  }
0x19e: {  	s9 =	simm.s32 @!p1 $0x5800;
	s2 =	simm.s32 @!p1 $0x2C00;
	s0 =	sadd.s32 @!p1 s1, s0  }
0x19f: {  	[tilespmem:s9], [sflag:$0x2] =	stream.strided.gather @!p1 [hbm4b:s0+s2], $0x5800, s8, s2, $0x38;
	[tilespmem:$0x16400] =	vst v63  }
0x1a0: {  	_ =	swait.ge [sflag:s18], $0x5800  }
0x1a1: {  	[sflag:s18] =	ssyncset.done $0x0  }
0x1a2: {  	s10 =	simm.s32 $0x0;
	[sflag:s18] =	ssyncadd.s32 $0xFFFFA800  }
0x1a3: {  	v17 =	vmov s10;
	_ =	swait.ge [sflag:s22], $0x5800  }
0x1a4: {  	s11 =	sand.u32 $0x70, s10;
	s12 =	sand.u32 $0x3C00, s10;
	v17 =	vshll.u32 v17, $0x7;
	[sflag:s22] =	ssyncset.done $0x0  }
0x1a5: {  	s12 =	sor.u32 s11, s12;
	v22 =	vor.u32 v1, v17;
	[sflag:s22] =	ssyncadd.s32 $0xFFFFA800  }
0x1a6: {  	v18 =	vor.u32 v0, v22;
	v17 =	vld [tilespmem:s12+$0x0];
	_ =	sdelay $0x4  }
0x1a7: {  	[tilespmem:v18+s19+$0x0] =	vst.idx.msk $0xffff, v17  }
0x1a8: {  	v18 =	vor.u32 v2, v22;
	v17 =	vld [tilespmem:s12+$0x80];
	_ =	sdelay $0x4  }
0x1a9: {  	[tilespmem:v18+s19+$0x0] =	vst.idx.msk $0xffff, v17  }
0x1aa: {  	s13 =	simm.s32 $0x2;
	v19 =	vor.u32 v3, v22;
	v18 =	vld [tilespmem:s12+$0x100]  }
0x1ab: {  	s14 =	simm.s32 $0x80;
	s15 =	simm.s32 $0x10;
	v17 =	vmov s13  }
0x1ac: {  	s2 =	sand.u32 $0x70, s15;
	s0 =	sand.u32 $0x3C00, s14;
	v17 =	vshll.u32 v17, $0x7  }
0x1ad: {  	s2 =	sor.u32 s2, s0;
	v17 =	vor.u32 v1, v17  }
0x1ae: {  	v20 =	vld [tilespmem:s2+$0x0];
	v21 =	vor.u32 v0, v17  }
0x1af: {  	[tilespmem:v19+s19+$0x0] =	vst.idx.msk $0xffff, v18  }
0x1b0: {  	v19 =	vor.u32 v4, v22;
	v18 =	vld [tilespmem:s12+$0x180];
	_ =	sdelay $0x2  }
0x1b1: {  	[tilespmem:v21+s19+$0x0] =	vst.idx.msk $0xffff, v20  }
0x1b2: {  	v21 =	vor.u32 v2, v17;
	v20 =	vld [tilespmem:s2+$0x80]  }
0x1b3: {  	[tilespmem:v19+s19+$0x0] =	vst.idx.msk $0xffff, v18  }
0x1b4: {  	v19 =	vor.u32 v5, v22;
	v18 =	vld [tilespmem:s12+$0x200];
	_ =	sdelay $0x2  }
0x1b5: {  	[tilespmem:v21+s19+$0x0] =	vst.idx.msk $0xffff, v20  }
0x1b6: {  	s16 =	simm.s32 $0x4;
	v21 =	vor.u32 v3, v17;
	v20 =	vld [tilespmem:s2+$0x100]  }
0x1b7: {  	s17 =	simm.s32 $0x100;
	s26 =	simm.s32 $0x20;
	v23 =	vmov s16;
	[tilespmem:v19+s19+$0x0] =	vst.idx.msk $0xffff, v18  }
0x1b8: {  	s9 =	sand.u32 $0x70, s26;
	s0 =	sand.u32 $0x3C00, s17;
	v18 =	vshll.u32 v23, $0x7;
	v23 =	vor.u32 v6, v22;
	v19 =	vld [tilespmem:s12+$0x280]  }
0x1b9: {  	s0 =	sor.u32 s9, s0;
	v18 =	vor.u32 v1, v18  }
0x1ba: {  	v24 =	vld [tilespmem:s0+$0x0];
	v25 =	vor.u32 v0, v18  }
0x1bb: {  	[tilespmem:v21+s19+$0x0] =	vst.idx.msk $0xffff, v20  }
0x1bc: {  	v21 =	vor.u32 v4, v17;
	v20 =	vld [tilespmem:s2+$0x180]  }
0x1bd: {  	[tilespmem:v23+s19+$0x0] =	vst.idx.msk $0xffff, v19  }
0x1be: {  	v23 =	vor.u32 v7, v22;
	v19 =	vld [tilespmem:s12+$0x300]  }
0x1bf: {  	[tilespmem:v25+s19+$0x0] =	vst.idx.msk $0xffff, v24  }
0x1c0: {  	s8 =	sand.u32 $0x7, s10;
	v25 =	vor.u32 v2, v18;
	v24 =	vld [tilespmem:s0+$0x80]  }
0x1c1: {  	s8 =	sshll.u32 s8, $0x4;
	[tilespmem:v21+s19+$0x0] =	vst.idx.msk $0xffff, v20  }
0x1c2: {  	s8 =	sadd.s32 $0x0, s8;
	v21 =	vor.u32 v5, v17;
	v20 =	vld [tilespmem:s2+$0x200]  }
0x1c3: {  	s8 =	sor.u32 $0x380, s8;
	[tilespmem:v23+s19+$0x0] =	vst.idx.msk $0xffff, v19  }
0x1c4: {  	v26 =	vor.u32 v8, v22;
	v23 =	vld [tilespmem:s8+$0x0]  }
0x1c5: {  	s9 =	simm.s32 $0x6;
	[tilespmem:v25+s19+$0x0] =	vst.idx.msk $0xffff, v24  }
0x1c6: {  	s11 =	simm.s32 $0x30;
	s10 =	simm.s32 $0x180;
	v19 =	vmov s9;
	v25 =	vor.u32 v3, v18;
	v24 =	vld [tilespmem:s0+$0x100]  }
0x1c7: {  	s9 =	sand.u32 $0x70, s11;
	v19 =	vshll.u32 v19, $0x7;
	s8 =	sand.u32 $0x3C00, s10;
	[tilespmem:v21+s19+$0x0] =	vst.idx.msk $0xffff, v20  }
0x1c8: {  	v21 =	vor.u32 v6, v17;
	s17 =	sor.u32 s9, s8;
	v19 =	vor.u32 v1, v19;
	v20 =	vld [tilespmem:s2+$0x280]  }
0x1c9: {  	[tilespmem:v26+s19+$0x0] =	vst.idx.msk $0xffff, v23;
	v23 =	vld [tilespmem:s17+$0x0];
	v26 =	vor.u32 v0, v19  }
0x1ca: {  	v28 =	vor.u32 v9, v22;
	v27 =	vld [tilespmem:s12+$0x2C00]  }
0x1cb: {  	[tilespmem:v25+s19+$0x0] =	vst.idx.msk $0xffff, v24  }
0x1cc: {  	v25 =	vor.u32 v4, v18;
	v24 =	vld [tilespmem:s0+$0x180]  }
0x1cd: {  	[tilespmem:v21+s19+$0x0] =	vst.idx.msk $0xffff, v20  }
0x1ce: {  	v21 =	vor.u32 v7, v17;
	v20 =	vld [tilespmem:s2+$0x300];
	[tilespmem:v26+s19+$0x0] =	vst.idx.msk $0xffff, v23  }
0x1cf: {  	s13 =	simm.s32 $0x1;
	v26 =	vor.u32 v2, v19;
	v23 =	vld [tilespmem:s17+$0x80];
	[tilespmem:v28+s19+$0x0] =	vst.idx.msk $0xffff, v27  }
0x1d0: {  	s8 =	sand.u32 $0x7, s13;
	v28 =	vor.u32 v10, v22;
	v27 =	vld [tilespmem:s12+$0x2C80]  }
0x1d1: {  	s8 =	sshll.u32 s8, $0x4;
	[tilespmem:v25+s19+$0x0] =	vst.idx.msk $0xffff, v24  }
0x1d2: {  	s8 =	sadd.s32 $0x80, s8;
	v25 =	vor.u32 v5, v18;
	v24 =	vld [tilespmem:s0+$0x200]  }
0x1d3: {  	s8 =	sor.u32 $0x380, s8;
	[tilespmem:v21+s19+$0x0] =	vst.idx.msk $0xffff, v20  }
0x1d4: {  	v29 =	vor.u32 v8, v17;
	v21 =	vld [tilespmem:s8+$0x0];
	[tilespmem:v26+s19+$0x0] =	vst.idx.msk $0xffff, v23  }
0x1d5: {  	s14 =	simm.s32 $0x8;
	v26 =	vor.u32 v3, v19;
	v23 =	vld [tilespmem:s17+$0x100];
	[tilespmem:v28+s19+$0x0] =	vst.idx.msk $0xffff, v27  }
0x1d6: {  	s15 =	simm.s32 $0x40;
	s11 =	simm.s32 $0x200;
	v20 =	vmov s14;
	v28 =	vor.u32 v11, v22;
	v27 =	vld [tilespmem:s12+$0x2D00]  }
0x1d7: {  	s16 =	sand.u32 $0x3C00, s11;
	v20 =	vshll.u32 v20, $0x7;
	s8 =	sand.u32 $0x70, s15;
	[tilespmem:v25+s19+$0x0] =	vst.idx.msk $0xffff, v24  }
0x1d8: {  	s14 =	sor.u32 s8, s16;
	v20 =	vor.u32 v1, v20;
	v25 =	vor.u32 v6, v18;
	v24 =	vld [tilespmem:s0+$0x280]  }
0x1d9: {  	[tilespmem:v29+s19+$0x0] =	vst.idx.msk $0xffff, v21;
	v21 =	vld [tilespmem:s14+$0x0];
	v29 =	vor.u32 v0, v20  }
0x1da: {  	[tilespmem:v26+s19+$0x0] =	vst.idx.msk $0xffff, v23;
	v23 =	vld [tilespmem:s2+$0x2C00];
	v26 =	vor.u32 v9, v17  }
0x1db: {  	v31 =	vor.u32 v4, v19;
	v30 =	vld [tilespmem:s17+$0x180];
	[tilespmem:v28+s19+$0x0] =	vst.idx.msk $0xffff, v27  }
0x1dc: {  	v28 =	vor.u32 v12, v22;
	v27 =	vld [tilespmem:s12+$0x2D80]  }
0x1dd: {  	[tilespmem:v25+s19+$0x0] =	vst.idx.msk $0xffff, v24  }
0x1de: {  	v25 =	vor.u32 v7, v18;
	[tilespmem:v29+s19+$0x0] =	vst.idx.msk $0xffff, v21;
	v24 =	vld [tilespmem:s0+$0x300]  }
0x1df: {  	s26 =	simm.s32 $0x2;
	v29 =	vor.u32 v2, v20;
	v21 =	vld [tilespmem:s14+$0x80];
	[tilespmem:v26+s19+$0x0] =	vst.idx.msk $0xffff, v23  }
0x1e0: {  	s8 =	sand.u32 $0x7, s26;
	v26 =	vor.u32 v10, v17;
	[tilespmem:v31+s19+$0x0] =	vst.idx.msk $0xffff, v30;
	v23 =	vld [tilespmem:s2+$0x2C80]  }
0x1e1: {  	s8 =	sshll.u32 s8, $0x4;
	v31 =	vor.u32 v5, v19;
	v30 =	vld [tilespmem:s17+$0x200];
	[tilespmem:v28+s19+$0x0] =	vst.idx.msk $0xffff, v27  }
0x1e2: {  	s8 =	sadd.s32 $0x100, s8;
	v28 =	vor.u32 v13, v22;
	v27 =	vld [tilespmem:s12+$0x2E00]  }
0x1e3: {  	s8 =	sor.u32 $0x380, s8;
	[tilespmem:v25+s19+$0x0] =	vst.idx.msk $0xffff, v24  }
0x1e4: {  	v25 =	vor.u32 v8, v18;
	[tilespmem:v29+s19+$0x0] =	vst.idx.msk $0xffff, v21;
	v24 =	vld [tilespmem:s8+$0x0]  }
0x1e5: {  	s9 =	simm.s32 $0xA;
	v32 =	vor.u32 v3, v20;
	v29 =	vld [tilespmem:s14+$0x100];
	[tilespmem:v26+s19+$0x0] =	vst.idx.msk $0xffff, v23  }
0x1e6: {  	s10 =	simm.s32 $0x50;
	s13 =	simm.s32 $0x280;
	v21 =	vmov s9;
	v26 =	vor.u32 v11, v17;
	[tilespmem:v31+s19+$0x0] =	vst.idx.msk $0xffff, v30;
	v23 =	vld [tilespmem:s2+$0x2D00]  }
0x1e7: {  	s15 =	sand.u32 $0x3C00, s13;
	v21 =	vshll.u32 v21, $0x7;
	s8 =	sand.u32 $0x70, s10;
	v31 =	vor.u32 v6, v19;
	v30 =	vld [tilespmem:s17+$0x280];
	[tilespmem:v28+s19+$0x0] =	vst.idx.msk $0xffff, v27  }
0x1e8: {  	s10 =	sor.u32 s8, s15;
	v21 =	vor.u32 v1, v21;
	v28 =	vor.u32 v14, v22;
	v27 =	vld [tilespmem:s12+$0x2E80]  }
0x1e9: {  	[tilespmem:v25+s19+$0x0] =	vst.idx.msk $0xffff, v24;
	v24 =	vld [tilespmem:s10+$0x0];
	v25 =	vor.u32 v0, v21  }
0x1ea: {  	v62 =	vor.u32 v9, v18;
	[tilespmem:v32+s19+$0x0] =	vst.idx.msk $0xffff, v29;
	v29 =	vld [tilespmem:s0+$0x2C00]  }
0x1eb: {  	v34 =	vor.u32 v4, v20;
	v33 =	vld [tilespmem:s14+$0x180];
	[tilespmem:v26+s19+$0x0] =	vst.idx.msk $0xffff, v23  }
0x1ec: {  	v26 =	vor.u32 v12, v17;
	[tilespmem:v31+s19+$0x0] =	vst.idx.msk $0xffff, v30;
	v23 =	vld [tilespmem:s2+$0x2D80]  }
0x1ed: {  	v31 =	vor.u32 v7, v19;
	v30 =	vld [tilespmem:s17+$0x300];
	[tilespmem:v28+s19+$0x0] =	vst.idx.msk $0xffff, v27  }
0x1ee: {  	[tilespmem:v25+s19+$0x0] =	vst.idx.msk $0xffff, v24;
	v25 =	vor.u32 v15, v22;
	v24 =	vld [tilespmem:s12+$0x2F00]  }
0x1ef: {  	s8 =	simm.s32 $0x3;
	v35 =	vor.u32 v2, v21;
	v28 =	vld [tilespmem:s10+$0x80];
	[tilespmem:v62+s19+$0x0] =	vst.idx.msk $0xffff, v29  }
0x1f0: {  	s16 =	sand.u32 $0x7, s8;
	[tilespmem:v34+s19+$0x0] =	vst.idx.msk $0xffff, v33  }
0x1f1: {  	v63 =	vor.u32 v10, v18;
	s9 =	sshll.u32 s16, $0x4;
	v32 =	vld [tilespmem:s0+$0x2C80];
	[tilespmem:v26+s19+$0x0] =	vst.idx.msk $0xffff, v23  }
0x1f2: {  	v36 =	vor.u32 v5, v20;
	s9 =	sadd.s32 $0x180, s9;
	v34 =	vld [tilespmem:s14+$0x200];
	[tilespmem:v31+s19+$0x0] =	vst.idx.msk $0xffff, v30  }
0x1f3: {  	v38 =	vor.u32 v13, v17;
	s9 =	sor.u32 $0x380, s9;
	v37 =	vld [tilespmem:s2+$0x2E00];
	[tilespmem:v25+s19+$0x0] =	vst.idx.msk $0xffff, v24  }
0x1f4: {  	v27 =	vld [tilespmem:s9+$0x0];
	[tilespmem:v35+s19+$0x0] =	vst.idx.msk $0xffff, v28;
	v28 =	vor.u32 v8, v19  }
0x1f5: {  	v22 =	vor.u32 v16, v22;
	v23 =	vld [tilespmem:s12+$0x2F80]  }
0x1f6: {  	s26 =	simm.s32 $0xC;
	v30 =	vor.u32 v3, v21;
	v29 =	vld [tilespmem:s10+$0x100];
	[tilespmem:v63+s19+$0x0] =	vst.idx.msk $0xffff, v32  }
0x1f7: {  	v26 =	vor.u32 v11, v18;
	v24 =	vmov s26;
	s9 =	simm.s32 $0x300;
	s12 =	simm.s32 $0x60;
	[tilespmem:v36+s19+$0x0] =	vst.idx.msk $0xffff, v34;
	v25 =	vld [tilespmem:s0+$0x2D00]  }
0x1f8: {  	s15 =	simm.s32 $0xE;
	v24 =	vshll.u32 v24, $0x7;
	s26 =	sand.u32 $0x3C00, s9;
	v32 =	vor.u32 v6, v20;
	s16 =	sand.u32 $0x70, s12;
	v31 =	vld [tilespmem:s14+$0x280];
	[tilespmem:v38+s19+$0x0] =	vst.idx.msk $0xffff, v37  }
.LBB2_7:
0x1f9: {  	p2 =	sne.s32 s15, $0xAE;
	s16 =	sor.u32 s16, s26;
	v24 =	vor.u32 v1, v24;
	[tilespmem:v28+s19+$0x0] =	vst.idx.msk $0xffff, v27;
	v27 =	vld [tilespmem:s2+$0x2E80];
	v28 =	vor.u32 v14, v17  }
0x1fa: {  	v33 =	vld [tilespmem:s16+$0x0];
	v34 =	vor.u32 v0, v24;
	[tilespmem:v22+s19+$0x0] =	vst.idx.msk $0xffff, v23  }
0x1fb: {  	v23 =	vor.u32 v9, v19;
	[tilespmem:v30+s19+$0x0] =	vst.idx.msk $0xffff, v29;
	v22 =	vld [tilespmem:s17+$0x2C00]  }
0x1fc: {  	v30 =	vor.u32 v4, v21;
	v29 =	vld [tilespmem:s10+$0x180];
	[tilespmem:v26+s19+$0x0] =	vst.idx.msk $0xffff, v25  }
0x1fd: {  	v26 =	vor.u32 v12, v18;
	[tilespmem:v32+s19+$0x0] =	vst.idx.msk $0xffff, v31;
	v25 =	vld [tilespmem:s0+$0x2D80]  }
0x1fe: {  	v32 =	vor.u32 v7, v20;
	v31 =	vld [tilespmem:s14+$0x300];
	[tilespmem:v28+s19+$0x0] =	vst.idx.msk $0xffff, v27  }
0x1ff: {  	s8 =	sadd.s32 $0x1, s8;
	[tilespmem:v34+s19+$0x0] =	vst.idx.msk $0xffff, v33;
	v33 =	vld [tilespmem:s2+$0x2F00];
	v34 =	vor.u32 v15, v17  }
0x200: {  	v36 =	vor.u32 v2, v24;
	s26 =	sand.u32 $0x7, s8;
	v35 =	vld [tilespmem:s16+$0x80];
	[tilespmem:v23+s19+$0x0] =	vst.idx.msk $0xffff, v22  }
0x201: {  	v38 =	vor.u32 v10, v19;
	s26 =	sshll.u32 s26, $0x4;
	[tilespmem:v30+s19+$0x0] =	vst.idx.msk $0xffff, v29;
	v37 =	vld [tilespmem:s17+$0x2C80]  }
0x202: {  	v40 =	vor.u32 v5, v21;
	s26 =	sadd.s32 s26, s11;
	s11 =	smov.u32 s13;
	s13 =	smov.u32 s9;
	v39 =	vld [tilespmem:s10+$0x200];
	[tilespmem:v26+s19+$0x0] =	vst.idx.msk $0xffff, v25  }
0x203: {  	v42 =	vor.u32 v13, v18;
	s26 =	sor.u32 $0x380, s26;
	[tilespmem:v32+s19+$0x0] =	vst.idx.msk $0xffff, v31;
	v41 =	vld [tilespmem:s0+$0x2E00]  }
.Ltmp7:
0x204: {  	v28 =	vor.u32 v8, v20;
	v27 =	vld [tilespmem:s26+$0x0];
	[tilespmem:v34+s19+$0x0] =	vst.idx.msk $0xffff, v33;
	(pc) =	sbr.rel @p2 .LBB2_7-.Ltmp7, $4  }
0x205: {  	v22 =	vor.u32 v16, v17;
	v17 =	vmovc v18;
	v18 =	vmov v19;
	v19 =	vmov v20;
	[tilespmem:v36+s19+$0x0] =	vst.idx.msk $0xffff, v35;
	v23 =	vld [tilespmem:s2+$0x2F80];
	s2 =	smov.u32 s0;
	s0 =	smov.u32 s17;
	s17 =	smov.u32 s14  }
0x206: {  	v20 =	vmov v21;
	v21 =	vmov v24;
	v30 =	vor.u32 v3, v24;
	s14 =	smov.u32 s10;
	s10 =	smov.u32 s16;
	v29 =	vld [tilespmem:s16+$0x100];
	[tilespmem:v38+s19+$0x0] =	vst.idx.msk $0xffff, v37  }
0x207: {  	s12 =	sadd.s32 $0x10, s12;
	s9 =	sadd.s32 $0x80, s9;
	v24 =	vmov s15;
	v26 =	vor.u32 v11, v18;
	[tilespmem:v40+s19+$0x0] =	vst.idx.msk $0xffff, v39;
	v25 =	vld [tilespmem:s0+$0x2D00]  }
0x208: {  	s15 =	sadd.s32 $0x2, s15;
	v24 =	vshll.u32 v24, $0x7;
	v32 =	vor.u32 v6, v20;
	s26 =	sand.u32 $0x3C00, s9;
	s16 =	sand.u32 $0x70, s12;
	v31 =	vld [tilespmem:s14+$0x280];
	[tilespmem:v42+s19+$0x0] =	vst.idx.msk $0xffff, v41  }
0x209: {  	s12 =	sor.u32 s16, s26;
	v24 =	vor.u32 v1, v24  }
0x20a: {  	v33 =	vld [tilespmem:s12+$0x0];
	v34 =	vor.u32 v0, v24;
	_ =	sdelay $0x4  }
0x20b: {  	[tilespmem:v34+s19+$0x0] =	vst.idx.msk $0xffff, v33  }
0x20c: {  	v36 =	vor.u32 v2, v24;
	v33 =	vld [tilespmem:s12+$0x80];
	_ =	sdelay $0x4  }
0x20d: {  	[tilespmem:v36+s19+$0x0] =	vst.idx.msk $0xffff, v33  }
0x20e: {  	v37 =	vor.u32 v3, v24;
	v33 =	vld [tilespmem:s12+$0x100];
	_ =	sdelay $0x3  }
0x20f: {  	[tilespmem:v30+s19+$0x0] =	vst.idx.msk $0xffff, v29  }
0x210: {  	v38 =	vor.u32 v4, v21;
	v29 =	vld [tilespmem:s10+$0x180];
	[tilespmem:v37+s19+$0x0] =	vst.idx.msk $0xffff, v33  }
0x211: {  	v39 =	vor.u32 v4, v24;
	v33 =	vld [tilespmem:s12+$0x180];
	_ =	sdelay $0x3  }
0x212: {  	[tilespmem:v38+s19+$0x0] =	vst.idx.msk $0xffff, v29  }
0x213: {  	v40 =	vor.u32 v5, v21;
	v29 =	vld [tilespmem:s10+$0x200];
	[tilespmem:v39+s19+$0x0] =	vst.idx.msk $0xffff, v33  }
0x214: {  	v41 =	vor.u32 v5, v24;
	v33 =	vld [tilespmem:s12+$0x200];
	_ =	sdelay $0x3  }
0x215: {  	[tilespmem:v40+s19+$0x0] =	vst.idx.msk $0xffff, v29  }
0x216: {  	v42 =	vor.u32 v6, v21;
	v29 =	vld [tilespmem:s10+$0x280];
	[tilespmem:v41+s19+$0x0] =	vst.idx.msk $0xffff, v33  }
0x217: {  	v43 =	vor.u32 v6, v24;
	v33 =	vld [tilespmem:s12+$0x280];
	_ =	sdelay $0x2  }
0x218: {  	[tilespmem:v32+s19+$0x0] =	vst.idx.msk $0xffff, v31  }
0x219: {  	v44 =	vor.u32 v7, v20;
	v31 =	vld [tilespmem:s14+$0x300];
	[tilespmem:v42+s19+$0x0] =	vst.idx.msk $0xffff, v29  }
0x21a: {  	s8 =	sadd.s32 $0x1, s8;
	v45 =	vor.u32 v7, v21;
	v29 =	vld [tilespmem:s10+$0x300];
	[tilespmem:v43+s19+$0x0] =	vst.idx.msk $0xffff, v33  }
0x21b: {  	s15 =	sand.u32 $0x7, s8;
	s8 =	sadd.s32 $0x1, s8;
	v46 =	vor.u32 v7, v24;
	v33 =	vld [tilespmem:s12+$0x300]  }
0x21c: {  	s15 =	sshll.u32 s15, $0x4;
	s26 =	sand.u32 $0x7, s8;
	s8 =	sadd.s32 $0x1, s8  }
0x21d: {  	s11 =	sadd.s32 s15, s11;
	s26 =	sshll.u32 s26, $0x4;
	s8 =	sand.u32 $0x7, s8  }
0x21e: {  	s11 =	sor.u32 $0x380, s11;
	s13 =	sadd.s32 s26, s13;
	s8 =	sshll.u32 s8, $0x4;
	[tilespmem:v44+s19+$0x0] =	vst.idx.msk $0xffff, v31  }
0x21f: {  	v47 =	vor.u32 v8, v20;
	s15 =	sor.u32 $0x380, s13;
	s8 =	sadd.s32 s8, s9;
	v31 =	vld [tilespmem:s11+$0x0];
	[tilespmem:v45+s19+$0x0] =	vst.idx.msk $0xffff, v29  }
0x220: {  	v48 =	vor.u32 v8, v21;
	s8 =	sor.u32 $0x380, s8;
	v29 =	vld [tilespmem:s15+$0x0];
	[tilespmem:v46+s19+$0x0] =	vst.idx.msk $0xffff, v33  }
0x221: {  	v49 =	vor.u32 v8, v24;
	v33 =	vld [tilespmem:s8+$0x0]  }
0x222: {  	[tilespmem:v28+s19+$0x0] =	vst.idx.msk $0xffff, v27  }
0x223: {  	v50 =	vor.u32 v9, v19;
	v27 =	vld [tilespmem:s17+$0x2C00]  }
0x224: {  	[tilespmem:v47+s19+$0x0] =	vst.idx.msk $0xffff, v31  }
0x225: {  	v51 =	vor.u32 v9, v20;
	v31 =	vld [tilespmem:s14+$0x2C00];
	[tilespmem:v48+s19+$0x0] =	vst.idx.msk $0xffff, v29  }
0x226: {  	v52 =	vor.u32 v9, v21;
	v29 =	vld [tilespmem:s10+$0x2C00];
	[tilespmem:v49+s19+$0x0] =	vst.idx.msk $0xffff, v33  }
0x227: {  	v53 =	vor.u32 v9, v24;
	v33 =	vld [tilespmem:s12+$0x2C00]  }
0x228: {  	[tilespmem:v50+s19+$0x0] =	vst.idx.msk $0xffff, v27  }
0x229: {  	v54 =	vor.u32 v10, v19;
	v27 =	vld [tilespmem:s17+$0x2C80]  }
0x22a: {  	[tilespmem:v51+s19+$0x0] =	vst.idx.msk $0xffff, v31  }
0x22b: {  	v55 =	vor.u32 v10, v20;
	v31 =	vld [tilespmem:s14+$0x2C80];
	[tilespmem:v52+s19+$0x0] =	vst.idx.msk $0xffff, v29  }
0x22c: {  	v56 =	vor.u32 v10, v21;
	v29 =	vld [tilespmem:s10+$0x2C80];
	[tilespmem:v53+s19+$0x0] =	vst.idx.msk $0xffff, v33  }
0x22d: {  	v57 =	vor.u32 v10, v24;
	v33 =	vld [tilespmem:s12+$0x2C80]  }
0x22e: {  	[tilespmem:v54+s19+$0x0] =	vst.idx.msk $0xffff, v27  }
0x22f: {  	v58 =	vor.u32 v11, v19;
	v27 =	vld [tilespmem:s17+$0x2D00]  }
0x230: {  	[tilespmem:v55+s19+$0x0] =	vst.idx.msk $0xffff, v31  }
0x231: {  	v59 =	vor.u32 v11, v20;
	v31 =	vld [tilespmem:s14+$0x2D00];
	[tilespmem:v56+s19+$0x0] =	vst.idx.msk $0xffff, v29  }
0x232: {  	v60 =	vor.u32 v11, v21;
	v29 =	vld [tilespmem:s10+$0x2D00];
	[tilespmem:v57+s19+$0x0] =	vst.idx.msk $0xffff, v33  }
0x233: {  	v61 =	vor.u32 v11, v24;
	v33 =	vld [tilespmem:s12+$0x2D00]  }
0x234: {  	[tilespmem:v58+s19+$0x0] =	vst.idx.msk $0xffff, v27  }
0x235: {  	v63 =	vor.u32 v12, v19;
	[tilespmem:v26+s19+$0x0] =	vst.idx.msk $0xffff, v25;
	v27 =	vld [tilespmem:s17+$0x2D80]  }
0x236: {  	v62 =	vor.u32 v12, v18;
	v25 =	vld [tilespmem:s0+$0x2D80];
	[tilespmem:v59+s19+$0x0] =	vst.idx.msk $0xffff, v31  }
0x237: {  	v36 =	vor.u32 v12, v20;
	v31 =	vld [tilespmem:s14+$0x2D80];
	[tilespmem:v60+s19+$0x0] =	vst.idx.msk $0xffff, v29  }
0x238: {  	v37 =	vor.u32 v12, v21;
	v29 =	vld [tilespmem:s10+$0x2D80];
	[tilespmem:v61+s19+$0x0] =	vst.idx.msk $0xffff, v33  }
0x239: {  	v38 =	vor.u32 v12, v24;
	v33 =	vld [tilespmem:s12+$0x2D80]  }
0x23a: {  	[tilespmem:v63+s19+$0x0] =	vst.idx.msk $0xffff, v27  }
0x23b: {  	[tilespmem:v62+s19+$0x0] =	vst.idx.msk $0xffff, v25;
	v40 =	vor.u32 v13, v19;
	v27 =	vld [tilespmem:s17+$0x2E00]  }
0x23c: {  	v25 =	vld [tilespmem:s0+$0x2E00];
	v39 =	vor.u32 v13, v18;
	[tilespmem:v36+s19+$0x0] =	vst.idx.msk $0xffff, v31  }
0x23d: {  	v41 =	vor.u32 v13, v20;
	v31 =	vld [tilespmem:s14+$0x2E00];
	[tilespmem:v37+s19+$0x0] =	vst.idx.msk $0xffff, v29  }
0x23e: {  	v42 =	vor.u32 v13, v21;
	v29 =	vld [tilespmem:s10+$0x2E00];
	[tilespmem:v38+s19+$0x0] =	vst.idx.msk $0xffff, v33  }
0x23f: {  	[tilespmem:v22+s19+$0x0] =	vst.idx.msk $0xffff, v23;
	v44 =	vor.u32 v13, v24;
	v43 =	vld [tilespmem:s12+$0x2E00]  }
0x240: {  	v45 =	vld [tilespmem:s2+$0x2E80];
	[tilespmem:v40+s19+$0x0] =	vst.idx.msk $0xffff, v27;
	v46 =	vor.u32 v14, v17  }
0x241: {  	[tilespmem:v39+s19+$0x0] =	vst.idx.msk $0xffff, v25;
	v27 =	vld [tilespmem:s17+$0x2E80];
	v48 =	vor.u32 v14, v19  }
0x242: {  	v47 =	vor.u32 v14, v18;
	v25 =	vld [tilespmem:s0+$0x2E80];
	[tilespmem:v41+s19+$0x0] =	vst.idx.msk $0xffff, v31  }
0x243: {  	v31 =	vld [tilespmem:s14+$0x2E80];
	v49 =	vor.u32 v14, v20;
	[tilespmem:v42+s19+$0x0] =	vst.idx.msk $0xffff, v29  }
0x244: {  	v50 =	vor.u32 v14, v21;
	v29 =	vld [tilespmem:s10+$0x2E80];
	[tilespmem:v44+s19+$0x0] =	vst.idx.msk $0xffff, v43  }
0x245: {  	v51 =	vor.u32 v14, v24;
	[tilespmem:v46+s19+$0x0] =	vst.idx.msk $0xffff, v45;
	v22 =	vld [tilespmem:s12+$0x2E80]  }
0x246: {  	[tilespmem:v48+s19+$0x0] =	vst.idx.msk $0xffff, v27;
	v52 =	vor.u32 v15, v17;
	v33 =	vld [tilespmem:s2+$0x2F00]  }
0x247: {  	v54 =	vor.u32 v15, v19;
	[tilespmem:v47+s19+$0x0] =	vst.idx.msk $0xffff, v25;
	v27 =	vld [tilespmem:s17+$0x2F00]  }
0x248: {  	v25 =	vld [tilespmem:s0+$0x2F00];
	[tilespmem:v49+s19+$0x0] =	vst.idx.msk $0xffff, v31;
	v53 =	vor.u32 v15, v18  }
0x249: {  	v55 =	vor.u32 v15, v20;
	v31 =	vld [tilespmem:s14+$0x2F00];
	[tilespmem:v50+s19+$0x0] =	vst.idx.msk $0xffff, v29  }
0x24a: {  	v56 =	vor.u32 v15, v21;
	v29 =	vld [tilespmem:s10+$0x2F00];
	[tilespmem:v51+s19+$0x0] =	vst.idx.msk $0xffff, v22  }
0x24b: {  	v57 =	vor.u32 v15, v24;
	[tilespmem:v52+s19+$0x0] =	vst.idx.msk $0xffff, v33;
	v22 =	vld [tilespmem:s12+$0x2F00]  }
0x24c: {  	s16 =	smulhi.u32 $0xE6C2B449, s31;
	v17 =	vor.u32 v16, v17;
	[tilespmem:v54+s19+$0x0] =	vst.idx.msk $0xffff, v27;
	v33 =	vld [tilespmem:s2+$0x2F80]  }
0x24d: {  	v19 =	vor.u32 v16, v19;
	v58 =	vld [tilespmem:s17+$0x2F80];
	[tilespmem:v53+s19+$0x0] =	vst.idx.msk $0xffff, v25  }
0x24e: {  	s26 =	sshrl.u32 s16, $0x6;
	v18 =	vor.u32 v16, v18;
	[tilespmem:v55+s19+$0x0] =	vst.idx.msk $0xffff, v31;
	v25 =	vld [tilespmem:s0+$0x2F80]  }
0x24f: {  	v60 =	vor.u32 v16, v20;
	v59 =	vld [tilespmem:s14+$0x2F80];
	[tilespmem:v56+s19+$0x0] =	vst.idx.msk $0xffff, v29;
	s2 =	smul.u32 $0x47, s26  }
0x250: {  	v62 =	vor.u32 v16, v21;
	v61 =	vld [tilespmem:s10+$0x2F80];
	[tilespmem:v57+s19+$0x0] =	vst.idx.msk $0xffff, v22  }
0x251: {  	v63 =	vor.u32 v16, v24;
	s0 =	smul.u32 $0x186C00, s26;
	s2 =	ssub.s32 s31, s2;
	[tilespmem:v17+s19+$0x0] =	vst.idx.msk $0xffff, v33;
	v17 =	vld [tilespmem:s12+$0x2F80]  }
0x252: {  	[tilespmem:v19+s19+$0x0] =	vst.idx.msk $0xffff, v58;
	s2 =	smul.u32 $0x5800, s2  }
.Ltmp8:
0x253: {  	[tilespmem:v18+s19+$0x0] =	vst.idx.msk $0xffff, v25;
	(pc) =	sbr.rel @p1 .LBB2_12-.Ltmp8, $4  }
0x254: {  	[tilespmem:v60+s19+$0x0] =	vst.idx.msk $0xffff, v59;
	s0 =	sadd.s32 s2, s0  }
0x255: {  	[tilespmem:v62+s19+$0x0] =	vst.idx.msk $0xffff, v61;
	s0 =	sshrl.u32 s0, $0x3  }
0x256: {  	s0 =	sadd.s32 s7, s0;
	[tilespmem:v63+s19+$0x0] =	vst.idx.msk $0xffff, v17  }
0x257: {  	[hbm4b:s0+s4] =	stream.linear.scatter [tilespmem:s19], [sflag:$0x3], $0x5800, $0x38;
	[tilespmem:$0x16400] =	vst v63  }
0x258: {  	s0 =	sadd.s32 s6, s30  }
0x259: {  	p1 =	sgt.u32 s0, $0x735  }
0x25a: {  	s2 =	smul.u32 @!p1 $0xE6C3, s0;
	_ =	sdelay $0x1  }
0x25b: {  	s2 =	sshrl.u32 @!p1 s2, $0x16  }
0x25c: {  	s8 =	smul.u32 @!p1 $0x47, s2;
	_ =	sdelay $0x1  }
0x25d: {  	s0 =	ssub.s32 @!p1 s0, s8  }
0x25e: {  	s2 =	smul.u32 @!p1 $0x187000, s2;
	s0 =	sand.u32 @!p1 $0xFFFF, s0  }
0x25f: {  	s0 =	smul.u32 @!p1 $0x2C00, s0;
	_ =	sdelay $0x1  }
0x260: {  	s0 =	sadd.s32 @!p1 s0, s2  }
0x261: {  	s9 =	simm.s32 @!p1 $0x0;
	s0 =	sshrl.u32 @!p1 s0, $0x3  }
0x262: {  	s8 =	simm.s32 @!p1 $0xC3800;
	s2 =	simm.s32 @!p1 $0x2C00;
	s0 =	sadd.s32 @!p1 s1, s0  }
0x263: {  	[tilespmem:s9], [sflag:$0x1] =	stream.strided.gather @!p1 [hbm4b:s0+s2], $0x5800, s8, s2, $0x38;
	[tilespmem:$0x16400] =	vst v63  }
0x264: {  	_ =	swait.ge [sflag:s20], $0x5800  }
0x265: {  	[sflag:s20] =	ssyncset.done $0x0  }
0x266: {  	s17 =	simm.s32 $0x0;
	[sflag:s20] =	ssyncadd.s32 $0xFFFFA800  }
0x267: {  	v17 =	vmov s17;
	_ =	swait.ge [sflag:s23], $0x5800  }
0x268: {  	s26 =	sand.u32 $0x70, s17;
	s31 =	sand.u32 $0x3C00, s17;
	v17 =	vshll.u32 v17, $0x7;
	[sflag:s23] =	ssyncset.done $0x0  }
0x269: {  	s12 =	sor.u32 s26, s31;
	v22 =	vor.u32 v1, v17;
	[sflag:s23] =	ssyncadd.s32 $0xFFFFA800  }
0x26a: {  	v18 =	vor.u32 v0, v22;
	v17 =	vld [tilespmem:s12+$0x5800];
	_ =	sdelay $0x4  }
0x26b: {  	[tilespmem:v18+s21+$0x0] =	vst.idx.msk $0xffff, v17  }
0x26c: {  	v18 =	vor.u32 v2, v22;
	v17 =	vld [tilespmem:s12+$0x5880];
	_ =	sdelay $0x4  }
0x26d: {  	[tilespmem:v18+s21+$0x0] =	vst.idx.msk $0xffff, v17  }
0x26e: {  	v19 =	vor.u32 v3, v22;
	s8 =	simm.s32 $0x2;
	v18 =	vld [tilespmem:s12+$0x5900]  }
0x26f: {  	s10 =	simm.s32 $0x10;
	s9 =	simm.s32 $0x80;
	v17 =	vmov s8  }
0x270: {  	s0 =	sand.u32 $0x3C00, s9;
	s8 =	sand.u32 $0x70, s10;
	v17 =	vshll.u32 v17, $0x7  }
0x271: {  	s30 =	sor.u32 s8, s0;
	v17 =	vor.u32 v1, v17  }
0x272: {  	v20 =	vld [tilespmem:s30+$0x5800];
	v21 =	vor.u32 v0, v17  }
0x273: {  	[tilespmem:v19+s21+$0x0] =	vst.idx.msk $0xffff, v18  }
0x274: {  	v19 =	vor.u32 v4, v22;
	v18 =	vld [tilespmem:s12+$0x5980];
	_ =	sdelay $0x2  }
0x275: {  	[tilespmem:v21+s21+$0x0] =	vst.idx.msk $0xffff, v20  }
0x276: {  	v21 =	vor.u32 v2, v17;
	v20 =	vld [tilespmem:s30+$0x5880]  }
0x277: {  	[tilespmem:v19+s21+$0x0] =	vst.idx.msk $0xffff, v18  }
0x278: {  	v19 =	vor.u32 v5, v22;
	v18 =	vld [tilespmem:s12+$0x5A00];
	_ =	sdelay $0x2  }
0x279: {  	[tilespmem:v21+s21+$0x0] =	vst.idx.msk $0xffff, v20  }
0x27a: {  	s11 =	simm.s32 $0x4;
	v21 =	vor.u32 v3, v17;
	v20 =	vld [tilespmem:s30+$0x5900]  }
0x27b: {  	s13 =	simm.s32 $0x100;
	s14 =	simm.s32 $0x20;
	v23 =	vmov s11;
	[tilespmem:v19+s21+$0x0] =	vst.idx.msk $0xffff, v18  }
0x27c: {  	s8 =	sand.u32 $0x70, s14;
	s0 =	sand.u32 $0x3C00, s13;
	v18 =	vshll.u32 v23, $0x7;
	v23 =	vor.u32 v6, v22;
	v19 =	vld [tilespmem:s12+$0x5A80]  }
0x27d: {  	s0 =	sor.u32 s8, s0;
	v18 =	vor.u32 v1, v18  }
0x27e: {  	v24 =	vld [tilespmem:s0+$0x5800];
	v25 =	vor.u32 v0, v18  }
0x27f: {  	[tilespmem:v21+s21+$0x0] =	vst.idx.msk $0xffff, v20  }
0x280: {  	v21 =	vor.u32 v4, v17;
	v20 =	vld [tilespmem:s30+$0x5980]  }
0x281: {  	[tilespmem:v23+s21+$0x0] =	vst.idx.msk $0xffff, v19  }
0x282: {  	v23 =	vor.u32 v7, v22;
	v19 =	vld [tilespmem:s12+$0x5B00]  }
0x283: {  	[tilespmem:v25+s21+$0x0] =	vst.idx.msk $0xffff, v24  }
0x284: {  	s2 =	sand.u32 $0x7, s17;
	v25 =	vor.u32 v2, v18;
	v24 =	vld [tilespmem:s0+$0x5880]  }
0x285: {  	s2 =	sshll.u32 s2, $0x4;
	[tilespmem:v21+s21+$0x0] =	vst.idx.msk $0xffff, v20  }
0x286: {  	s2 =	sadd.s32 $0x0, s2;
	v21 =	vor.u32 v5, v17;
	v20 =	vld [tilespmem:s30+$0x5A00]  }
0x287: {  	s2 =	sor.u32 $0x380, s2;
	[tilespmem:v23+s21+$0x0] =	vst.idx.msk $0xffff, v19  }
0x288: {  	v26 =	vor.u32 v8, v22;
	v23 =	vld [tilespmem:s2+$0x5800]  }
0x289: {  	s15 =	simm.s32 $0x6;
	[tilespmem:v25+s21+$0x0] =	vst.idx.msk $0xffff, v24  }
0x28a: {  	s16 =	simm.s32 $0x180;
	s17 =	simm.s32 $0x30;
	v19 =	vmov s15;
	v25 =	vor.u32 v3, v18;
	v24 =	vld [tilespmem:s0+$0x5900]  }
0x28b: {  	s8 =	sand.u32 $0x70, s17;
	v19 =	vshll.u32 v19, $0x7;
	s2 =	sand.u32 $0x3C00, s16;
	[tilespmem:v21+s21+$0x0] =	vst.idx.msk $0xffff, v20  }
0x28c: {  	v21 =	vor.u32 v6, v17;
	s2 =	sor.u32 s8, s2;
	v19 =	vor.u32 v1, v19;
	v20 =	vld [tilespmem:s30+$0x5A80]  }
0x28d: {  	[tilespmem:v26+s21+$0x0] =	vst.idx.msk $0xffff, v23;
	v23 =	vld [tilespmem:s2+$0x5800];
	v26 =	vor.u32 v0, v19  }
0x28e: {  	v28 =	vor.u32 v9, v22;
	v27 =	vld [tilespmem:s12+$0x8400]  }
0x28f: {  	[tilespmem:v25+s21+$0x0] =	vst.idx.msk $0xffff, v24  }
0x290: {  	v25 =	vor.u32 v4, v18;
	v24 =	vld [tilespmem:s0+$0x5980]  }
0x291: {  	[tilespmem:v21+s21+$0x0] =	vst.idx.msk $0xffff, v20  }
0x292: {  	v21 =	vor.u32 v7, v17;
	v20 =	vld [tilespmem:s30+$0x5B00];
	[tilespmem:v26+s21+$0x0] =	vst.idx.msk $0xffff, v23  }
0x293: {  	s26 =	simm.s32 $0x1;
	v26 =	vor.u32 v2, v19;
	v23 =	vld [tilespmem:s2+$0x5880];
	[tilespmem:v28+s21+$0x0] =	vst.idx.msk $0xffff, v27  }
0x294: {  	s8 =	sand.u32 $0x7, s26;
	v28 =	vor.u32 v10, v22;
	v27 =	vld [tilespmem:s12+$0x8480]  }
0x295: {  	s8 =	sshll.u32 s8, $0x4;
	[tilespmem:v25+s21+$0x0] =	vst.idx.msk $0xffff, v24  }
0x296: {  	s8 =	sadd.s32 $0x80, s8;
	v25 =	vor.u32 v5, v18;
	v24 =	vld [tilespmem:s0+$0x5A00]  }
0x297: {  	s8 =	sor.u32 $0x380, s8;
	[tilespmem:v21+s21+$0x0] =	vst.idx.msk $0xffff, v20  }
0x298: {  	v29 =	vor.u32 v8, v17;
	v21 =	vld [tilespmem:s8+$0x5800];
	[tilespmem:v26+s21+$0x0] =	vst.idx.msk $0xffff, v23  }
0x299: {  	s31 =	simm.s32 $0x8;
	v26 =	vor.u32 v3, v19;
	v23 =	vld [tilespmem:s2+$0x5900];
	[tilespmem:v28+s21+$0x0] =	vst.idx.msk $0xffff, v27  }
0x29a: {  	s11 =	simm.s32 $0x200;
	s9 =	simm.s32 $0x40;
	v20 =	vmov s31;
	v28 =	vor.u32 v11, v22;
	v27 =	vld [tilespmem:s12+$0x8500]  }
0x29b: {  	s10 =	sand.u32 $0x3C00, s11;
	v20 =	vshll.u32 v20, $0x7;
	s8 =	sand.u32 $0x70, s9;
	[tilespmem:v25+s21+$0x0] =	vst.idx.msk $0xffff, v24  }
0x29c: {  	s17 =	sor.u32 s8, s10;
	v20 =	vor.u32 v1, v20;
	v25 =	vor.u32 v6, v18;
	v24 =	vld [tilespmem:s0+$0x5A80]  }
0x29d: {  	[tilespmem:v29+s21+$0x0] =	vst.idx.msk $0xffff, v21;
	v21 =	vld [tilespmem:s17+$0x5800];
	v29 =	vor.u32 v0, v20  }
0x29e: {  	[tilespmem:v26+s21+$0x0] =	vst.idx.msk $0xffff, v23;
	v23 =	vld [tilespmem:s30+$0x8400];
	v26 =	vor.u32 v9, v17  }
0x29f: {  	v31 =	vor.u32 v4, v19;
	v30 =	vld [tilespmem:s2+$0x5980];
	[tilespmem:v28+s21+$0x0] =	vst.idx.msk $0xffff, v27  }
0x2a0: {  	v28 =	vor.u32 v12, v22;
	v27 =	vld [tilespmem:s12+$0x8580]  }
0x2a1: {  	[tilespmem:v25+s21+$0x0] =	vst.idx.msk $0xffff, v24  }
0x2a2: {  	v25 =	vor.u32 v7, v18;
	[tilespmem:v29+s21+$0x0] =	vst.idx.msk $0xffff, v21;
	v24 =	vld [tilespmem:s0+$0x5B00]  }
0x2a3: {  	s13 =	simm.s32 $0x2;
	v29 =	vor.u32 v2, v20;
	v21 =	vld [tilespmem:s17+$0x5880];
	[tilespmem:v26+s21+$0x0] =	vst.idx.msk $0xffff, v23  }
0x2a4: {  	s8 =	sand.u32 $0x7, s13;
	v26 =	vor.u32 v10, v17;
	[tilespmem:v31+s21+$0x0] =	vst.idx.msk $0xffff, v30;
	v23 =	vld [tilespmem:s30+$0x8480]  }
0x2a5: {  	s8 =	sshll.u32 s8, $0x4;
	v31 =	vor.u32 v5, v19;
	v30 =	vld [tilespmem:s2+$0x5A00];
	[tilespmem:v28+s21+$0x0] =	vst.idx.msk $0xffff, v27  }
0x2a6: {  	s8 =	sadd.s32 $0x100, s8;
	v28 =	vor.u32 v13, v22;
	v27 =	vld [tilespmem:s12+$0x8600]  }
0x2a7: {  	s8 =	sor.u32 $0x380, s8;
	[tilespmem:v25+s21+$0x0] =	vst.idx.msk $0xffff, v24  }
0x2a8: {  	v25 =	vor.u32 v8, v18;
	[tilespmem:v29+s21+$0x0] =	vst.idx.msk $0xffff, v21;
	v24 =	vld [tilespmem:s8+$0x5800]  }
0x2a9: {  	s14 =	simm.s32 $0xA;
	v32 =	vor.u32 v3, v20;
	v29 =	vld [tilespmem:s17+$0x5900];
	[tilespmem:v26+s21+$0x0] =	vst.idx.msk $0xffff, v23  }
0x2aa: {  	s15 =	simm.s32 $0x50;
	s13 =	simm.s32 $0x280;
	v21 =	vmov s14;
	v26 =	vor.u32 v11, v17;
	[tilespmem:v31+s21+$0x0] =	vst.idx.msk $0xffff, v30;
	v23 =	vld [tilespmem:s30+$0x8500]  }
0x2ab: {  	s16 =	sand.u32 $0x3C00, s13;
	v21 =	vshll.u32 v21, $0x7;
	s8 =	sand.u32 $0x70, s15;
	v31 =	vor.u32 v6, v19;
	v30 =	vld [tilespmem:s2+$0x5A80];
	[tilespmem:v28+s21+$0x0] =	vst.idx.msk $0xffff, v27  }
0x2ac: {  	s10 =	sor.u32 s8, s16;
	v21 =	vor.u32 v1, v21;
	v28 =	vor.u32 v14, v22;
	v27 =	vld [tilespmem:s12+$0x8680]  }
0x2ad: {  	[tilespmem:v25+s21+$0x0] =	vst.idx.msk $0xffff, v24;
	v24 =	vld [tilespmem:s10+$0x5800];
	v25 =	vor.u32 v0, v21  }
0x2ae: {  	v62 =	vor.u32 v9, v18;
	[tilespmem:v32+s21+$0x0] =	vst.idx.msk $0xffff, v29;
	v29 =	vld [tilespmem:s0+$0x8400]  }
0x2af: {  	v34 =	vor.u32 v4, v20;
	v33 =	vld [tilespmem:s17+$0x5980];
	[tilespmem:v26+s21+$0x0] =	vst.idx.msk $0xffff, v23  }
0x2b0: {  	v26 =	vor.u32 v12, v17;
	[tilespmem:v31+s21+$0x0] =	vst.idx.msk $0xffff, v30;
	v23 =	vld [tilespmem:s30+$0x8580]  }
0x2b1: {  	v31 =	vor.u32 v7, v19;
	v30 =	vld [tilespmem:s2+$0x5B00];
	[tilespmem:v28+s21+$0x0] =	vst.idx.msk $0xffff, v27  }
0x2b2: {  	[tilespmem:v25+s21+$0x0] =	vst.idx.msk $0xffff, v24;
	v25 =	vor.u32 v15, v22;
	v24 =	vld [tilespmem:s12+$0x8700]  }
0x2b3: {  	s8 =	simm.s32 $0x3;
	v35 =	vor.u32 v2, v21;
	v28 =	vld [tilespmem:s10+$0x5880];
	[tilespmem:v62+s21+$0x0] =	vst.idx.msk $0xffff, v29  }
0x2b4: {  	s26 =	sand.u32 $0x7, s8;
	[tilespmem:v34+s21+$0x0] =	vst.idx.msk $0xffff, v33  }
0x2b5: {  	v63 =	vor.u32 v10, v18;
	s9 =	sshll.u32 s26, $0x4;
	v32 =	vld [tilespmem:s0+$0x8480];
	[tilespmem:v26+s21+$0x0] =	vst.idx.msk $0xffff, v23  }
0x2b6: {  	v36 =	vor.u32 v5, v20;
	s9 =	sadd.s32 $0x180, s9;
	v34 =	vld [tilespmem:s17+$0x5A00];
	[tilespmem:v31+s21+$0x0] =	vst.idx.msk $0xffff, v30  }
0x2b7: {  	v38 =	vor.u32 v13, v17;
	s9 =	sor.u32 $0x380, s9;
	v37 =	vld [tilespmem:s30+$0x8600];
	[tilespmem:v25+s21+$0x0] =	vst.idx.msk $0xffff, v24  }
0x2b8: {  	v27 =	vld [tilespmem:s9+$0x5800];
	[tilespmem:v35+s21+$0x0] =	vst.idx.msk $0xffff, v28;
	v28 =	vor.u32 v8, v19  }
0x2b9: {  	v24 =	vor.u32 v16, v22;
	v23 =	vld [tilespmem:s12+$0x8780]  }
0x2ba: {  	s31 =	simm.s32 $0xC;
	v30 =	vor.u32 v3, v21;
	v29 =	vld [tilespmem:s10+$0x5900];
	[tilespmem:v63+s21+$0x0] =	vst.idx.msk $0xffff, v32  }
0x2bb: {  	v26 =	vor.u32 v11, v18;
	v22 =	vmov s31;
	s9 =	simm.s32 $0x300;
	s12 =	simm.s32 $0x60;
	[tilespmem:v36+s21+$0x0] =	vst.idx.msk $0xffff, v34;
	v25 =	vld [tilespmem:s0+$0x8500]  }
0x2bc: {  	s14 =	simm.s32 $0xE;
	v22 =	vshll.u32 v22, $0x7;
	s16 =	sand.u32 $0x3C00, s9;
	v32 =	vor.u32 v6, v20;
	s15 =	sand.u32 $0x70, s12;
	v31 =	vld [tilespmem:s17+$0x5A80];
	[tilespmem:v38+s21+$0x0] =	vst.idx.msk $0xffff, v37  }
.LBB2_10:
0x2bd: {  	p1 =	sne.s32 s14, $0xAE;
	s15 =	sor.u32 s15, s16;
	v22 =	vor.u32 v1, v22;
	[tilespmem:v28+s21+$0x0] =	vst.idx.msk $0xffff, v27;
	v27 =	vld [tilespmem:s30+$0x8680];
	v28 =	vor.u32 v14, v17  }
0x2be: {  	v33 =	vld [tilespmem:s15+$0x5800];
	v34 =	vor.u32 v0, v22;
	[tilespmem:v24+s21+$0x0] =	vst.idx.msk $0xffff, v23  }
0x2bf: {  	v24 =	vor.u32 v9, v19;
	[tilespmem:v30+s21+$0x0] =	vst.idx.msk $0xffff, v29;
	v23 =	vld [tilespmem:s2+$0x8400]  }
0x2c0: {  	v30 =	vor.u32 v4, v21;
	v29 =	vld [tilespmem:s10+$0x5980];
	[tilespmem:v26+s21+$0x0] =	vst.idx.msk $0xffff, v25  }
0x2c1: {  	v26 =	vor.u32 v12, v18;
	[tilespmem:v32+s21+$0x0] =	vst.idx.msk $0xffff, v31;
	v25 =	vld [tilespmem:s0+$0x8580]  }
0x2c2: {  	v32 =	vor.u32 v7, v20;
	v31 =	vld [tilespmem:s17+$0x5B00];
	[tilespmem:v28+s21+$0x0] =	vst.idx.msk $0xffff, v27  }
0x2c3: {  	s8 =	sadd.s32 $0x1, s8;
	[tilespmem:v34+s21+$0x0] =	vst.idx.msk $0xffff, v33;
	v33 =	vld [tilespmem:s30+$0x8700];
	v34 =	vor.u32 v15, v17  }
0x2c4: {  	v36 =	vor.u32 v2, v22;
	s16 =	sand.u32 $0x7, s8;
	v35 =	vld [tilespmem:s15+$0x5880];
	[tilespmem:v24+s21+$0x0] =	vst.idx.msk $0xffff, v23  }
0x2c5: {  	v38 =	vor.u32 v10, v19;
	s16 =	sshll.u32 s16, $0x4;
	[tilespmem:v30+s21+$0x0] =	vst.idx.msk $0xffff, v29;
	v37 =	vld [tilespmem:s2+$0x8480]  }
0x2c6: {  	v40 =	vor.u32 v5, v21;
	s16 =	sadd.s32 s16, s11;
	s11 =	smov.u32 s13;
	s13 =	smov.u32 s9;
	v39 =	vld [tilespmem:s10+$0x5A00];
	[tilespmem:v26+s21+$0x0] =	vst.idx.msk $0xffff, v25  }
0x2c7: {  	v42 =	vor.u32 v13, v18;
	s16 =	sor.u32 $0x380, s16;
	[tilespmem:v32+s21+$0x0] =	vst.idx.msk $0xffff, v31;
	v41 =	vld [tilespmem:s0+$0x8600]  }
.Ltmp9:
0x2c8: {  	v28 =	vor.u32 v8, v20;
	v27 =	vld [tilespmem:s16+$0x5800];
	[tilespmem:v34+s21+$0x0] =	vst.idx.msk $0xffff, v33;
	(pc) =	sbr.rel @p1 .LBB2_10-.Ltmp9, $4  }
0x2c9: {  	v24 =	vor.u32 v16, v17;
	v17 =	vmovc v18;
	v18 =	vmov v19;
	v19 =	vmov v20;
	[tilespmem:v36+s21+$0x0] =	vst.idx.msk $0xffff, v35;
	v23 =	vld [tilespmem:s30+$0x8780];
	s30 =	smov.u32 s0;
	s0 =	smov.u32 s2;
	s2 =	smov.u32 s17  }
0x2ca: {  	v20 =	vmov v21;
	v21 =	vmov v22;
	v30 =	vor.u32 v3, v22;
	s17 =	smov.u32 s10;
	s10 =	smov.u32 s15;
	v29 =	vld [tilespmem:s15+$0x5900];
	[tilespmem:v38+s21+$0x0] =	vst.idx.msk $0xffff, v37  }
0x2cb: {  	s12 =	sadd.s32 $0x10, s12;
	s9 =	sadd.s32 $0x80, s9;
	v22 =	vmov s14;
	v26 =	vor.u32 v11, v18;
	[tilespmem:v40+s21+$0x0] =	vst.idx.msk $0xffff, v39;
	v25 =	vld [tilespmem:s0+$0x8500]  }
0x2cc: {  	s14 =	sadd.s32 $0x2, s14;
	v22 =	vshll.u32 v22, $0x7;
	v32 =	vor.u32 v6, v20;
	s16 =	sand.u32 $0x3C00, s9;
	s15 =	sand.u32 $0x70, s12;
	v31 =	vld [tilespmem:s17+$0x5A80];
	[tilespmem:v42+s21+$0x0] =	vst.idx.msk $0xffff, v41  }
0x2cd: {  	s12 =	sor.u32 s15, s16;
	v22 =	vor.u32 v1, v22  }
0x2ce: {  	v33 =	vld [tilespmem:s12+$0x5800];
	v34 =	vor.u32 v0, v22;
	_ =	sdelay $0x4  }
0x2cf: {  	[tilespmem:v34+s21+$0x0] =	vst.idx.msk $0xffff, v33  }
0x2d0: {  	v37 =	vor.u32 v2, v22;
	v33 =	vld [tilespmem:s12+$0x5880];
	_ =	sdelay $0x4  }
0x2d1: {  	[tilespmem:v37+s21+$0x0] =	vst.idx.msk $0xffff, v33  }
0x2d2: {  	v38 =	vor.u32 v3, v22;
	v33 =	vld [tilespmem:s12+$0x5900];
	_ =	sdelay $0x3  }
0x2d3: {  	[tilespmem:v30+s21+$0x0] =	vst.idx.msk $0xffff, v29  }
0x2d4: {  	v39 =	vor.u32 v4, v21;
	v29 =	vld [tilespmem:s10+$0x5980];
	[tilespmem:v38+s21+$0x0] =	vst.idx.msk $0xffff, v33  }
0x2d5: {  	v40 =	vor.u32 v4, v22;
	v33 =	vld [tilespmem:s12+$0x5980];
	_ =	sdelay $0x3  }
0x2d6: {  	[tilespmem:v39+s21+$0x0] =	vst.idx.msk $0xffff, v29  }
0x2d7: {  	v41 =	vor.u32 v5, v21;
	v29 =	vld [tilespmem:s10+$0x5A00];
	[tilespmem:v40+s21+$0x0] =	vst.idx.msk $0xffff, v33  }
0x2d8: {  	v42 =	vor.u32 v5, v22;
	v33 =	vld [tilespmem:s12+$0x5A00];
	_ =	sdelay $0x3  }
0x2d9: {  	[tilespmem:v41+s21+$0x0] =	vst.idx.msk $0xffff, v29  }
0x2da: {  	v43 =	vor.u32 v6, v21;
	v29 =	vld [tilespmem:s10+$0x5A80];
	[tilespmem:v42+s21+$0x0] =	vst.idx.msk $0xffff, v33  }
0x2db: {  	v44 =	vor.u32 v6, v22;
	v33 =	vld [tilespmem:s12+$0x5A80];
	_ =	sdelay $0x2  }
0x2dc: {  	[tilespmem:v32+s21+$0x0] =	vst.idx.msk $0xffff, v31  }
0x2dd: {  	v45 =	vor.u32 v7, v20;
	v31 =	vld [tilespmem:s17+$0x5B00];
	[tilespmem:v43+s21+$0x0] =	vst.idx.msk $0xffff, v29  }
0x2de: {  	s8 =	sadd.s32 $0x1, s8;
	v46 =	vor.u32 v7, v21;
	v29 =	vld [tilespmem:s10+$0x5B00];
	[tilespmem:v44+s21+$0x0] =	vst.idx.msk $0xffff, v33  }
0x2df: {  	s14 =	sand.u32 $0x7, s8;
	s8 =	sadd.s32 $0x1, s8;
	v47 =	vor.u32 v7, v22;
	v33 =	vld [tilespmem:s12+$0x5B00]  }
0x2e0: {  	s14 =	sshll.u32 s14, $0x4;
	s31 =	sand.u32 $0x7, s8;
	s8 =	sadd.s32 $0x1, s8  }
0x2e1: {  	s11 =	sadd.s32 s14, s11;
	s15 =	sshll.u32 s31, $0x4;
	s8 =	sand.u32 $0x7, s8  }
0x2e2: {  	s11 =	sor.u32 $0x380, s11;
	s13 =	sadd.s32 s15, s13;
	s8 =	sshll.u32 s8, $0x4;
	[tilespmem:v45+s21+$0x0] =	vst.idx.msk $0xffff, v31  }
0x2e3: {  	v48 =	vor.u32 v8, v20;
	s16 =	sor.u32 $0x380, s13;
	s8 =	sadd.s32 s8, s9;
	v31 =	vld [tilespmem:s11+$0x5800];
	[tilespmem:v46+s21+$0x0] =	vst.idx.msk $0xffff, v29  }
0x2e4: {  	v49 =	vor.u32 v8, v21;
	s8 =	sor.u32 $0x380, s8;
	v29 =	vld [tilespmem:s16+$0x5800];
	[tilespmem:v47+s21+$0x0] =	vst.idx.msk $0xffff, v33  }
0x2e5: {  	v50 =	vor.u32 v8, v22;
	v33 =	vld [tilespmem:s8+$0x5800]  }
0x2e6: {  	[tilespmem:v28+s21+$0x0] =	vst.idx.msk $0xffff, v27  }
0x2e7: {  	v51 =	vor.u32 v9, v19;
	v27 =	vld [tilespmem:s2+$0x8400]  }
0x2e8: {  	[tilespmem:v48+s21+$0x0] =	vst.idx.msk $0xffff, v31  }
0x2e9: {  	v52 =	vor.u32 v9, v20;
	v31 =	vld [tilespmem:s17+$0x8400];
	[tilespmem:v49+s21+$0x0] =	vst.idx.msk $0xffff, v29  }
0x2ea: {  	v53 =	vor.u32 v9, v21;
	v29 =	vld [tilespmem:s10+$0x8400];
	[tilespmem:v50+s21+$0x0] =	vst.idx.msk $0xffff, v33  }
0x2eb: {  	v54 =	vor.u32 v9, v22;
	v33 =	vld [tilespmem:s12+$0x8400]  }
0x2ec: {  	[tilespmem:v51+s21+$0x0] =	vst.idx.msk $0xffff, v27  }
0x2ed: {  	v55 =	vor.u32 v10, v19;
	v27 =	vld [tilespmem:s2+$0x8480]  }
0x2ee: {  	[tilespmem:v52+s21+$0x0] =	vst.idx.msk $0xffff, v31  }
0x2ef: {  	v56 =	vor.u32 v10, v20;
	v31 =	vld [tilespmem:s17+$0x8480];
	[tilespmem:v53+s21+$0x0] =	vst.idx.msk $0xffff, v29  }
0x2f0: {  	v57 =	vor.u32 v10, v21;
	v29 =	vld [tilespmem:s10+$0x8480];
	[tilespmem:v54+s21+$0x0] =	vst.idx.msk $0xffff, v33  }
0x2f1: {  	v58 =	vor.u32 v10, v22;
	v33 =	vld [tilespmem:s12+$0x8480]  }
0x2f2: {  	[tilespmem:v55+s21+$0x0] =	vst.idx.msk $0xffff, v27  }
0x2f3: {  	v59 =	vor.u32 v11, v19;
	v27 =	vld [tilespmem:s2+$0x8500]  }
0x2f4: {  	[tilespmem:v56+s21+$0x0] =	vst.idx.msk $0xffff, v31  }
0x2f5: {  	v60 =	vor.u32 v11, v20;
	v31 =	vld [tilespmem:s17+$0x8500];
	[tilespmem:v57+s21+$0x0] =	vst.idx.msk $0xffff, v29  }
0x2f6: {  	v61 =	vor.u32 v11, v21;
	v29 =	vld [tilespmem:s10+$0x8500];
	[tilespmem:v58+s21+$0x0] =	vst.idx.msk $0xffff, v33  }
0x2f7: {  	v62 =	vor.u32 v11, v22;
	v33 =	vld [tilespmem:s12+$0x8500]  }
0x2f8: {  	[tilespmem:v59+s21+$0x0] =	vst.idx.msk $0xffff, v27  }
0x2f9: {  	v36 =	vor.u32 v12, v19;
	[tilespmem:v26+s21+$0x0] =	vst.idx.msk $0xffff, v25;
	v27 =	vld [tilespmem:s2+$0x8580]  }
0x2fa: {  	v63 =	vor.u32 v12, v18;
	v25 =	vld [tilespmem:s0+$0x8580];
	[tilespmem:v60+s21+$0x0] =	vst.idx.msk $0xffff, v31  }
0x2fb: {  	v37 =	vor.u32 v12, v20;
	v31 =	vld [tilespmem:s17+$0x8580];
	[tilespmem:v61+s21+$0x0] =	vst.idx.msk $0xffff, v29  }
0x2fc: {  	v38 =	vor.u32 v12, v21;
	v29 =	vld [tilespmem:s10+$0x8580];
	[tilespmem:v62+s21+$0x0] =	vst.idx.msk $0xffff, v33  }
0x2fd: {  	v39 =	vor.u32 v12, v22;
	v33 =	vld [tilespmem:s12+$0x8580]  }
0x2fe: {  	[tilespmem:v36+s21+$0x0] =	vst.idx.msk $0xffff, v27  }
0x2ff: {  	[tilespmem:v63+s21+$0x0] =	vst.idx.msk $0xffff, v25;
	v41 =	vor.u32 v13, v19;
	v27 =	vld [tilespmem:s2+$0x8600]  }
0x300: {  	v25 =	vld [tilespmem:s0+$0x8600];
	v40 =	vor.u32 v13, v18;
	[tilespmem:v37+s21+$0x0] =	vst.idx.msk $0xffff, v31  }
0x301: {  	v42 =	vor.u32 v13, v20;
	v31 =	vld [tilespmem:s17+$0x8600];
	[tilespmem:v38+s21+$0x0] =	vst.idx.msk $0xffff, v29  }
0x302: {  	v43 =	vor.u32 v13, v21;
	v29 =	vld [tilespmem:s10+$0x8600];
	[tilespmem:v39+s21+$0x0] =	vst.idx.msk $0xffff, v33  }
0x303: {  	[tilespmem:v24+s21+$0x0] =	vst.idx.msk $0xffff, v23;
	v45 =	vor.u32 v13, v22;
	v44 =	vld [tilespmem:s12+$0x8600]  }
0x304: {  	v46 =	vld [tilespmem:s30+$0x8680];
	[tilespmem:v41+s21+$0x0] =	vst.idx.msk $0xffff, v27;
	v47 =	vor.u32 v14, v17  }
0x305: {  	[tilespmem:v40+s21+$0x0] =	vst.idx.msk $0xffff, v25;
	v27 =	vld [tilespmem:s2+$0x8680];
	v49 =	vor.u32 v14, v19  }
0x306: {  	v48 =	vor.u32 v14, v18;
	v25 =	vld [tilespmem:s0+$0x8680];
	[tilespmem:v42+s21+$0x0] =	vst.idx.msk $0xffff, v31  }
0x307: {  	v31 =	vld [tilespmem:s17+$0x8680];
	v50 =	vor.u32 v14, v20;
	[tilespmem:v43+s21+$0x0] =	vst.idx.msk $0xffff, v29  }
0x308: {  	v51 =	vor.u32 v14, v21;
	v29 =	vld [tilespmem:s10+$0x8680];
	[tilespmem:v45+s21+$0x0] =	vst.idx.msk $0xffff, v44  }
0x309: {  	v52 =	vor.u32 v14, v22;
	[tilespmem:v47+s21+$0x0] =	vst.idx.msk $0xffff, v46;
	v23 =	vld [tilespmem:s12+$0x8680]  }
0x30a: {  	[tilespmem:v49+s21+$0x0] =	vst.idx.msk $0xffff, v27;
	v53 =	vor.u32 v15, v17;
	v33 =	vld [tilespmem:s30+$0x8700]  }
0x30b: {  	v55 =	vor.u32 v15, v19;
	[tilespmem:v48+s21+$0x0] =	vst.idx.msk $0xffff, v25;
	v27 =	vld [tilespmem:s2+$0x8700]  }
0x30c: {  	v25 =	vld [tilespmem:s0+$0x8700];
	[tilespmem:v50+s21+$0x0] =	vst.idx.msk $0xffff, v31;
	v54 =	vor.u32 v15, v18  }
0x30d: {  	v56 =	vor.u32 v15, v20;
	v31 =	vld [tilespmem:s17+$0x8700];
	[tilespmem:v51+s21+$0x0] =	vst.idx.msk $0xffff, v29  }
0x30e: {  	v57 =	vor.u32 v15, v21;
	v29 =	vld [tilespmem:s10+$0x8700];
	[tilespmem:v52+s21+$0x0] =	vst.idx.msk $0xffff, v23  }
0x30f: {  	s26 =	smul.u32 $0xE6C3, s29;
	v58 =	vor.u32 v15, v22;
	[tilespmem:v53+s21+$0x0] =	vst.idx.msk $0xffff, v33;
	v23 =	vld [tilespmem:s12+$0x8700]  }
0x310: {  	v17 =	vor.u32 v16, v17;
	[tilespmem:v55+s21+$0x0] =	vst.idx.msk $0xffff, v27;
	v33 =	vld [tilespmem:s30+$0x8780]  }
0x311: {  	v19 =	vor.u32 v16, v19;
	v59 =	vld [tilespmem:s2+$0x8780];
	[tilespmem:v54+s21+$0x0] =	vst.idx.msk $0xffff, v25;
	s30 =	sshrl.u32 s26, $0x16  }
0x312: {  	v18 =	vor.u32 v16, v18;
	[tilespmem:v56+s21+$0x0] =	vst.idx.msk $0xffff, v31;
	v25 =	vld [tilespmem:s0+$0x8780];
	s31 =	smul.u32 $0x47, s30  }
0x313: {  	v61 =	vor.u32 v16, v20;
	v60 =	vld [tilespmem:s17+$0x8780];
	[tilespmem:v57+s21+$0x0] =	vst.idx.msk $0xffff, v29  }
0x314: {  	v63 =	vor.u32 v16, v21;
	v62 =	vld [tilespmem:s10+$0x8780];
	s2 =	ssub.s32 s29, s31;
	[tilespmem:v58+s21+$0x0] =	vst.idx.msk $0xffff, v23  }
0x315: {  	v22 =	vor.u32 v16, v22;
	s0 =	smul.u32 $0x186C00, s30;
	s2 =	sand.u32 $0xFFFF, s2;
	[tilespmem:v17+s21+$0x0] =	vst.idx.msk $0xffff, v33;
	v17 =	vld [tilespmem:s12+$0x8780]  }
0x316: {  	[tilespmem:v19+s21+$0x0] =	vst.idx.msk $0xffff, v59;
	s2 =	smul.u32 $0x5800, s2  }
.Ltmp10:
0x317: {  	[tilespmem:v18+s21+$0x0] =	vst.idx.msk $0xffff, v25;
	(pc) =	sbr.rel .LBB2_12-.Ltmp10, $4  }
0x318: {  	[tilespmem:v61+s21+$0x0] =	vst.idx.msk $0xffff, v60;
	s0 =	sadd.s32 s2, s0  }
0x319: {  	[tilespmem:v63+s21+$0x0] =	vst.idx.msk $0xffff, v62;
	s0 =	sshrl.u32 s0, $0x3  }
0x31a: {  	s0 =	sadd.s32 s7, s0;
	[tilespmem:v22+s21+$0x0] =	vst.idx.msk $0xffff, v17  }
0x31b: {  	[hbm4b:s0+s4] =	stream.linear.scatter [tilespmem:s21], [sflag:$0x4], $0x5800, $0x38;
	[tilespmem:$0x16400] =	vst v63  }
.LBB2_14:
0x31c: {  	s0 =	sadd.s32 $0x0, s3  }
0x31d: {  	[tilespmem:s24], [sflag:$0x5] =	stream.linear.gather [hbm4b:s0+s4], $0x400, $0x38;
	[tilespmem:$0x16400] =	vst v63  }
0x31e: {  	_ =	swait.ge [sflag:s25], $0x400  }
0x31f: {  	[sflag:s25] =	ssyncset.done $0x0  }
0x320: {  	s31 =	rddreg [dreg:$0xa];
	[sflag:s25] =	ssyncadd.s32 $0xFFFFFC00  }
0x321: {  	[hbm4b:s31+s4] =	stream.linear.scatter [tilespmem:s24], [sflag:$0x5], $0x400, $0x38;
	[tilespmem:$0x16400] =	vst v63  }
0x322: {  	s2 =	simm.s32 $0x80;
	_ =	swait.ge [sflag:s25], $0x400  }
0x323: {  	s8 =	simm.s32 $0x100;
	s0 =	sadd.s32 $0x30D80, s31;
	[sflag:s25] =	ssyncset.done $0x0  }
.LBB2_15:
0x324: {  	s9 =	sadd.s32 s2, s3  }
0x325: {  	[sflag:s25] =	ssyncadd.s32 $0xFFFFFC00;
	s2 =	smov.u32 s8;
	s10 =	sadd.s32 $0x80, s8  }
0x326: {  	[tilespmem:s24], [sflag:$0x5] =	stream.linear.gather [hbm4b:s9+s4], $0x400, $0x38;
	[tilespmem:$0x16400] =	vst v63  }
0x327: {  	p1 =	sne.s32 s8, $0xC80;
	_ =	swait.ge [sflag:s25], $0x400  }
.Ltmp11:
0x328: {  	[sflag:s25] =	ssyncset.done $0x0;
	(pc) =	sbr.rel @p1 .LBB2_15-.Ltmp11, $4  }
0x329: {  	[sflag:s25] =	ssyncadd.s32 $0xFFFFFC00  }
0x32a: {  	[hbm4b:s0+s4] =	stream.linear.scatter [tilespmem:s24], [sflag:$0x5], $0x400, $0x38;
	[tilespmem:$0x16400] =	vst v63  }
0x32b: {  	_ =	swait.ge [sflag:s25], $0x400  }
0x32c: {  	s8 =	smov.u32 s10;
	s0 =	sadd.s32 $0x30D80, s0;
	[sflag:s25] =	ssyncset.done $0x0  }
0x32d: {  	s2 =	sadd.s32 s2, s3;
	[sflag:s25] =	ssyncadd.s32 $0xFFFFFC00  }
0x32e: {  	[tilespmem:s24], [sflag:$0x5] =	stream.linear.gather [hbm4b:s2+s4], $0x400, $0x38;
	[tilespmem:$0x16400] =	vst v63  }
0x32f: {  	_ =	swait.ge [sflag:s25], $0x400  }
0x330: {  	[sflag:s25] =	ssyncset.done $0x0  }
.Ltmp12:
0x331: {  	[sflag:s25] =	ssyncadd.s32 $0xFFFFFC00;
	(pc) =	sbr.rel .LBB2_17-.Ltmp12, $4  }
0x332: {  	[hbm4b:s0+s4] =	stream.linear.scatter [tilespmem:s24], [sflag:$0x5], $0x400, $0x38;
	[tilespmem:$0x16400] =	vst v63  }
0x333: {  	_ =	swait.ge [sflag:s25], $0x400  }
0x334: {  	[sflag:s25] =	ssyncset.done $0x0  }
0x335: {  	[sflag:s25] =	ssyncadd.s32 $0xFFFFFC00  }
.LBB2_18:
0x336: {  	_ =	sfence.sel $0x180000  }
0x337: {  	[bflag:$0x0] =	sbarrier.arrive $0xFFFF  }
0x338: {  	_ =	strace $0x90000047  }
0x339: {  	s0 =	stileid.u32;
	[bflag:$0x2] =	sbarrier.arrive $0xFFFF  }
0x33a: {  	p0 =	sne.s32 s0, $0x0;
	s0 =	rddreg [dreg:$0x3]  }
0x33b: {  	s0 =	sadd.s32 @!p0 $0x100000, s0  }
0x33c: {  	[sflag:s0] =	ssyncadd.tile.s32 @!p0 $0x1;
	_ =	shalt  }
.Lfunc_end2:
_tile_overlayer_lowered:
.L_overlay_start_2:
0x33d: {  	(tag) =	ssettag $0x2  }
0x33e: {  	s0 =	rddreg [dreg:$0x0];
	s2 =	stileid.u32  }
0x33f: {  	s1 =	rddreg [dreg:$0x1];
	p0 =	sne.s32 s2, $0x0  }
0x340: {  	s3 =	rddreg [dreg:$0x2];
	[bflag:$0x3] =	sbarrier.arrive $0xFFFF;
	s2 =	simm.s32 @!p0 $0x1C05  }
0x341: {  	[timem:s3], [sflag:s2] =	dma.local @!p0 [hbm:s0], s1  }
0x342: {  	s0 =	simm.s32 @!p0 $0x5  }
0x343: {  	_ =	swait.ge @!p0 [sflag:s0], s1  }
0x344: {  	s1 =	ssub.s32 @!p0 $0x0, s1;
	[sflag:s0] =	ssyncset.done @!p0 $0x0  }
0x345: {  	[sflag:s0] =	ssyncadd.s32 @!p0 s1  }
0x346: {  	[bflag:$0x3] =	sbarrier.arrive $0xFFFF  }
0x347: {  	_ =	shalt  }

// kernel: kernel.7.cloned.1.call-start
scs
__scs_entry_jumppad:
0x0: {  	(pc) =	sbr.rel $0x88, $3  }
0x1: {  	(tag) =	ssettag $0x0;
	lr =	simm.s32 $0x1  }
0x2: {  	[smem:$0x3F9F] =	sst lr;
	_ =	strace $0xD0000000  }
0x3: {  	_ = 	snop  }
0x4: {  	_ = 	snop  }
0x5: {  	_ = 	snop  }
0x6: {  	_ = 	snop  }
0x7: {  	_ = 	snop  }
__scs_overlays_trampoline_lowered:
0x8: {  	[smem:$0x3FAE] =	sst s0  }
0x9: {  	[smem:$0x3FAF] =	sst s1  }
0xa: {  	[smem:$0x3FB0] =	sst s2  }
0xb: {  	[smem:$0x3FB1] =	sst s3  }
0xc: {  	[smem:$0x3FB2] =	sst s4  }
0xd: {  	[smem:$0x3FB3] =	sst s5  }
0xe: {  	[smem:$0x3FB4] =	sst s6  }
0xf: {  	[smem:$0x3FB5] =	sst s7  }
0x10: {  	[smem:$0x3FB6] =	sst s8  }
0x11: {  	[smem:$0x3FB7] =	sst s9;
	s0 =	simm.s32 @!p0 $0x0  }
0x12: {  	s1 =	sld [smem:$0x3F9D];
	s0 =	simm.s32 @p0 $0x1  }
0x13: {  	[smem:$0x3FB8] =	sst s0;
	s0 =	simm.s32 @!p1 $0x0  }
0x14: {  	s2 =	sld [smem:$0x3F9C];
	s0 =	simm.s32 @p1 $0x1  }
0x15: {  	[smem:$0x3FB9] =	sst s0;
	s0 =	simm.s32 @!p2 $0x0  }
0x16: {  	s3 =	sld [smem:$0x3FDB];
	s0 =	simm.s32 @p2 $0x1  }
0x17: {  	s4 =	simm.s32 $0x1BF5;
	[smem:$0x3FBB] =	sst s0  }
0x18: {  	s0 =	sld [smem:$0x3F9E];
	_ =	swait.ge [sflag:s4], $0x0  }
0x19: {  	s7 =	sld [smem:$0x3F9F]  }
0x1a: {  	s8 =	sadd.s32 $0xFFFFE003, lr  }
0x1b: {  	s9 =	sadd.s32 $0xFFFFFEF7, lr;
	s5 =	simm.s32 $0xFFFFFFFF;
	p2 =	slt.u32 s8, $0xFFFFF086  }
0x1c: {  	p1 =	slt.u32 s9, $0xF7A;
	s5 =	simm.s32 @!p2 $0x0  }
0x1d: {  	s5 =	simm.s32 @p1 $0x1;
	p0 =	seq.s32 s7, s2  }
0x1e: {  	s7 =	smul.u32 @!p0 $0xF7A, s2;
	p2 =	seq.s32 @!p0 s5, $0x0  }
0x1f: {  	s9 =	smul.u32 $0xF7A, s1;
	s8 =	simm.s32 @!p0 $0x1BF5;
	p2 =	por !p2, p0  }
0x20: {  	[sflag:s8] =	ssyncset.s32 @!p0 $0xFFFFF086;
	s6 =	sadd.s32 @!p0 s3, s7;
	s7 =	simm.s32 @!p0 $0x108  }
0x21: {  	s3 =	sadd.s32 s3, s9;
	s6 =	sadd.s32 @!p0 $0x88, s6;
	s7 =	simm.s32 @p2 $0x1082  }
0x22: {  	[simem:s7], [sflag:s8] =	dma.local @!p0 [hbm:s6], $0xF7A  }
0x23: {  	s9 =	sor.u32 $0xD0000000, s2;
	s6 =	simm.s32 $0x108;
	_ =	swait.ge @!p0 [sflag:s8], $0x0  }
0x24: {  	s3 =	sadd.s32 $0x88, s3;
	s6 =	simm.s32 @!p1 $0x1082;
	[sflag:s4] =	ssyncset.s32 $0xFFFFF086  }
0x25: {  	[simem:s6], [sflag:s4] =	dma.local [hbm:s3], $0xF7A  }
0x26: {  	[smem:$0x3F9F] =	sst s1;
	(tag) =	ssettag s2;
	_ =	strace s9  }
0x27: {  	s1 =	sld [smem:$0x3FAF]  }
0x28: {  	s2 =	sld [smem:$0x3FB0]  }
0x29: {  	s4 =	sld [smem:$0x3FB2]  }
0x2a: {  	p0 =	seq.s32 s5, $0x0;
	s5 =	sld [smem:$0x3FB3]  }
0x2b: {  	s6 =	sld [smem:$0x3FB4]  }
0x2c: {  	s7 =	sld [smem:$0x3FB5]  }
0x2d: {  	s3 =	simm.s32 $0x108;
	s8 =	sld [smem:$0x3FB6]  }
0x2e: {  	s3 =	simm.s32 @!p0 $0x1082;
	s9 =	sld [smem:$0x3FB7]  }
0x2f: {  	lr =	sadd.s32 s0, s3;
	s0 =	sld [smem:$0x3FAE]  }
0x30: {  	s3 =	sld [smem:$0x3FB1]  }
0x31: {  	[smem:$0x3FBA] =	sst s10  }
0x32: {  	s10 =	sld [smem:$0x3FB8];
	_ =	sdelay $0x3  }
0x33: {  	p0 =	seq.s32 s10, $0x1;
	s10 =	sld [smem:$0x3FBA];
	_ =	sdelay $0x3  }
0x34: {  	[smem:$0x3FBA] =	sst s10  }
0x35: {  	s10 =	sld [smem:$0x3FB9];
	_ =	sdelay $0x3  }
0x36: {  	p1 =	seq.s32 s10, $0x1;
	s10 =	sld [smem:$0x3FBA];
	_ =	sdelay $0x3  }
0x37: {  	[smem:$0x3FBA] =	sst s10  }
0x38: {  	s10 =	sld [smem:$0x3FBB]  }
0x39: {  	_ = 	snop;
	(pc) =	sbr.ind lr, $3  }
0x3a: {  	_ = 	snop  }
0x3b: {  	_ = 	snop  }
0x3c: {  	p2 =	seq.s32 s10, $0x1;
	s10 =	sld [smem:$0x3FBA]  }
0x3d: {  	_ =	shalt  }
0x3e: {  	_ =	shalt  }
0x3f: {  	_ =	shalt  }
0x40: {  	_ =	shalt  }
0x41: {  	_ =	shalt  }
0x42: {  	_ =	shalt  }
0x43: {  	_ =	shalt  }
0x44: {  	_ =	shalt  }
0x45: {  	_ =	shalt  }
0x46: {  	_ =	shalt  }
0x47: {  	_ =	shalt  }
0x48: {  	_ =	shalt  }
0x49: {  	_ =	shalt  }
0x4a: {  	_ =	shalt  }
0x4b: {  	_ =	shalt  }
0x4c: {  	_ =	shalt  }
0x4d: {  	_ =	shalt  }
0x4e: {  	_ =	shalt  }
0x4f: {  	_ =	shalt  }
0x50: {  	_ =	shalt  }
0x51: {  	_ =	shalt  }
0x52: {  	_ =	shalt  }
0x53: {  	_ =	shalt  }
0x54: {  	_ =	shalt  }
0x55: {  	_ =	shalt  }
0x56: {  	_ =	shalt  }
0x57: {  	_ =	shalt  }
0x58: {  	_ =	shalt  }
0x59: {  	_ =	shalt  }
0x5a: {  	_ =	shalt  }
0x5b: {  	_ =	shalt  }
0x5c: {  	_ =	shalt  }
0x5d: {  	_ =	shalt  }
0x5e: {  	_ =	shalt  }
0x5f: {  	_ =	shalt  }
0x60: {  	_ =	shalt  }
0x61: {  	_ =	shalt  }
0x62: {  	_ =	shalt  }
0x63: {  	_ =	shalt  }
0x64: {  	_ =	shalt  }
0x65: {  	_ =	shalt  }
0x66: {  	_ =	shalt  }
0x67: {  	_ =	shalt  }
0x68: {  	_ =	shalt  }
0x69: {  	_ =	shalt  }
0x6a: {  	_ =	shalt  }
0x6b: {  	_ =	shalt  }
0x6c: {  	_ =	shalt  }
0x6d: {  	_ =	shalt  }
0x6e: {  	_ =	shalt  }
0x6f: {  	_ =	shalt  }
0x70: {  	_ =	shalt  }
0x71: {  	_ =	shalt  }
0x72: {  	_ =	shalt  }
0x73: {  	_ =	shalt  }
0x74: {  	_ =	shalt  }
0x75: {  	_ =	shalt  }
0x76: {  	_ =	shalt  }
0x77: {  	_ =	shalt  }
0x78: {  	_ =	shalt  }
0x79: {  	_ =	shalt  }
0x7a: {  	_ =	shalt  }
0x7b: {  	_ =	shalt  }
0x7c: {  	_ =	shalt  }
0x7d: {  	_ =	shalt  }
0x7e: {  	_ =	shalt  }
0x7f: {  	_ =	shalt  }
0x80: {  	_ =	shalt  }
0x81: {  	_ =	shalt  }
0x82: {  	_ =	shalt  }
0x83: {  	_ =	shalt  }
0x84: {  	_ =	shalt  }
0x85: {  	_ =	shalt  }
0x86: {  	_ =	shalt  }
0x87: {  	_ =	shalt  }
.Lfunc_end0:
.L_simem_size_0:
called_computation.1_lowered:
.L_overlay_start_0:
0x88: {  	s2 =	sld [smem:$0x3FD9]  }
0x89: {  	s3 =	sld [smem:$0x3FFE];
	_ =	sdelay $0x1  }
0x8a: {  	s1 =	srdreg.scid  }
0x8b: {  	s0 =	sand.u32 $0x1, s1  }
0x8c: {  	s17 =	sshll.u32 s0, $0xA;
	s2 =	sadd.s32 s3, s2  }
0x8d: {  	s2 =	sadd.s32 s2, s17  }
0x8e: {  	[smem:$0x3FC6] =	sst s2  }
0x8f: {  	_ = 	snop  }
0x90: {  	s2 =	sld [smem:$0x3FD0];
	(tm) =	ssettm $0x1  }
0x91: {  	s18 =	sld [smem:$0x3FFB];
	_ =	sdelay $0x3  }
0x92: {  	_ =	strace s18  }
0x93: {  	s3 =	sld [smem:$0x3FFC];
	_ =	sdelay $0x3  }
0x94: {  	_ =	strace s3  }
0x95: {  	s3 =	sld [smem:$0x3FFD];
	_ =	sdelay $0x3  }
0x96: {  	_ =	strace s3  }
0x97: {  	_ =	strace $0x8FFFFFFF  }
0x98: {  	s19 =	sld [smem:$0x3FDB];
	_ =	sdelay $0x1  }
0x99: {  	s4 =	simm.s32 $_scs_section_size  }
0x9a: {  	s5 =	simm.s32 $_size__tile_overlayer_lowered;
	s6 =	simm.s32 $_tile_overlayer_lowered  }
0x9b: {  	s22 =	simm.s32 $0x1BFF;
	s21 =	sshll.u32 s6, $0x1;
	s3 =	sadd.s32 s4, s19  }
0x9c: {  	s7 =	simm.s32 $0x0;
	s20 =	sshll.u32 s5, $0x1;
	s5 =	sadd.s32 s21, s3  }
0x9d: {  	[timem:s7], [sflag:s22] =	dma.local [hbm:s5], s20  }
0x9e: {  	_ =	swait.ge [sflag:s22], s20  }
0x9f: {  	s4 =	ssub.s32 $0x0, s20;
	[sflag:s22] =	ssyncset.done $0x0  }
0xa0: {  	[sflag:s22] =	ssyncadd.s32 s4;
	_ =	sdelay $0x1  }
0xa1: {  	s23 =	simm.s32 $0x1B8B  }
0xa2: {  	_ =	swait.ge [sflag:s23], $0x1  }
0xa3: {  	[sflag:s23] =	ssyncset.done $0x0  }
0xa4: {  	s25 =	simm.s32 $0x1B8E;
	s24 =	sld [smem:$0x3FFE];
	[sflag:s23] =	ssyncadd.s32 $0xFFFFFFFF  }
0xa5: {  	s26 =	simm.s32 $execute0_lowered;
	[smem:$0x3FD2] =	sst s25  }
0xa6: {  	s5 =	sshll.u32 s26, $0x1;
	_ =	strace $0x80000049;
	[dreg:$0x1] =	wrdreg $0xFFFFFFFF  }
0xa7: {  	s28 =	simm.s32 $_size_execute0_lowered;
	s3 =	sadd.s32 s3, s5;
	[dreg:$0x0] =	wrdreg $0x0  }
0xa8: {  	s5 =	sshll.u32 s28, $0x1;
	[dreg:$0x2] =	wrdreg s3  }
0xa9: {  	[dreg:$0x3] =	wrdreg s5  }
0xaa: {  	[dreg:$0x4] =	wrdreg $0xC0  }
0xab: {  	_ =	task [dreg:s7], $0x5FFFF  }
0xac: {  	[dreg:$0x1] =	wrdreg $0xFFFFFFFF  }
0xad: {  	[dreg:$0x0] =	wrdreg $0x60  }
0xae: {  	[dreg:$0x2] =	wrdreg s24  }
0xaf: {  	[dreg:$0x3] =	wrdreg s2  }
0xb0: {  	[dreg:$0x4] =	wrdreg $0x9  }
0xb1: {  	_ =	task.clear_ibuf [dreg:s7], $0x5FFFF;
	_ =	strace $0x90000049  }
0xb2: {  	s29 =	simm.s32 $0x9;
	_ =	strace $0x8000004B  }
0xb3: {  	_ =	swait.ge [sflag:s29], $0x1  }
0xb4: {  	[sflag:s29] =	ssyncadd.s32 $0xFFFFFFFF  }
0xb5: {  	_ =	strace $0x9000004B  }
0xb6: {  	_ =	sfence  }
0xb7: {  	s30 =	sld [smem:$0x0];
	_ =	sdelay $0x2  }
0xb8: {  	s31 =	sshll.u32 s1, $0xD;
	s1 =	sshrl.u32 s1, $0x2  }
0xb9: {  	s3 =	sand.u32 $0x4000, s31;
	s1 =	sadd.s32 s1, s30  }
0xba: {  	s0 =	sor.u32 s3, s0;
	s1 =	sshll.u32 s1, $0x11  }
0xbb: {  	s0 =	sor.u32 s1, s0  }
0xbc: {  	s0 =	sadd.s32 $0x8F2B, s0  }
0xbd: {  	[sflag:s0] =	ssyncadd.remote.s32 $0x1  }
0xbe: {  	_ =	sfence.sel $0xFFFF  }
0xbf: {  	[dreg:$0x0] =	wrdreg $0xFFFFFFFF;
	(pc) =	sbr.abs _section_cstart, $3  }
0xc0: {  	[dreg:$0x1] =	wrdreg $0xFFFFFFFF  }
0xc1: {  	_ =	task.clear_ibuf [dreg:s7], $0x2FFFF;
	_ =	strace $0x9FFFFFFF  }
0xc2: {  	(tm) =	ssettm $0x7FFFFFFF  }
0xc3: {  	_ =	shalt  }
tec
execute0_lowered:
.L_overlay_start_1:
0x0: {  	(tag) =	ssettag $0x1  }
0x1: {  	s5 =	rddreg [dreg:$0x0]  }
0x2: {  	s1 =	rddreg [dreg:$0x1]  }
0x3: {  	s0 =	rddreg [dreg:$0x2]  }
0x4: {  	s2 =	simm.s32 $0x0;
	s3 =	srdreg.scid;
	s9 =	simm.s32 $0xD00  }
0x5: {  	s10 =	simm.s32 $0x1000;
	s11 =	simm.s32 $0x1D00;
	s12 =	simm.s32 $0x1  }
0x6: {  	s13 =	simm.s32 $0x0;
	[smem:$0x7FF] =	sst s2;
	s6 =	sand.u32 $0x1, s3  }
0x7: {  	v0 =	vlaneseq.u32;
	s4 =	sadd.s32 $0xA00, s5;
	s3 =	stileid.u32;
	s7 =	ssub.s32 $0x2, s6  }
0x8: {  	s5 =	sadd.s32 $0x4F6A00, s5;
	v0 =	vmul.u32 $0x186C0, v0;
	_ =	strace $0x8000004A;
	s8 =	sshrl.u32 s7, $0x1  }
0x9: {  	s31 =	sshll.u32 s3, $0xA;
	s6 =	sshll.u32 s6, $0x9;
	s7 =	ssub.s32 s7, s8  }
0xa: {  	s6 =	sor.u32 s6, s31;
	v1 =	vadd.s32 $0xF4380, v0;
	s8 =	simm.s32 $0x2;
	s7 =	smax.u32 s7, $0x1  }
.LBB2_1:
0xb: {  	s14 =	simm.s32 $0x0  }
.LBB2_2:
0xc: {  	s15 =	sshll.u32 s14, $0x7  }
0xd: {  	s15 =	sadd.s32 s6, s15  }
0xe: {  	s16 =	sshll.u32 s15, $0x2  }
0xf: {  	s17 =	sadd.s32 s5, s16;
	s16 =	simm.s32 $0x0  }
0x10: {  	[tilespmem:s16], [sflag:$0x2] =	stream.linear.gather [hbm4b:s17+s16], $0x1000, $0x38;
	[tilespmem:$0xED00] =	vst v63  }
0x11: {  	_ =	swait.ge [sflag:s8], $0x1000  }
0x12: {  	[sflag:s8] =	ssyncset.done $0x0  }
0x13: {  	[sflag:s8] =	ssyncadd.s32 $0xFFFFF000  }
0x14: {  	v2 =	vld [tilespmem:s16+$0x0];
	_ =	sdelay $0x4  }
0x15: {  	s18 =	simm.s32 $0x0;
	v2 =	vadd.s32 v0, v2  }
0x16: {  	[tilespmem:s18+$0x1000] =	vst v2  }
0x17: {  	v2 =	vld [tilespmem:s16+$0xA];
	_ =	sdelay $0x4  }
0x18: {  	s17 =	simm.s32 $0x68;
	v2 =	vadd.s32 v1, v2  }
.LBB2_3:
0x19: {  	p0 =	sne.s32 s17, $0x3398  }
0x1a: {  	[tilespmem:s18+$0x100A] =	vst v2;
	s16 =	sadd.s32 $0x20, s16;
	s18 =	smov.u32 s17;
	s17 =	sadd.s32 $0x68, s17  }
0x1b: {  	v2 =	vld [tilespmem:s16+$0x0];
	_ =	sdelay $0x4  }
0x1c: {  	s18 =	sshra.s32 s18, $0x2;
	v2 =	vadd.s32 v0, v2  }
0x1d: {  	[tilespmem:s18+$0x1000] =	vst v2  }
0x1e: {  	v2 =	vld [tilespmem:s16+$0xA]  }
.Ltmp0:
0x1f: {  	(pc) =	sbr.rel @p0 .LBB2_3-.Ltmp0, $2  }
0x20: {  	_ =	sdelay $0x2  }
0x21: {  	v2 =	vadd.s32 v1, v2  }
0x22: {  	[tilespmem:s18+$0x100A] =	vst v2  }
0x23: {  	[tilespmem:s11], [sflag:$0x1] =	stream.indirect.gather [hbm4b:s4+s9], $0x10, s10, s9, $0xb8;
	[tilespmem:$0xED00] =	vst v63  }
0x24: {  	s15 =	smul.u32 $0x34, s15;
	s14 =	sadd.s32 $0x1, s14;
	_ =	swait.ge [sflag:s12], $0xD000  }
0x25: {  	p0 =	sne.s32 s14, $0x4;
	[sflag:s12] =	ssyncset.done $0x0  }
.Ltmp1:
0x26: {  	s15 =	sadd.s32 s1, s15;
	[sflag:s12] =	ssyncadd.s32 $0xFFFF3000;
	(pc) =	sbr.rel @p0 .LBB2_2-.Ltmp1, $4  }
0x27: {  	[hbm4b:s15+s2] =	stream.linear.scatter [tilespmem:s11], [sflag:$0x2], $0xD000, $0x38;
	[tilespmem:$0xED00] =	vst v63  }
0x28: {  	_ =	swait.ge [sflag:s8], $0xD000  }
0x29: {  	[sflag:s8] =	ssyncset.done $0x0  }
0x2a: {  	[sflag:s8] =	ssyncadd.s32 $0xFFFF3000  }
0x2b: {  	s13 =	sadd.s32 $0x1, s13  }
0x2c: {  	p0 =	sne.s32 s13, s7  }
.Ltmp2:
0x2d: {  	_ = 	snop;
	(pc) =	sbr.rel @p0 .LBB2_1-.Ltmp2, $1  }
0x2e: {  	_ =	sdelay $0x3  }
0x2f: {  	_ =	sfence.sel $0x180000  }
0x30: {  	[bflag:$0x0] =	sbarrier.arrive $0xFFFF  }
0x31: {  	p0 =	sne.s32 s3, $0x0;
	_ =	strace $0x9000004A  }
0x32: {  	s0 =	sadd.s32 @!p0 $0x100000, s0;
	[bflag:$0x2] =	sbarrier.arrive $0xFFFF  }
0x33: {  	[sflag:s0] =	ssyncadd.tile.s32 @!p0 $0x1;
	_ =	shalt  }
.Lfunc_end2:
_tile_overlayer_lowered:
.L_overlay_start_2:
0x34: {  	(tag) =	ssettag $0x2  }
0x35: {  	s0 =	rddreg [dreg:$0x0];
	s2 =	stileid.u32  }
0x36: {  	s1 =	rddreg [dreg:$0x1];
	p0 =	sne.s32 s2, $0x0  }
0x37: {  	s3 =	rddreg [dreg:$0x2];
	[bflag:$0x3] =	sbarrier.arrive $0xFFFF;
	s2 =	simm.s32 @!p0 $0x1C02  }
0x38: {  	[timem:s3], [sflag:s2] =	dma.local @!p0 [hbm:s0], s1  }
0x39: {  	s0 =	simm.s32 @!p0 $0x2  }
0x3a: {  	_ =	swait.ge @!p0 [sflag:s0], s1  }
0x3b: {  	s1 =	ssub.s32 @!p0 $0x0, s1;
	[sflag:s0] =	ssyncset.done @!p0 $0x0  }
0x3c: {  	[sflag:s0] =	ssyncadd.s32 @!p0 s1  }
0x3d: {  	[bflag:$0x3] =	sbarrier.arrive $0xFFFF  }
0x3e: {  	_ =	shalt  }

</sc_bundles>
